<compile_context>
chip_gen: v7x
topology: tpu7x:2x2x1
jax: 0.10.2.dev20260603
libtpu: 0.0.44.dev20260713+nightly
codegen_flags: <defaults>
</compile_context>

<pallas_src>
import functools

import jax
import jax.numpy as jnp
from jax import lax
from jax.experimental import pallas as pl
from jax.experimental.pallas import tpu as pltpu
from jax.experimental.pallas import tpu_sc as plsc

N = 10000
E = 320000
NFEAT = 128
NHID = 128
NCLASS = 10

BLK = 1000
NSUB = 16
K = 80
NPAD = 10240
RPS = NPAD // NSUB
NIB = 4

_MESH = plsc.VectorSubcoreMesh(core_axis_name="c", subcore_axis_name="s")


def _mm_in(x, W):

    def body(x_ref, w_ref, o_ref):
        o_ref[...] = jnp.dot(x_ref[...], w_ref[...],
                             preferred_element_type=jnp.float32)

    return pl.pallas_call(
        body,
        grid=(N // BLK,),
        in_specs=[
            pl.BlockSpec((BLK, x.shape[1]), lambda i: (i, 0)),
            pl.BlockSpec(W.shape, lambda i: (0, 0)),
        ],
        out_specs=pl.BlockSpec((BLK, W.shape[1]), lambda i: (i, 0)),
        out_shape=jax.ShapeDtypeStruct((N, W.shape[1]), jnp.float32),
    )(x, W)


def _relu_sum(part, b):
    F = part.shape[2]

    def body(p_ref, b_ref, o_ref):
        o_ref[...] = jnp.maximum(p_ref[0] + p_ref[1] + b_ref[...], 0.0)

    return pl.pallas_call(
        body,
        grid=(N // BLK,),
        in_specs=[
            pl.BlockSpec((2, BLK, F), lambda i: (0, i, 0)),
            pl.BlockSpec((1, F), lambda i: (0, 0)),
        ],
        out_specs=pl.BlockSpec((BLK, F), lambda i: (i, 0)),
        out_shape=jax.ShapeDtypeStruct((N, F), jnp.float32),
    )(part, b.reshape(1, F))


def _head(part, W2, b2, W3, b3, W4, b4):
    F = part.shape[2]
    F2 = W2.shape[1]
    nsteps = N // BLK

    def body(p_ref, w2_ref, b2_ref, w3_ref, b3_ref, w4_ref, b4_ref,
             o_ref, acc_ref):
        i = pl.program_id(0)

        @pl.when(i == 0)
        def _():
            acc_ref[...] = jnp.zeros_like(acc_ref)

        a = p_ref[0] + p_ref[1]
        h = jnp.dot(a, w2_ref[...], preferred_element_type=jnp.float32)
        h = jnp.maximum(h + b2_ref[...], 0.0)
        acc_ref[...] += jnp.sum(h, axis=0, keepdims=True)

        @pl.when(i == nsteps - 1)
        def _():
            g = jnp.maximum(acc_ref[...] / N, 0.0)
            g = jnp.maximum(
                jnp.dot(g, w3_ref[...], preferred_element_type=jnp.float32)
                + b3_ref[...], 0.0)
            logits = (jnp.dot(g, w4_ref[...], preferred_element_type=jnp.float32)
                      + b4_ref[...])
            m = jnp.max(logits)
            z = logits - m
            o_ref[...] = z - jnp.log(jnp.sum(jnp.exp(z)))

    return pl.pallas_call(
        body,
        grid=(nsteps,),
        in_specs=[
            pl.BlockSpec((2, BLK, F), lambda i: (0, i, 0)),
            pl.BlockSpec(W2.shape, lambda i: (0, 0)),
            pl.BlockSpec((1, F2), lambda i: (0, 0)),
            pl.BlockSpec(W3.shape, lambda i: (0, 0)),
            pl.BlockSpec((1, W3.shape[1]), lambda i: (0, 0)),
            pl.BlockSpec(W4.shape, lambda i: (0, 0)),
            pl.BlockSpec((1, NCLASS), lambda i: (0, 0)),
        ],
        out_specs=pl.BlockSpec((1, NCLASS), lambda i: (0, 0)),
        out_shape=jax.ShapeDtypeStruct((1, NCLASS), jnp.float32),
        scratch_shapes=[pltpu.VMEM((1, F2), jnp.float32)],
    )(part, W2, b2.reshape(1, F2), W3, b3.reshape(1, W3.shape[1]), W4,
      b4.reshape(1, NCLASS))


def _gather_scatter_loop(sup, ic, ibufs, isems, bufs, gsems, acc, nchunk):
    for j in range(NIB):
        pltpu.make_async_copy(ic.at[j], ibufs[j], isems[j]).start()
    for b in range(2):
        pltpu.make_async_copy(ic.at[b], ibufs[b], isems[b]).wait()
        pltpu.make_async_copy(sup.at[ibufs[b].at[0]], bufs[b], gsems[b]).start()

    def body(ch, u):
        b = u % 2
        pltpu.make_async_copy(sup.at[ibufs[u].at[0]], bufs[b], gsems[b]).wait()
        pltpu.sync_copy(bufs[b], acc.at[ibufs[u].at[1]], add=True)

        @pl.when(ch + NIB < nchunk)
        def _():
            pltpu.make_async_copy(ic.at[ch + NIB], ibufs[u], isems[u]).start()

        @pl.when(ch + 2 < nchunk)
        def _():
            u2 = (u + 2) % NIB
            pltpu.make_async_copy(ic.at[ch + 2], ibufs[u2], isems[u2]).wait()
            pltpu.make_async_copy(
                sup.at[ibufs[u2].at[0]], bufs[b], gsems[b]).start()

    nquad = (nchunk // NIB) * NIB

    @pl.loop(0, nquad, step=NIB)
    def _(i):
        for u in range(NIB):
            body(i + u, u)

    for ch in range(nquad, nchunk):
        u = ch % NIB
        b = u % 2
        pltpu.make_async_copy(sup.at[ibufs[u].at[0]], bufs[b], gsems[b]).wait()
        pltpu.sync_copy(bufs[b], acc.at[ibufs[u].at[1]], add=True)


def _zero_acc(buf, acc, row0):
    kk, ff = buf.shape

    @pl.loop(0, kk)
    def _(r):
        for j in range(ff // 16):
            buf[r, pl.ds(16 * j, 16)] = jnp.zeros((16,), jnp.float32)

    @pl.loop(0, RPS // kk)
    def _(t):
        pltpu.sync_copy(buf, acc.at[pl.ds(row0 + t * kk, kk)])


def _sc_agg(support, idx, nchunk):
    F = support.shape[1]

    @functools.partial(
        pl.kernel,
        out_type=jax.ShapeDtypeStruct((2, NPAD, F), jnp.float32),
        mesh=_MESH,
        scratch_types=[
            pltpu.VMEM((2, K), jnp.int32),
            pltpu.VMEM((2, K), jnp.int32),
            pltpu.VMEM((2, K), jnp.int32),
            pltpu.VMEM((2, K), jnp.int32),
            pltpu.VMEM((K, F), jnp.float32),
            pltpu.VMEM((K, F), jnp.float32),
            pltpu.VMEM_SHARED((NPAD, F), jnp.float32),
            pltpu.SemaphoreType.DMA,
            pltpu.SemaphoreType.DMA,
            pltpu.SemaphoreType.DMA,
            pltpu.SemaphoreType.DMA,
            pltpu.SemaphoreType.DMA,
            pltpu.SemaphoreType.DMA,
        ],
    )
    def k(sup_hbm, ic_hbm, out_hbm,
          ib0, ib1, ib2, ib3, bufa, bufb, acc,
          is0, is1, is2, is3, gsa, gsb):
        c = lax.axis_index("c")
        s = lax.axis_index("s")
        row0 = s * RPS
        _zero_acc(bufa, acc, row0)
        plsc.subcore_barrier()

        ic = ic_hbm.at[c].at[s]
        _gather_scatter_loop(sup_hbm, ic, (ib0, ib1, ib2, ib3),
                             (is0, is1, is2, is3), (bufa, bufb), (gsa, gsb),
                             acc, nchunk)

        plsc.subcore_barrier()
        pltpu.sync_copy(acc.at[pl.ds(row0, RPS)],
                        out_hbm.at[c].at[pl.ds(row0, RPS)])

    return k(support, idx)


def kernel(x, edge_index, W1, b1, W2, b2, W3, b3, W4, b4):
    src = edge_index[0].astype(jnp.int32)
    dst = edge_index[1].astype(jnp.int32)
    per = E // 2 // NSUB
    nch = per // K
    ic = jnp.stack([src.reshape(2, NSUB, nch, K),
                    dst.reshape(2, NSUB, nch, K)], axis=3)

    support1 = _mm_in(x, W1)
    part1 = _sc_agg(support1, ic, nch)
    h1 = _relu_sum(part1, b1)
    part2 = _sc_agg(h1, ic, nch)
    out = _head(part2, W2, b2, W3, b3, W4, b4)
    return out.reshape(NCLASS)

# --- scband reference (transcript-rebuilt; emitter-appended) ---
"""Pipeline reference for scband-gcn-55301998903731 (READ-ONLY COPY).

The authoritative reference and input builder live on the scoring server;
editing this copy changes nothing except your own understanding.
"""

import jax, jax.numpy as jnp
import numpy as np

N = 10000
E = 320000
NFEAT = 128
NHID = 128
NCLASS = 10


def setup_inputs(seed: int = 0) -> dict:
    key = jax.random.key(seed)
    ks = jax.random.split(key, 12)
    x = jax.random.normal(ks[0], (N, NFEAT), dtype=jnp.float32)
    edge_index = jax.random.randint(ks[1], (2, E), 0, N)
    # GraphConvolution weights (Kipf-style: support = x @ W; out = adj @ support + b)
    W1 = jax.random.normal(ks[2], (NFEAT, NHID), dtype=jnp.float32) * 0.05
    b1 = jnp.zeros((NHID,), dtype=jnp.float32)
    W2 = jax.random.normal(ks[3], (NHID, 2 * NHID), dtype=jnp.float32) * 0.05
    b2 = jnp.zeros((2 * NHID,), dtype=jnp.float32)
    # fc3 / fc4 dense layers
    W3 = jax.random.normal(ks[4], (2 * NHID, NHID), dtype=jnp.float32) * 0.05
    b3 = jnp.zeros((NHID,), dtype=jnp.float32)
    W4 = jax.random.normal(ks[5], (NHID, NCLASS), dtype=jnp.float32) * 0.05
    b4 = jnp.zeros((NCLASS,), dtype=jnp.float32)
    return {"x": x, "edge_index": edge_index, "W1": W1, "b1": b1,
            "W2": W2, "b2": b2, "W3": W3, "b3": b3, "W4": W4, "b4": b4}


def reference(x, edge_index, W1, b1, W2, b2, W3, b3, W4, b4):
    src = edge_index[0]
    dst = edge_index[1]

    def graph_conv(h, W, b):
        support = h @ W                      # dense transform
        gathered = jnp.take(support, src, axis=0)  # gather source-node features per edge
        out = jnp.zeros((h.shape[0], W.shape[1]), dtype=h.dtype).at[dst].add(gathered)  # scatter-add (adj @ support)
        return out + b

    h = jax.nn.relu(graph_conv(x, W1, b1))
    # dropout is identity in eval mode (training=False)
    h = jax.nn.relu(graph_conv(h, W2, b2))
    g = jax.nn.relu(jnp.mean(h, axis=0))    # GraphPooling: mean over nodes -> graph embedding
    g = jax.nn.relu(g @ W3 + b3)
    logits = g @ W4 + b4
    return jax.nn.log_softmax(logits, axis=0)

if __name__ == "__main__":
    import jax
    _d = setup_inputs()
    print(jax.jit(kernel)(*tuple(_d.values())))

</pallas_src>

<mosaic_0001>
#map = affine_map<(d0, d1) -> (0, 0)>
#map1 = affine_map<(d0, d1) -> (0, 0, 0, 0, 0)>
#map2 = affine_map<(d0, d1) -> (0, 0, 0)>
module attributes {stable_mosaic.version = 14 : i64} {
  func.func @k(%arg0: i32, %arg1: i32, %arg2: memref<10000x128xf32, #tpu.memory_space<hbm>>, %arg3: memref<2x16x125x2x80xi32, #tpu.memory_space<hbm>>, %arg4: memref<2x10240x128xf32, #tpu.memory_space<hbm>>, %arg5: memref<2x80xi32, #tpu.memory_space<vmem>>, %arg6: memref<2x80xi32, #tpu.memory_space<vmem>>, %arg7: memref<2x80xi32, #tpu.memory_space<vmem>>, %arg8: memref<2x80xi32, #tpu.memory_space<vmem>>, %arg9: memref<80x128xf32, #tpu.memory_space<vmem>>, %arg10: memref<80x128xf32, #tpu.memory_space<vmem>>, %arg11: memref<10240x128xf32, #tpu.memory_space<vmem_shared>>, %arg12: memref<!tpu.dma_semaphore, #tpu.memory_space<semaphore_mem>>, %arg13: memref<!tpu.dma_semaphore, #tpu.memory_space<semaphore_mem>>, %arg14: memref<!tpu.dma_semaphore, #tpu.memory_space<semaphore_mem>>, %arg15: memref<!tpu.dma_semaphore, #tpu.memory_space<semaphore_mem>>, %arg16: memref<!tpu.dma_semaphore, #tpu.memory_space<semaphore_mem>>, %arg17: memref<!tpu.dma_semaphore, #tpu.memory_space<semaphore_mem>>) attributes {dimension_semantics = [#tpu.dimension_semantics<core_parallel>, #tpu.dimension_semantics<subcore_parallel>], iteration_bounds = array<i64: 2, 16>, scalar_prefetch = 0 : i64, scratch_operands = 13 : i64, tpu.core_type = #tpu.core_type<sc_vector_subcore>, window_params = [{transform_indices = #map}, {transform_indices = #map1}, {transform_indices = #map2}]} {
    %mul3A = arith.constant 640 : i32
    %mul3A_0 = arith.muli %arg1, %mul3A : i32
    %scan3A = arith.constant 0 : i32
    %scan3A_1 = arith.constant 80 : i32
    %scan3A_2 = arith.addi %scan3A, %scan3A_1 : i32
    %scan3A_3 = arith.constant 1 : i32
    scf.for %scan3A_221 = %scan3A to %scan3A_2 step %scan3A_3  : i32 {
      %mul3A_222 = arith.constant 1 : i32
      %mul3A_223 = arith.muli %scan3A_221, %mul3A_222 : i32
      %add3A = arith.constant 0 : i32
      %add3A_224 = arith.addi %add3A, %mul3A_223 : i32
      %broadcast_in_dim3A = arith.constant 0.000000e+00 : f32
      %broadcast_in_dim3A_225 = vector.broadcast %broadcast_in_dim3A : f32 to vector<16xf32>
      %swap3A = arith.index_cast %add3A_224 : i32 to index
      %swap3A_226 = arith.constant 0 : index
      %swap3A_227 = tpu.vector_load %arg9[%swap3A, %swap3A_226] {strides = array<i32>} : memref<80x128xf32, #tpu.memory_space<vmem>>, vector<1x16xf32>,
      %swap3A_228 = vector.shape_cast %swap3A_227 : vector<1x16xf32> to vector<16xf32>
      %swap3A_229 = vector.shape_cast %broadcast_in_dim3A_225 : vector<16xf32> to vector<1x16xf32>
      tpu.vector_store %arg9[%swap3A, %swap3A_226], %swap3A_229 {strides = array<i32>} : memref<80x128xf32, #tpu.memory_space<vmem>>, vector<1x16xf32>,
      %broadcast_in_dim3A_230 = arith.constant 0.000000e+00 : f32
      %broadcast_in_dim3A_231 = vector.broadcast %broadcast_in_dim3A_230 : f32 to vector<16xf32>
      %swap3A_232 = arith.index_cast %add3A_224 : i32 to index
      %swap3A_233 = arith.constant 16 : index
      %swap3A_234 = tpu.vector_load %arg9[%swap3A_232, %swap3A_233] {strides = array<i32>} : memref<80x128xf32, #tpu.memory_space<vmem>>, vector<1x16xf32>,
      %swap3A_235 = vector.shape_cast %swap3A_234 : vector<1x16xf32> to vector<16xf32>
      %swap3A_236 = vector.shape_cast %broadcast_in_dim3A_231 : vector<16xf32> to vector<1x16xf32>
      tpu.vector_store %arg9[%swap3A_232, %swap3A_233], %swap3A_236 {strides = array<i32>} : memref<80x128xf32, #tpu.memory_space<vmem>>, vector<1x16xf32>,
      %broadcast_in_dim3A_237 = arith.constant 0.000000e+00 : f32
      %broadcast_in_dim3A_238 = vector.broadcast %broadcast_in_dim3A_237 : f32 to vector<16xf32>
      %swap3A_239 = arith.index_cast %add3A_224 : i32 to index
      %swap3A_240 = arith.constant 32 : index
      %swap3A_241 = tpu.vector_load %arg9[%swap3A_239, %swap3A_240] {strides = array<i32>} : memref<80x128xf32, #tpu.memory_space<vmem>>, vector<1x16xf32>,
      %swap3A_242 = vector.shape_cast %swap3A_241 : vector<1x16xf32> to vector<16xf32>
      %swap3A_243 = vector.shape_cast %broadcast_in_dim3A_238 : vector<16xf32> to vector<1x16xf32>
      tpu.vector_store %arg9[%swap3A_239, %swap3A_240], %swap3A_243 {strides = array<i32>} : memref<80x128xf32, #tpu.memory_space<vmem>>, vector<1x16xf32>,
      %broadcast_in_dim3A_244 = arith.constant 0.000000e+00 : f32
      %broadcast_in_dim3A_245 = vector.broadcast %broadcast_in_dim3A_244 : f32 to vector<16xf32>
      %swap3A_246 = arith.index_cast %add3A_224 : i32 to index
      %swap3A_247 = arith.constant 48 : index
      %swap3A_248 = tpu.vector_load %arg9[%swap3A_246, %swap3A_247] {strides = array<i32>} : memref<80x128xf32, #tpu.memory_space<vmem>>, vector<1x16xf32>,
      %swap3A_249 = vector.shape_cast %swap3A_248 : vector<1x16xf32> to vector<16xf32>
      %swap3A_250 = vector.shape_cast %broadcast_in_dim3A_245 : vector<16xf32> to vector<1x16xf32>
      tpu.vector_store %arg9[%swap3A_246, %swap3A_247], %swap3A_250 {strides = array<i32>} : memref<80x128xf32, #tpu.memory_space<vmem>>, vector<1x16xf32>,
      %broadcast_in_dim3A_251 = arith.constant 0.000000e+00 : f32
      %broadcast_in_dim3A_252 = vector.broadcast %broadcast_in_dim3A_251 : f32 to vector<16xf32>
      %swap3A_253 = arith.index_cast %add3A_224 : i32 to index
      %swap3A_254 = arith.constant 64 : index
      %swap3A_255 = tpu.vector_load %arg9[%swap3A_253, %swap3A_254] {strides = array<i32>} : memref<80x128xf32, #tpu.memory_space<vmem>>, vector<1x16xf32>,
      %swap3A_256 = vector.shape_cast %swap3A_255 : vector<1x16xf32> to vector<16xf32>
      %swap3A_257 = vector.shape_cast %broadcast_in_dim3A_252 : vector<16xf32> to vector<1x16xf32>
      tpu.vector_store %arg9[%swap3A_253, %swap3A_254], %swap3A_257 {strides = array<i32>} : memref<80x128xf32, #tpu.memory_space<vmem>>, vector<1x16xf32>,
      %broadcast_in_dim3A_258 = arith.constant 0.000000e+00 : f32
      %broadcast_in_dim3A_259 = vector.broadcast %broadcast_in_dim3A_258 : f32 to vector<16xf32>
      %swap3A_260 = arith.index_cast %add3A_224 : i32 to index
      %swap3A_261 = arith.constant 80 : index
      %swap3A_262 = tpu.vector_load %arg9[%swap3A_260, %swap3A_261] {strides = array<i32>} : memref<80x128xf32, #tpu.memory_space<vmem>>, vector<1x16xf32>,
      %swap3A_263 = vector.shape_cast %swap3A_262 : vector<1x16xf32> to vector<16xf32>
      %swap3A_264 = vector.shape_cast %broadcast_in_dim3A_259 : vector<16xf32> to vector<1x16xf32>
      tpu.vector_store %arg9[%swap3A_260, %swap3A_261], %swap3A_264 {strides = array<i32>} : memref<80x128xf32, #tpu.memory_space<vmem>>, vector<1x16xf32>,
      %broadcast_in_dim3A_265 = arith.constant 0.000000e+00 : f32
      %broadcast_in_dim3A_266 = vector.broadcast %broadcast_in_dim3A_265 : f32 to vector<16xf32>
      %swap3A_267 = arith.index_cast %add3A_224 : i32 to index
      %swap3A_268 = arith.constant 96 : index
      %swap3A_269 = tpu.vector_load %arg9[%swap3A_267, %swap3A_268] {strides = array<i32>} : memref<80x128xf32, #tpu.memory_space<vmem>>, vector<1x16xf32>,
      %swap3A_270 = vector.shape_cast %swap3A_269 : vector<1x16xf32> to vector<16xf32>
      %swap3A_271 = vector.shape_cast %broadcast_in_dim3A_266 : vector<16xf32> to vector<1x16xf32>
      tpu.vector_store %arg9[%swap3A_267, %swap3A_268], %swap3A_271 {strides = array<i32>} : memref<80x128xf32, #tpu.memory_space<vmem>>, vector<1x16xf32>,
      %broadcast_in_dim3A_272 = arith.constant 0.000000e+00 : f32
      %broadcast_in_dim3A_273 = vector.broadcast %broadcast_in_dim3A_272 : f32 to vector<16xf32>
      %swap3A_274 = arith.index_cast %add3A_224 : i32 to index
      %swap3A_275 = arith.constant 112 : index
      %swap3A_276 = tpu.vector_load %arg9[%swap3A_274, %swap3A_275] {strides = array<i32>} : memref<80x128xf32, #tpu.memory_space<vmem>>, vector<1x16xf32>,
      %swap3A_277 = vector.shape_cast %swap3A_276 : vector<1x16xf32> to vector<16xf32>
      %swap3A_278 = vector.shape_cast %broadcast_in_dim3A_273 : vector<16xf32> to vector<1x16xf32>
      tpu.vector_store %arg9[%swap3A_274, %swap3A_275], %swap3A_278 {strides = array<i32>} : memref<80x128xf32, #tpu.memory_space<vmem>>, vector<1x16xf32>,
    }
    %scan3A_4 = arith.constant 80 : i32
    %scan3A_5 = arith.constant 0 : i32
    %scan3A_6 = arith.constant 8 : i32
    %scan3A_7 = arith.addi %scan3A_5, %scan3A_6 : i32
    %scan3A_8 = arith.constant 1 : i32
    scf.for %scan3A_221 = %scan3A_5 to %scan3A_7 step %scan3A_8  : i32 {
      %mul3A_222 = arith.constant 1 : i32
      %mul3A_223 = arith.muli %scan3A_221, %mul3A_222 : i32
      %add3A = arith.constant 0 : i32
      %add3A_224 = arith.addi %add3A, %mul3A_223 : i32
      %mul3A_225 = arith.constant 80 : i32
      %mul3A_226 = arith.muli %add3A_224, %mul3A_225 : i32
      %add3A_227 = arith.addi %mul3A_0, %mul3A_226 : i32
      "tpu.region"() ({
        %run_scoped3A_228 = tpu.sem_alloc : memref<!tpu.dma_semaphore, #tpu.memory_space<semaphore_mem>>
        %dma_start3A_229 = arith.constant 0 : i32
        %dma_start3A_230 = tpu.memref_slice %arg11[%add3A_227, %dma_start3A_229] : memref<10240x128xf32, #tpu.memory_space<vmem_shared>> -> memref<80x128xf32, #tpu.memory_space<vmem_shared>>
        %dma_start3A_231 = arith.constant 0 : i32
        %dma_start3A_232 = tpu.memref_slice %arg11[%add3A_227, %dma_start3A_231] : memref<10240x128xf32, #tpu.memory_space<vmem_shared>> -> memref<80x128xf32, #tpu.memory_space<vmem_shared>>
        tpu.enqueue_dma source(%arg9 : memref<80x128xf32, #tpu.memory_space<vmem>>) target(%dma_start3A_232 : memref<80x128xf32, #tpu.memory_space<vmem_shared>>) target_semaphore(%run_scoped3A_228 : memref<!tpu.dma_semaphore, #tpu.memory_space<semaphore_mem>>)
        %dma_wait3A_233 = arith.constant 0 : i32
        %dma_wait3A_234 = tpu.memref_slice %arg11[%add3A_227, %dma_wait3A_233] : memref<10240x128xf32, #tpu.memory_space<vmem_shared>> -> memref<80x128xf32, #tpu.memory_space<vmem_shared>>
        %dma_wait3A_235 = arith.constant 0 : i32
        %dma_wait3A_236 = tpu.memref_slice %arg11[%add3A_227, %dma_wait3A_235] : memref<10240x128xf32, #tpu.memory_space<vmem_shared>> -> memref<80x128xf32, #tpu.memory_space<vmem_shared>>
        tpu.wait_dma2 semaphore(%run_scoped3A_228 : memref<!tpu.dma_semaphore, #tpu.memory_space<semaphore_mem>>) src(%arg9 : memref<80x128xf32, #tpu.memory_space<vmem>>) dst(%dma_wait3A_236 : memref<80x128xf32, #tpu.memory_space<vmem_shared>>)
        tpu.yield
      }) : () -> ()
    }
    %scan3A_9 = arith.constant 8 : i32
    %barrier3A = arith.constant 0 : index
    tpu.barrier barrier_id(%barrier3A)
    %dma_start3A = arith.constant 0 : i32
    %dma_start3A_10 = arith.constant 0 : i32
    %dma_start3A_11 = arith.constant 0 : i32
    %dma_start3A_12 = arith.constant 0 : i32
    %dma_start3A_13 = arith.constant 0 : i32
    %dma_start3A_14 = tpu.memref_slice %arg3[%arg0, %dma_start3A_10, %dma_start3A_11, %dma_start3A_12, %dma_start3A_13] : memref<2x16x125x2x80xi32, #tpu.memory_space<hbm>> -> memref<1x16x125x2x80xi32, #tpu.memory_space<hbm>>
    %dma_start3A_15 = tpu.memref_squeeze %dma_start3A_14 : memref<1x16x125x2x80xi32, #tpu.memory_space<hbm>> -> memref<16x125x2x80xi32, #tpu.memory_space<hbm>>
    %dma_start3A_16 = arith.constant 0 : i32
    %dma_start3A_17 = arith.constant 0 : i32
    %dma_start3A_18 = arith.constant 0 : i32
    %dma_start3A_19 = tpu.memref_slice %dma_start3A_15[%arg1, %dma_start3A_16, %dma_start3A_17, %dma_start3A_18] : memref<16x125x2x80xi32, #tpu.memory_space<hbm>> -> memref<1x125x2x80xi32, #tpu.memory_space<hbm>>
    %dma_start3A_20 = tpu.memref_squeeze %dma_start3A_19 : memref<1x125x2x80xi32, #tpu.memory_space<hbm>> -> memref<125x2x80xi32, #tpu.memory_space<hbm>>
    %dma_start3A_21 = arith.constant 0 : i32
    %dma_start3A_22 = arith.constant 0 : i32
    %dma_start3A_23 = tpu.memref_slice %dma_start3A_20[%dma_start3A, %dma_start3A_21, %dma_start3A_22] : memref<125x2x80xi32, #tpu.memory_space<hbm>> -> memref<1x2x80xi32, #tpu.memory_space<hbm>>
    %dma_start3A_24 = tpu.memref_squeeze %dma_start3A_23 : memref<1x2x80xi32, #tpu.memory_space<hbm>> -> memref<2x80xi32, #tpu.memory_space<hbm>>
    %dma_start3A_25 = arith.constant 0 : i32
    %dma_start3A_26 = arith.constant 0 : i32
    %dma_start3A_27 = arith.constant 0 : i32
    %dma_start3A_28 = arith.constant 0 : i32
    %dma_start3A_29 = tpu.memref_slice %arg3[%arg0, %dma_start3A_25, %dma_start3A_26, %dma_start3A_27, %dma_start3A_28] : memref<2x16x125x2x80xi32, #tpu.memory_space<hbm>> -> memref<1x16x125x2x80xi32, #tpu.memory_space<hbm>>
    %dma_start3A_30 = tpu.memref_squeeze %dma_start3A_29 : memref<1x16x125x2x80xi32, #tpu.memory_space<hbm>> -> memref<16x125x2x80xi32, #tpu.memory_space<hbm>>
    %dma_start3A_31 = arith.constant 0 : i32
    %dma_start3A_32 = arith.constant 0 : i32
    %dma_start3A_33 = arith.constant 0 : i32
    %dma_start3A_34 = tpu.memref_slice %dma_start3A_30[%arg1, %dma_start3A_31, %dma_start3A_32, %dma_start3A_33] : memref<16x125x2x80xi32, #tpu.memory_space<hbm>> -> memref<1x125x2x80xi32, #tpu.memory_space<hbm>>
    %dma_start3A_35 = tpu.memref_squeeze %dma_start3A_34 : memref<1x125x2x80xi32, #tpu.memory_space<hbm>> -> memref<125x2x80xi32, #tpu.memory_space<hbm>>
    %dma_start3A_36 = arith.constant 0 : i32
    %dma_start3A_37 = arith.constant 0 : i32
    %dma_start3A_38 = tpu.memref_slice %dma_start3A_35[%dma_start3A, %dma_start3A_36, %dma_start3A_37] : memref<125x2x80xi32, #tpu.memory_space<hbm>> -> memref<1x2x80xi32, #tpu.memory_space<hbm>>
    %dma_start3A_39 = tpu.memref_squeeze %dma_start3A_38 : memref<1x2x80xi32, #tpu.memory_space<hbm>> -> memref<2x80xi32, #tpu.memory_space<hbm>>
    tpu.enqueue_dma source(%dma_start3A_39 : memref<2x80xi32, #tpu.memory_space<hbm>>) target(%arg5 : memref<2x80xi32, #tpu.memory_space<vmem>>) target_semaphore(%arg12 : memref<!tpu.dma_semaphore, #tpu.memory_space<semaphore_mem>>)
    %dma_start3A_40 = arith.constant 1 : i32
    %dma_start3A_41 = arith.constant 0 : i32
    %dma_start3A_42 = arith.constant 0 : i32
    %dma_start3A_43 = arith.constant 0 : i32
    %dma_start3A_44 = arith.constant 0 : i32
    %dma_start3A_45 = tpu.memref_slice %arg3[%arg0, %dma_start3A_41, %dma_start3A_42, %dma_start3A_43, %dma_start3A_44] : memref<2x16x125x2x80xi32, #tpu.memory_space<hbm>> -> memref<1x16x125x2x80xi32, #tpu.memory_space<hbm>>
    %dma_start3A_46 = tpu.memref_squeeze %dma_start3A_45 : memref<1x16x125x2x80xi32, #tpu.memory_space<hbm>> -> memref<16x125x2x80xi32, #tpu.memory_space<hbm>>
    %dma_start3A_47 = arith.constant 0 : i32
    %dma_start3A_48 = arith.constant 0 : i32
    %dma_start3A_49 = arith.constant 0 : i32
    %dma_start3A_50 = tpu.memref_slice %dma_start3A_46[%arg1, %dma_start3A_47, %dma_start3A_48, %dma_start3A_49] : memref<16x125x2x80xi32, #tpu.memory_space<hbm>> -> memref<1x125x2x80xi32, #tpu.memory_space<hbm>>
    %dma_start3A_51 = tpu.memref_squeeze %dma_start3A_50 : memref<1x125x2x80xi32, #tpu.memory_space<hbm>> -> memref<125x2x80xi32, #tpu.memory_space<hbm>>
    %dma_start3A_52 = arith.constant 0 : i32
    %dma_start3A_53 = arith.constant 0 : i32
    %dma_start3A_54 = tpu.memref_slice %dma_start3A_51[%dma_start3A_40, %dma_start3A_52, %dma_start3A_53] : memref<125x2x80xi32, #tpu.memory_space<hbm>> -> memref<1x2x80xi32, #tpu.memory_space<hbm>>
    %dma_start3A_55 = tpu.memref_squeeze %dma_start3A_54 : memref<1x2x80xi32, #tpu.memory_space<hbm>> -> memref<2x80xi32, #tpu.memory_space<hbm>>
    %dma_start3A_56 = arith.constant 0 : i32
    %dma_start3A_57 = arith.constant 0 : i32
    %dma_start3A_58 = arith.constant 0 : i32
    %dma_start3A_59 = arith.constant 0 : i32
    %dma_start3A_60 = tpu.memref_slice %arg3[%arg0, %dma_start3A_56, %dma_start3A_57, %dma_start3A_58, %dma_start3A_59] : memref<2x16x125x2x80xi32, #tpu.memory_space<hbm>> -> memref<1x16x125x2x80xi32, #tpu.memory_space<hbm>>
    %dma_start3A_61 = tpu.memref_squeeze %dma_start3A_60 : memref<1x16x125x2x80xi32, #tpu.memory_space<hbm>> -> memref<16x125x2x80xi32, #tpu.memory_space<hbm>>
    %dma_start3A_62 = arith.constant 0 : i32
    %dma_start3A_63 = arith.constant 0 : i32
    %dma_start3A_64 = arith.constant 0 : i32
    %dma_start3A_65 = tpu.memref_slice %dma_start3A_61[%arg1, %dma_start3A_62, %dma_start3A_63, %dma_start3A_64] : memref<16x125x2x80xi32, #tpu.memory_space<hbm>> -> memref<1x125x2x80xi32, #tpu.memory_space<hbm>>
    %dma_start3A_66 = tpu.memref_squeeze %dma_start3A_65 : memref<1x125x2x80xi32, #tpu.memory_space<hbm>> -> memref<125x2x80xi32, #tpu.memory_space<hbm>>
    %dma_start3A_67 = arith.constant 0 : i32
    %dma_start3A_68 = arith.constant 0 : i32
    %dma_start3A_69 = tpu.memref_slice %dma_start3A_66[%dma_start3A_40, %dma_start3A_67, %dma_start3A_68] : memref<125x2x80xi32, #tpu.memory_space<hbm>> -> memref<1x2x80xi32, #tpu.memory_space<hbm>>
    %dma_start3A_70 = tpu.memref_squeeze %dma_start3A_69 : memref<1x2x80xi32, #tpu.memory_space<hbm>> -> memref<2x80xi32, #tpu.memory_space<hbm>>
    tpu.enqueue_dma source(%dma_start3A_70 : memref<2x80xi32, #tpu.memory_space<hbm>>) target(%arg6 : memref<2x80xi32, #tpu.memory_space<vmem>>) target_semaphore(%arg13 : memref<!tpu.dma_semaphore, #tpu.memory_space<semaphore_mem>>)
    %dma_start3A_71 = arith.constant 2 : i32
    %dma_start3A_72 = arith.constant 0 : i32
    %dma_start3A_73 = arith.constant 0 : i32
    %dma_start3A_74 = arith.constant 0 : i32
    %dma_start3A_75 = arith.constant 0 : i32
    %dma_start3A_76 = tpu.memref_slice %arg3[%arg0, %dma_start3A_72, %dma_start3A_73, %dma_start3A_74, %dma_start3A_75] : memref<2x16x125x2x80xi32, #tpu.memory_space<hbm>> -> memref<1x16x125x2x80xi32, #tpu.memory_space<hbm>>
    %dma_start3A_77 = tpu.memref_squeeze %dma_start3A_76 : memref<1x16x125x2x80xi32, #tpu.memory_space<hbm>> -> memref<16x125x2x80xi32, #tpu.memory_space<hbm>>
    %dma_start3A_78 = arith.constant 0 : i32
    %dma_start3A_79 = arith.constant 0 : i32
    %dma_start3A_80 = arith.constant 0 : i32
    %dma_start3A_81 = tpu.memref_slice %dma_start3A_77[%arg1, %dma_start3A_78, %dma_start3A_79, %dma_start3A_80] : memref<16x125x2x80xi32, #tpu.memory_space<hbm>> -> memref<1x125x2x80xi32, #tpu.memory_space<hbm>>
    %dma_start3A_82 = tpu.memref_squeeze %dma_start3A_81 : memref<1x125x2x80xi32, #tpu.memory_space<hbm>> -> memref<125x2x80xi32, #tpu.memory_space<hbm>>
    %dma_start3A_83 = arith.constant 0 : i32
    %dma_start3A_84 = arith.constant 0 : i32
    %dma_start3A_85 = tpu.memref_slice %dma_start3A_82[%dma_start3A_71, %dma_start3A_83, %dma_start3A_84] : memref<125x2x80xi32, #tpu.memory_space<hbm>> -> memref<1x2x80xi32, #tpu.memory_space<hbm>>
    %dma_start3A_86 = tpu.memref_squeeze %dma_start3A_85 : memref<1x2x80xi32, #tpu.memory_space<hbm>> -> memref<2x80xi32, #tpu.memory_space<hbm>>
    %dma_start3A_87 = arith.constant 0 : i32
    %dma_start3A_88 = arith.constant 0 : i32
    %dma_start3A_89 = arith.constant 0 : i32
    %dma_start3A_90 = arith.constant 0 : i32
    %dma_start3A_91 = tpu.memref_slice %arg3[%arg0, %dma_start3A_87, %dma_start3A_88, %dma_start3A_89, %dma_start3A_90] : memref<2x16x125x2x80xi32, #tpu.memory_space<hbm>> -> memref<1x16x125x2x80xi32, #tpu.memory_space<hbm>>
    %dma_start3A_92 = tpu.memref_squeeze %dma_start3A_91 : memref<1x16x125x2x80xi32, #tpu.memory_space<hbm>> -> memref<16x125x2x80xi32, #tpu.memory_space<hbm>>
    %dma_start3A_93 = arith.constant 0 : i32
    %dma_start3A_94 = arith.constant 0 : i32
    %dma_start3A_95 = arith.constant 0 : i32
    %dma_start3A_96 = tpu.memref_slice %dma_start3A_92[%arg1, %dma_start3A_93, %dma_start3A_94, %dma_start3A_95] : memref<16x125x2x80xi32, #tpu.memory_space<hbm>> -> memref<1x125x2x80xi32, #tpu.memory_space<hbm>>
    %dma_start3A_97 = tpu.memref_squeeze %dma_start3A_96 : memref<1x125x2x80xi32, #tpu.memory_space<hbm>> -> memref<125x2x80xi32, #tpu.memory_space<hbm>>
    %dma_start3A_98 = arith.constant 0 : i32
    %dma_start3A_99 = arith.constant 0 : i32
    %dma_start3A_100 = tpu.memref_slice %dma_start3A_97[%dma_start3A_71, %dma_start3A_98, %dma_start3A_99] : memref<125x2x80xi32, #tpu.memory_space<hbm>> -> memref<1x2x80xi32, #tpu.memory_space<hbm>>
    %dma_start3A_101 = tpu.memref_squeeze %dma_start3A_100 : memref<1x2x80xi32, #tpu.memory_space<hbm>> -> memref<2x80xi32, #tpu.memory_space<hbm>>
    tpu.enqueue_dma source(%dma_start3A_101 : memref<2x80xi32, #tpu.memory_space<hbm>>) target(%arg7 : memref<2x80xi32, #tpu.memory_space<vmem>>) target_semaphore(%arg14 : memref<!tpu.dma_semaphore, #tpu.memory_space<semaphore_mem>>)
    %dma_start3A_102 = arith.constant 3 : i32
    %dma_start3A_103 = arith.constant 0 : i32
    %dma_start3A_104 = arith.constant 0 : i32
    %dma_start3A_105 = arith.constant 0 : i32
    %dma_start3A_106 = arith.constant 0 : i32
    %dma_start3A_107 = tpu.memref_slice %arg3[%arg0, %dma_start3A_103, %dma_start3A_104, %dma_start3A_105, %dma_start3A_106] : memref<2x16x125x2x80xi32, #tpu.memory_space<hbm>> -> memref<1x16x125x2x80xi32, #tpu.memory_space<hbm>>
    %dma_start3A_108 = tpu.memref_squeeze %dma_start3A_107 : memref<1x16x125x2x80xi32, #tpu.memory_space<hbm>> -> memref<16x125x2x80xi32, #tpu.memory_space<hbm>>
    %dma_start3A_109 = arith.constant 0 : i32
    %dma_start3A_110 = arith.constant 0 : i32
    %dma_start3A_111 = arith.constant 0 : i32
    %dma_start3A_112 = tpu.memref_slice %dma_start3A_108[%arg1, %dma_start3A_109, %dma_start3A_110, %dma_start3A_111] : memref<16x125x2x80xi32, #tpu.memory_space<hbm>> -> memref<1x125x2x80xi32, #tpu.memory_space<hbm>>
    %dma_start3A_113 = tpu.memref_squeeze %dma_start3A_112 : memref<1x125x2x80xi32, #tpu.memory_space<hbm>> -> memref<125x2x80xi32, #tpu.memory_space<hbm>>
    %dma_start3A_114 = arith.constant 0 : i32
    %dma_start3A_115 = arith.constant 0 : i32
    %dma_start3A_116 = tpu.memref_slice %dma_start3A_113[%dma_start3A_102, %dma_start3A_114, %dma_start3A_115] : memref<125x2x80xi32, #tpu.memory_space<hbm>> -> memref<1x2x80xi32, #tpu.memory_space<hbm>>
    %dma_start3A_117 = tpu.memref_squeeze %dma_start3A_116 : memref<1x2x80xi32, #tpu.memory_space<hbm>> -> memref<2x80xi32, #tpu.memory_space<hbm>>
    %dma_start3A_118 = arith.constant 0 : i32
    %dma_start3A_119 = arith.constant 0 : i32
    %dma_start3A_120 = arith.constant 0 : i32
    %dma_start3A_121 = arith.constant 0 : i32
    %dma_start3A_122 = tpu.memref_slice %arg3[%arg0, %dma_start3A_118, %dma_start3A_119, %dma_start3A_120, %dma_start3A_121] : memref<2x16x125x2x80xi32, #tpu.memory_space<hbm>> -> memref<1x16x125x2x80xi32, #tpu.memory_space<hbm>>
    %dma_start3A_123 = tpu.memref_squeeze %dma_start3A_122 : memref<1x16x125x2x80xi32, #tpu.memory_space<hbm>> -> memref<16x125x2x80xi32, #tpu.memory_space<hbm>>
    %dma_start3A_124 = arith.constant 0 : i32
    %dma_start3A_125 = arith.constant 0 : i32
    %dma_start3A_126 = arith.constant 0 : i32
    %dma_start3A_127 = tpu.memref_slice %dma_start3A_123[%arg1, %dma_start3A_124, %dma_start3A_125, %dma_start3A_126] : memref<16x125x2x80xi32, #tpu.memory_space<hbm>> -> memref<1x125x2x80xi32, #tpu.memory_space<hbm>>
    %dma_start3A_128 = tpu.memref_squeeze %dma_start3A_127 : memref<1x125x2x80xi32, #tpu.memory_space<hbm>> -> memref<125x2x80xi32, #tpu.memory_space<hbm>>
    %dma_start3A_129 = arith.constant 0 : i32
    %dma_start3A_130 = arith.constant 0 : i32
    %dma_start3A_131 = tpu.memref_slice %dma_start3A_128[%dma_start3A_102, %dma_start3A_129, %dma_start3A_130] : memref<125x2x80xi32, #tpu.memory_space<hbm>> -> memref<1x2x80xi32, #tpu.memory_space<hbm>>
    %dma_start3A_132 = tpu.memref_squeeze %dma_start3A_131 : memref<1x2x80xi32, #tpu.memory_space<hbm>> -> memref<2x80xi32, #tpu.memory_space<hbm>>
    tpu.enqueue_dma source(%dma_start3A_132 : memref<2x80xi32, #tpu.memory_space<hbm>>) target(%arg8 : memref<2x80xi32, #tpu.memory_space<vmem>>) target_semaphore(%arg15 : memref<!tpu.dma_semaphore, #tpu.memory_space<semaphore_mem>>)
    %dma_wait3A = arith.constant 0 : i32
    %dma_wait3A_133 = arith.constant 0 : i32
    %dma_wait3A_134 = arith.constant 0 : i32
    %dma_wait3A_135 = arith.constant 0 : i32
    %dma_wait3A_136 = arith.constant 0 : i32
    %dma_wait3A_137 = tpu.memref_slice %arg3[%arg0, %dma_wait3A_133, %dma_wait3A_134, %dma_wait3A_135, %dma_wait3A_136] : memref<2x16x125x2x80xi32, #tpu.memory_space<hbm>> -> memref<1x16x125x2x80xi32, #tpu.memory_space<hbm>>
    %dma_wait3A_138 = tpu.memref_squeeze %dma_wait3A_137 : memref<1x16x125x2x80xi32, #tpu.memory_space<hbm>> -> memref<16x125x2x80xi32, #tpu.memory_space<hbm>>
    %dma_wait3A_139 = arith.constant 0 : i32
    %dma_wait3A_140 = arith.constant 0 : i32
    %dma_wait3A_141 = arith.constant 0 : i32
    %dma_wait3A_142 = tpu.memref_slice %dma_wait3A_138[%arg1, %dma_wait3A_139, %dma_wait3A_140, %dma_wait3A_141] : memref<16x125x2x80xi32, #tpu.memory_space<hbm>> -> memref<1x125x2x80xi32, #tpu.memory_space<hbm>>
    %dma_wait3A_143 = tpu.memref_squeeze %dma_wait3A_142 : memref<1x125x2x80xi32, #tpu.memory_space<hbm>> -> memref<125x2x80xi32, #tpu.memory_space<hbm>>
    %dma_wait3A_144 = arith.constant 0 : i32
    %dma_wait3A_145 = arith.constant 0 : i32
    %dma_wait3A_146 = tpu.memref_slice %dma_wait3A_143[%dma_wait3A, %dma_wait3A_144, %dma_wait3A_145] : memref<125x2x80xi32, #tpu.memory_space<hbm>> -> memref<1x2x80xi32, #tpu.memory_space<hbm>>
    %dma_wait3A_147 = tpu.memref_squeeze %dma_wait3A_146 : memref<1x2x80xi32, #tpu.memory_space<hbm>> -> memref<2x80xi32, #tpu.memory_space<hbm>>
    %dma_wait3A_148 = arith.constant 0 : i32
    %dma_wait3A_149 = arith.constant 0 : i32
    %dma_wait3A_150 = arith.constant 0 : i32
    %dma_wait3A_151 = arith.constant 0 : i32
    %dma_wait3A_152 = tpu.memref_slice %arg3[%arg0, %dma_wait3A_148, %dma_wait3A_149, %dma_wait3A_150, %dma_wait3A_151] : memref<2x16x125x2x80xi32, #tpu.memory_space<hbm>> -> memref<1x16x125x2x80xi32, #tpu.memory_space<hbm>>
    %dma_wait3A_153 = tpu.memref_squeeze %dma_wait3A_152 : memref<1x16x125x2x80xi32, #tpu.memory_space<hbm>> -> memref<16x125x2x80xi32, #tpu.memory_space<hbm>>
    %dma_wait3A_154 = arith.constant 0 : i32
    %dma_wait3A_155 = arith.constant 0 : i32
    %dma_wait3A_156 = arith.constant 0 : i32
    %dma_wait3A_157 = tpu.memref_slice %dma_wait3A_153[%arg1, %dma_wait3A_154, %dma_wait3A_155, %dma_wait3A_156] : memref<16x125x2x80xi32, #tpu.memory_space<hbm>> -> memref<1x125x2x80xi32, #tpu.memory_space<hbm>>
    %dma_wait3A_158 = tpu.memref_squeeze %dma_wait3A_157 : memref<1x125x2x80xi32, #tpu.memory_space<hbm>> -> memref<125x2x80xi32, #tpu.memory_space<hbm>>
    %dma_wait3A_159 = arith.constant 0 : i32
    %dma_wait3A_160 = arith.constant 0 : i32
    %dma_wait3A_161 = tpu.memref_slice %dma_wait3A_158[%dma_wait3A, %dma_wait3A_159, %dma_wait3A_160] : memref<125x2x80xi32, #tpu.memory_space<hbm>> -> memref<1x2x80xi32, #tpu.memory_space<hbm>>
    %dma_wait3A_162 = tpu.memref_squeeze %dma_wait3A_161 : memref<1x2x80xi32, #tpu.memory_space<hbm>> -> memref<2x80xi32, #tpu.memory_space<hbm>>
    tpu.wait_dma2 semaphore(%arg12 : memref<!tpu.dma_semaphore, #tpu.memory_space<semaphore_mem>>) src(%dma_wait3A_162 : memref<2x80xi32, #tpu.memory_space<hbm>>) dst(%arg5 : memref<2x80xi32, #tpu.memory_space<vmem>>)
    %dma_start3A_163 = arith.constant 0 : i32
    %dma_start3A_164 = arith.constant 0 : i32
    %dma_start3A_165 = tpu.memref_slice %arg5[%dma_start3A_163, %dma_start3A_164] : memref<2x80xi32, #tpu.memory_space<vmem>> -> memref<1x80xi32, #tpu.memory_space<vmem>>
    %dma_start3A_166 = tpu.memref_squeeze %dma_start3A_165 : memref<1x80xi32, #tpu.memory_space<vmem>> -> memref<80xi32, #tpu.memory_space<vmem>>
    %dma_start3A_167 = arith.constant 0 : i32
    %dma_start3A_168 = arith.constant 0 : i32
    %dma_start3A_169 = tpu.memref_slice %arg2[%dma_start3A_167, %dma_start3A_168] : memref<10000x128xf32, #tpu.memory_space<hbm>> -> memref<10000x128xf32, #tpu.memory_space<hbm>>
    tpu.enqueue_indirect_dma source(%dma_start3A_169 : memref<10000x128xf32, #tpu.memory_space<hbm>>) target(%arg9 : memref<80x128xf32, #tpu.memory_space<vmem>>) offsets(%dma_start3A_166 : memref<80xi32, #tpu.memory_space<vmem>>) semaphore(%arg16 : memref<!tpu.dma_semaphore, #tpu.memory_space<semaphore_mem>>)
    %dma_wait3A_170 = arith.constant 1 : i32
    %dma_wait3A_171 = arith.constant 0 : i32
    %dma_wait3A_172 = arith.constant 0 : i32
    %dma_wait3A_173 = arith.constant 0 : i32
    %dma_wait3A_174 = arith.constant 0 : i32
    %dma_wait3A_175 = tpu.memref_slice %arg3[%arg0, %dma_wait3A_171, %dma_wait3A_172, %dma_wait3A_173, %dma_wait3A_174] : memref<2x16x125x2x80xi32, #tpu.memory_space<hbm>> -> memref<1x16x125x2x80xi32, #tpu.memory_space<hbm>>
    %dma_wait3A_176 = tpu.memref_squeeze %dma_wait3A_175 : memref<1x16x125x2x80xi32, #tpu.memory_space<hbm>> -> memref<16x125x2x80xi32, #tpu.memory_space<hbm>>
    %dma_wait3A_177 = arith.constant 0 : i32
    %dma_wait3A_178 = arith.constant 0 : i32
    %dma_wait3A_179 = arith.constant 0 : i32
    %dma_wait3A_180 = tpu.memref_slice %dma_wait3A_176[%arg1, %dma_wait3A_177, %dma_wait3A_178, %dma_wait3A_179] : memref<16x125x2x80xi32, #tpu.memory_space<hbm>> -> memref<1x125x2x80xi32, #tpu.memory_space<hbm>>
    %dma_wait3A_181 = tpu.memref_squeeze %dma_wait3A_180 : memref<1x125x2x80xi32, #tpu.memory_space<hbm>> -> memref<125x2x80xi32, #tpu.memory_space<hbm>>
    %dma_wait3A_182 = arith.constant 0 : i32
    %dma_wait3A_183 = arith.constant 0 : i32
    %dma_wait3A_184 = tpu.memref_slice %dma_wait3A_181[%dma_wait3A_170, %dma_wait3A_182, %dma_wait3A_183] : memref<125x2x80xi32, #tpu.memory_space<hbm>> -> memref<1x2x80xi32, #tpu.memory_space<hbm>>
    %dma_wait3A_185 = tpu.memref_squeeze %dma_wait3A_184 : memref<1x2x80xi32, #tpu.memory_space<hbm>> -> memref<2x80xi32, #tpu.memory_space<hbm>>
    %dma_wait3A_186 = arith.constant 0 : i32
    %dma_wait3A_187 = arith.constant 0 : i32
    %dma_wait3A_188 = arith.constant 0 : i32
    %dma_wait3A_189 = arith.constant 0 : i32
    %dma_wait3A_190 = tpu.memref_slice %arg3[%arg0, %dma_wait3A_186, %dma_wait3A_187, %dma_wait3A_188, %dma_wait3A_189] : memref<2x16x125x2x80xi32, #tpu.memory_space<hbm>> -> memref<1x16x125x2x80xi32, #tpu.memory_space<hbm>>
    %dma_wait3A_191 = tpu.memref_squeeze %dma_wait3A_190 : memref<1x16x125x2x80xi32, #tpu.memory_space<hbm>> -> memref<16x125x2x80xi32, #tpu.memory_space<hbm>>
    %dma_wait3A_192 = arith.constant 0 : i32
    %dma_wait3A_193 = arith.constant 0 : i32
    %dma_wait3A_194 = arith.constant 0 : i32
    %dma_wait3A_195 = tpu.memref_slice %dma_wait3A_191[%arg1, %dma_wait3A_192, %dma_wait3A_193, %dma_wait3A_194] : memref<16x125x2x80xi32, #tpu.memory_space<hbm>> -> memref<1x125x2x80xi32, #tpu.memory_space<hbm>>
    %dma_wait3A_196 = tpu.memref_squeeze %dma_wait3A_195 : memref<1x125x2x80xi32, #tpu.memory_space<hbm>> -> memref<125x2x80xi32, #tpu.memory_space<hbm>>
    %dma_wait3A_197 = arith.constant 0 : i32
    %dma_wait3A_198 = arith.constant 0 : i32
    %dma_wait3A_199 = tpu.memref_slice %dma_wait3A_196[%dma_wait3A_170, %dma_wait3A_197, %dma_wait3A_198] : memref<125x2x80xi32, #tpu.memory_space<hbm>> -> memref<1x2x80xi32, #tpu.memory_space<hbm>>
    %dma_wait3A_200 = tpu.memref_squeeze %dma_wait3A_199 : memref<1x2x80xi32, #tpu.memory_space<hbm>> -> memref<2x80xi32, #tpu.memory_space<hbm>>
    tpu.wait_dma2 semaphore(%arg13 : memref<!tpu.dma_semaphore, #tpu.memory_space<semaphore_mem>>) src(%dma_wait3A_200 : memref<2x80xi32, #tpu.memory_space<hbm>>) dst(%arg6 : memref<2x80xi32, #tpu.memory_space<vmem>>)
    %dma_start3A_201 = arith.constant 0 : i32
    %dma_start3A_202 = arith.constant 0 : i32
    %dma_start3A_203 = tpu.memref_slice %arg6[%dma_start3A_201, %dma_start3A_202] : memref<2x80xi32, #tpu.memory_space<vmem>> -> memref<1x80xi32, #tpu.memory_space<vmem>>
    %dma_start3A_204 = tpu.memref_squeeze %dma_start3A_203 : memref<1x80xi32, #tpu.memory_space<vmem>> -> memref<80xi32, #tpu.memory_space<vmem>>
    %dma_start3A_205 = arith.constant 0 : i32
    %dma_start3A_206 = arith.constant 0 : i32
    %dma_start3A_207 = tpu.memref_slice %arg2[%dma_start3A_205, %dma_start3A_206] : memref<10000x128xf32, #tpu.memory_space<hbm>> -> memref<10000x128xf32, #tpu.memory_space<hbm>>
    tpu.enqueue_indirect_dma source(%dma_start3A_207 : memref<10000x128xf32, #tpu.memory_space<hbm>>) target(%arg10 : memref<80x128xf32, #tpu.memory_space<vmem>>) offsets(%dma_start3A_204 : memref<80xi32, #tpu.memory_space<vmem>>) semaphore(%arg17 : memref<!tpu.dma_semaphore, #tpu.memory_space<semaphore_mem>>)
    %scan3A_208 = arith.constant 0 : i32
    %scan3A_209 = arith.constant 31 : i32
    %scan3A_210 = arith.addi %scan3A_208, %scan3A_209 : i32
    %scan3A_211 = arith.constant 1 : i32
    scf.for %scan3A_221 = %scan3A_208 to %scan3A_210 step %scan3A_211  : i32 {
      %mul3A_222 = arith.constant 4 : i32
      %mul3A_223 = arith.muli %scan3A_221, %mul3A_222 : i32
      %add3A = arith.constant 0 : i32
      %add3A_224 = arith.addi %add3A, %mul3A_223 : i32
      %add3A_225 = arith.constant 0 : i32
      %add3A_226 = arith.addi %add3A_224, %add3A_225 : i32
      %dma_wait3A_227 = arith.constant 0 : i32
      %dma_wait3A_228 = arith.constant 0 : i32
      %dma_wait3A_229 = tpu.memref_slice %arg5[%dma_wait3A_227, %dma_wait3A_228] : memref<2x80xi32, #tpu.memory_space<vmem>> -> memref<1x80xi32, #tpu.memory_space<vmem>>
      %dma_wait3A_230 = tpu.memref_squeeze %dma_wait3A_229 : memref<1x80xi32, #tpu.memory_space<vmem>> -> memref<80xi32, #tpu.memory_space<vmem>>
      %dma_wait3A_231 = arith.constant 0 : i32
      %dma_wait3A_232 = arith.constant 0 : i32
      %dma_wait3A_233 = tpu.memref_slice %arg2[%dma_wait3A_231, %dma_wait3A_232] : memref<10000x128xf32, #tpu.memory_space<hbm>> -> memref<10000x128xf32, #tpu.memory_space<hbm>>
      tpu.wait_indirect_dma semaphore(%arg16 : memref<!tpu.dma_semaphore, #tpu.memory_space<semaphore_mem>>) src(%dma_wait3A_233 : memref<10000x128xf32, #tpu.memory_space<hbm>>) dst(%arg9 : memref<80x128xf32, #tpu.memory_space<vmem>>)
      %run_scoped3A_234 = arith.constant 1 : i32
      "tpu.region"() ({
        %run_scoped3A_318 = tpu.sem_alloc : memref<!tpu.dma_semaphore, #tpu.memory_space<semaphore_mem>>
        %dma_start3A_319 = arith.constant 0 : i32
        %dma_start3A_320 = tpu.memref_slice %arg5[%run_scoped3A_234, %dma_start3A_319] : memref<2x80xi32, #tpu.memory_space<vmem>> -> memref<1x80xi32, #tpu.memory_space<vmem>>
        %dma_start3A_321 = tpu.memref_squeeze %dma_start3A_320 : memref<1x80xi32, #tpu.memory_space<vmem>> -> memref<80xi32, #tpu.memory_space<vmem>>
        %dma_start3A_322 = arith.constant 0 : i32
        %dma_start3A_323 = arith.constant 0 : i32
        %dma_start3A_324 = tpu.memref_slice %arg11[%dma_start3A_322, %dma_start3A_323] : memref<10240x128xf32, #tpu.memory_space<vmem_shared>> -> memref<10240x128xf32, #tpu.memory_space<vmem_shared>>
        tpu.enqueue_indirect_dma source(%arg9 : memref<80x128xf32, #tpu.memory_space<vmem>>) target(%dma_start3A_324 : memref<10240x128xf32, #tpu.memory_space<vmem_shared>>) offsets(%dma_start3A_321 : memref<80xi32, #tpu.memory_space<vmem>>) semaphore(%run_scoped3A_318 : memref<!tpu.dma_semaphore, #tpu.memory_space<semaphore_mem>>) {add = true}
        %dma_wait3A_325 = arith.constant 0 : i32
        %dma_wait3A_326 = tpu.memref_slice %arg5[%run_scoped3A_234, %dma_wait3A_325] : memref<2x80xi32, #tpu.memory_space<vmem>> -> memref<1x80xi32, #tpu.memory_space<vmem>>
        %dma_wait3A_327 = tpu.memref_squeeze %dma_wait3A_326 : memref<1x80xi32, #tpu.memory_space<vmem>> -> memref<80xi32, #tpu.memory_space<vmem>>
        %dma_wait3A_328 = arith.constant 0 : i32
        %dma_wait3A_329 = arith.constant 0 : i32
        %dma_wait3A_330 = tpu.memref_slice %arg11[%dma_wait3A_328, %dma_wait3A_329] : memref<10240x128xf32, #tpu.memory_space<vmem_shared>> -> memref<10240x128xf32, #tpu.memory_space<vmem_shared>>
        tpu.wait_indirect_dma semaphore(%run_scoped3A_318 : memref<!tpu.dma_semaphore, #tpu.memory_space<semaphore_mem>>) src(%arg9 : memref<80x128xf32, #tpu.memory_space<vmem>>) dst(%dma_wait3A_330 : memref<10240x128xf32, #tpu.memory_space<vmem_shared>>)
        tpu.yield
      }) : () -> ()
      %add3A_235 = arith.constant 4 : i32
      %add3A_236 = arith.addi %add3A_226, %add3A_235 : i32
      %lt3A = arith.constant 125 : i32
      %lt3A_237 = arith.cmpi slt, %add3A_236, %lt3A : i32
      %convert_element_type3A = arith.extui %lt3A_237 : i1 to i32
      %cond3A = arith.constant 0 : i32
      %cond3A_238 = arith.cmpi ne, %convert_element_type3A, %cond3A : i32
      scf.if %cond3A_238 {
        %add3A_318 = arith.constant 4 : i32
        %add3A_319 = arith.addi %add3A_226, %add3A_318 : i32
        %dma_start3A_320 = arith.constant 0 : i32
        %dma_start3A_321 = arith.constant 0 : i32
        %dma_start3A_322 = arith.constant 0 : i32
        %dma_start3A_323 = arith.constant 0 : i32
        %dma_start3A_324 = tpu.memref_slice %arg3[%arg0, %dma_start3A_320, %dma_start3A_321, %dma_start3A_322, %dma_start3A_323] : memref<2x16x125x2x80xi32, #tpu.memory_space<hbm>> -> memref<1x16x125x2x80xi32, #tpu.memory_space<hbm>>
        %dma_start3A_325 = tpu.memref_squeeze %dma_start3A_324 : memref<1x16x125x2x80xi32, #tpu.memory_space<hbm>> -> memref<16x125x2x80xi32, #tpu.memory_space<hbm>>
        %dma_start3A_326 = arith.constant 0 : i32
        %dma_start3A_327 = arith.constant 0 : i32
        %dma_start3A_328 = arith.constant 0 : i32
        %dma_start3A_329 = tpu.memref_slice %dma_start3A_325[%arg1, %dma_start3A_326, %dma_start3A_327, %dma_start3A_328] : memref<16x125x2x80xi32, #tpu.memory_space<hbm>> -> memref<1x125x2x80xi32, #tpu.memory_space<hbm>>
        %dma_start3A_330 = tpu.memref_squeeze %dma_start3A_329 : memref<1x125x2x80xi32, #tpu.memory_space<hbm>> -> memref<125x2x80xi32, #tpu.memory_space<hbm>>
        %dma_start3A_331 = arith.constant 0 : i32
        %dma_start3A_332 = arith.constant 0 : i32
        %dma_start3A_333 = tpu.memref_slice %dma_start3A_330[%add3A_319, %dma_start3A_331, %dma_start3A_332] : memref<125x2x80xi32, #tpu.memory_space<hbm>> -> memref<1x2x80xi32, #tpu.memory_space<hbm>>
        %dma_start3A_334 = tpu.memref_squeeze %dma_start3A_333 : memref<1x2x80xi32, #tpu.memory_space<hbm>> -> memref<2x80xi32, #tpu.memory_space<hbm>>
        %dma_start3A_335 = arith.constant 0 : i32
        %dma_start3A_336 = arith.constant 0 : i32
        %dma_start3A_337 = arith.constant 0 : i32
        %dma_start3A_338 = arith.constant 0 : i32
        %dma_start3A_339 = tpu.memref_slice %arg3[%arg0, %dma_start3A_335, %dma_start3A_336, %dma_start3A_337, %dma_start3A_338] : memref<2x16x125x2x80xi32, #tpu.memory_space<hbm>> -> memref<1x16x125x2x80xi32, #tpu.memory_space<hbm>>
        %dma_start3A_340 = tpu.memref_squeeze %dma_start3A_339 : memref<1x16x125x2x80xi32, #tpu.memory_space<hbm>> -> memref<16x125x2x80xi32, #tpu.memory_space<hbm>>
        %dma_start3A_341 = arith.constant 0 : i32
        %dma_start3A_342 = arith.constant 0 : i32
        %dma_start3A_343 = arith.constant 0 : i32
        %dma_start3A_344 = tpu.memref_slice %dma_start3A_340[%arg1, %dma_start3A_341, %dma_start3A_342, %dma_start3A_343] : memref<16x125x2x80xi32, #tpu.memory_space<hbm>> -> memref<1x125x2x80xi32, #tpu.memory_space<hbm>>
        %dma_start3A_345 = tpu.memref_squeeze %dma_start3A_344 : memref<1x125x2x80xi32, #tpu.memory_space<hbm>> -> memref<125x2x80xi32, #tpu.memory_space<hbm>>
        %dma_start3A_346 = arith.constant 0 : i32
        %dma_start3A_347 = arith.constant 0 : i32
        %dma_start3A_348 = tpu.memref_slice %dma_start3A_345[%add3A_319, %dma_start3A_346, %dma_start3A_347] : memref<125x2x80xi32, #tpu.memory_space<hbm>> -> memref<1x2x80xi32, #tpu.memory_space<hbm>>
        %dma_start3A_349 = tpu.memref_squeeze %dma_start3A_348 : memref<1x2x80xi32, #tpu.memory_space<hbm>> -> memref<2x80xi32, #tpu.memory_space<hbm>>
        tpu.enqueue_dma source(%dma_start3A_349 : memref<2x80xi32, #tpu.memory_space<hbm>>) target(%arg5 : memref<2x80xi32, #tpu.memory_space<vmem>>) target_semaphore(%arg12 : memref<!tpu.dma_semaphore, #tpu.memory_space<semaphore_mem>>)
      } else {
      }
      %add3A_239 = arith.constant 2 : i32
      %add3A_240 = arith.addi %add3A_226, %add3A_239 : i32
      %lt3A_241 = arith.constant 125 : i32
      %lt3A_242 = arith.cmpi slt, %add3A_240, %lt3A_241 : i32
      %convert_element_type3A_243 = arith.extui %lt3A_242 : i1 to i32
      %cond3A_244 = arith.constant 0 : i32
      %cond3A_245 = arith.cmpi ne, %convert_element_type3A_243, %cond3A_244 : i32
      scf.if %cond3A_245 {
        %add3A_318 = arith.constant 2 : i32
        %add3A_319 = arith.addi %add3A_226, %add3A_318 : i32
        %dma_wait3A_320 = arith.constant 0 : i32
        %dma_wait3A_321 = arith.constant 0 : i32
        %dma_wait3A_322 = arith.constant 0 : i32
        %dma_wait3A_323 = arith.constant 0 : i32
        %dma_wait3A_324 = tpu.memref_slice %arg3[%arg0, %dma_wait3A_320, %dma_wait3A_321, %dma_wait3A_322, %dma_wait3A_323] : memref<2x16x125x2x80xi32, #tpu.memory_space<hbm>> -> memref<1x16x125x2x80xi32, #tpu.memory_space<hbm>>
        %dma_wait3A_325 = tpu.memref_squeeze %dma_wait3A_324 : memref<1x16x125x2x80xi32, #tpu.memory_space<hbm>> -> memref<16x125x2x80xi32, #tpu.memory_space<hbm>>
        %dma_wait3A_326 = arith.constant 0 : i32
        %dma_wait3A_327 = arith.constant 0 : i32
        %dma_wait3A_328 = arith.constant 0 : i32
        %dma_wait3A_329 = tpu.memref_slice %dma_wait3A_325[%arg1, %dma_wait3A_326, %dma_wait3A_327, %dma_wait3A_328] : memref<16x125x2x80xi32, #tpu.memory_space<hbm>> -> memref<1x125x2x80xi32, #tpu.memory_space<hbm>>
        %dma_wait3A_330 = tpu.memref_squeeze %dma_wait3A_329 : memref<1x125x2x80xi32, #tpu.memory_space<hbm>> -> memref<125x2x80xi32, #tpu.memory_space<hbm>>
        %dma_wait3A_331 = arith.constant 0 : i32
        %dma_wait3A_332 = arith.constant 0 : i32
        %dma_wait3A_333 = tpu.memref_slice %dma_wait3A_330[%add3A_319, %dma_wait3A_331, %dma_wait3A_332] : memref<125x2x80xi32, #tpu.memory_space<hbm>> -> memref<1x2x80xi32, #tpu.memory_space<hbm>>
        %dma_wait3A_334 = tpu.memref_squeeze %dma_wait3A_333 : memref<1x2x80xi32, #tpu.memory_space<hbm>> -> memref<2x80xi32, #tpu.memory_space<hbm>>
        %dma_wait3A_335 = arith.constant 0 : i32
        %dma_wait3A_336 = arith.constant 0 : i32
        %dma_wait3A_337 = arith.constant 0 : i32
        %dma_wait3A_338 = arith.constant 0 : i32
        %dma_wait3A_339 = tpu.memref_slice %arg3[%arg0, %dma_wait3A_335, %dma_wait3A_336, %dma_wait3A_337, %dma_wait3A_338] : memref<2x16x125x2x80xi32, #tpu.memory_space<hbm>> -> memref<1x16x125x2x80xi32, #tpu.memory_space<hbm>>
        %dma_wait3A_340 = tpu.memref_squeeze %dma_wait3A_339 : memref<1x16x125x2x80xi32, #tpu.memory_space<hbm>> -> memref<16x125x2x80xi32, #tpu.memory_space<hbm>>
        %dma_wait3A_341 = arith.constant 0 : i32
        %dma_wait3A_342 = arith.constant 0 : i32
        %dma_wait3A_343 = arith.constant 0 : i32
        %dma_wait3A_344 = tpu.memref_slice %dma_wait3A_340[%arg1, %dma_wait3A_341, %dma_wait3A_342, %dma_wait3A_343] : memref<16x125x2x80xi32, #tpu.memory_space<hbm>> -> memref<1x125x2x80xi32, #tpu.memory_space<hbm>>
        %dma_wait3A_345 = tpu.memref_squeeze %dma_wait3A_344 : memref<1x125x2x80xi32, #tpu.memory_space<hbm>> -> memref<125x2x80xi32, #tpu.memory_space<hbm>>
        %dma_wait3A_346 = arith.constant 0 : i32
        %dma_wait3A_347 = arith.constant 0 : i32
        %dma_wait3A_348 = tpu.memref_slice %dma_wait3A_345[%add3A_319, %dma_wait3A_346, %dma_wait3A_347] : memref<125x2x80xi32, #tpu.memory_space<hbm>> -> memref<1x2x80xi32, #tpu.memory_space<hbm>>
        %dma_wait3A_349 = tpu.memref_squeeze %dma_wait3A_348 : memref<1x2x80xi32, #tpu.memory_space<hbm>> -> memref<2x80xi32, #tpu.memory_space<hbm>>
        tpu.wait_dma2 semaphore(%arg14 : memref<!tpu.dma_semaphore, #tpu.memory_space<semaphore_mem>>) src(%dma_wait3A_349 : memref<2x80xi32, #tpu.memory_space<hbm>>) dst(%arg7 : memref<2x80xi32, #tpu.memory_space<vmem>>)
        %dma_start3A_350 = arith.constant 0 : i32
        %dma_start3A_351 = arith.constant 0 : i32
        %dma_start3A_352 = tpu.memref_slice %arg7[%dma_start3A_350, %dma_start3A_351] : memref<2x80xi32, #tpu.memory_space<vmem>> -> memref<1x80xi32, #tpu.memory_space<vmem>>
        %dma_start3A_353 = tpu.memref_squeeze %dma_start3A_352 : memref<1x80xi32, #tpu.memory_space<vmem>> -> memref<80xi32, #tpu.memory_space<vmem>>
        %dma_start3A_354 = arith.constant 0 : i32
        %dma_start3A_355 = arith.constant 0 : i32
        %dma_start3A_356 = tpu.memref_slice %arg2[%dma_start3A_354, %dma_start3A_355] : memref<10000x128xf32, #tpu.memory_space<hbm>> -> memref<10000x128xf32, #tpu.memory_space<hbm>>
        tpu.enqueue_indirect_dma source(%dma_start3A_356 : memref<10000x128xf32, #tpu.memory_space<hbm>>) target(%arg9 : memref<80x128xf32, #tpu.memory_space<vmem>>) offsets(%dma_start3A_353 : memref<80xi32, #tpu.memory_space<vmem>>) semaphore(%arg16 : memref<!tpu.dma_semaphore, #tpu.memory_space<semaphore_mem>>)
      } else {
      }
      %add3A_246 = arith.constant 1 : i32
      %add3A_247 = arith.addi %add3A_224, %add3A_246 : i32
      %dma_wait3A_248 = arith.constant 0 : i32
      %dma_wait3A_249 = arith.constant 0 : i32
      %dma_wait3A_250 = tpu.memref_slice %arg6[%dma_wait3A_248, %dma_wait3A_249] : memref<2x80xi32, #tpu.memory_space<vmem>> -> memref<1x80xi32, #tpu.memory_space<vmem>>
      %dma_wait3A_251 = tpu.memref_squeeze %dma_wait3A_250 : memref<1x80xi32, #tpu.memory_space<vmem>> -> memref<80xi32, #tpu.memory_space<vmem>>
      %dma_wait3A_252 = arith.constant 0 : i32
      %dma_wait3A_253 = arith.constant 0 : i32
      %dma_wait3A_254 = tpu.memref_slice %arg2[%dma_wait3A_252, %dma_wait3A_253] : memref<10000x128xf32, #tpu.memory_space<hbm>> -> memref<10000x128xf32, #tpu.memory_space<hbm>>
      tpu.wait_indirect_dma semaphore(%arg17 : memref<!tpu.dma_semaphore, #tpu.memory_space<semaphore_mem>>) src(%dma_wait3A_254 : memref<10000x128xf32, #tpu.memory_space<hbm>>) dst(%arg10 : memref<80x128xf32, #tpu.memory_space<vmem>>)
      %run_scoped3A_255 = arith.constant 1 : i32
      "tpu.region"() ({
        %run_scoped3A_318 = tpu.sem_alloc : memref<!tpu.dma_semaphore, #tpu.memory_space<semaphore_mem>>
        %dma_start3A_319 = arith.constant 0 : i32
        %dma_start3A_320 = tpu.memref_slice %arg6[%run_scoped3A_255, %dma_start3A_319] : memref<2x80xi32, #tpu.memory_space<vmem>> -> memref<1x80xi32, #tpu.memory_space<vmem>>
        %dma_start3A_321 = tpu.memref_squeeze %dma_start3A_320 : memref<1x80xi32, #tpu.memory_space<vmem>> -> memref<80xi32, #tpu.memory_space<vmem>>
        %dma_start3A_322 = arith.constant 0 : i32
        %dma_start3A_323 = arith.constant 0 : i32
        %dma_start3A_324 = tpu.memref_slice %arg11[%dma_start3A_322, %dma_start3A_323] : memref<10240x128xf32, #tpu.memory_space<vmem_shared>> -> memref<10240x128xf32, #tpu.memory_space<vmem_shared>>
        tpu.enqueue_indirect_dma source(%arg10 : memref<80x128xf32, #tpu.memory_space<vmem>>) target(%dma_start3A_324 : memref<10240x128xf32, #tpu.memory_space<vmem_shared>>) offsets(%dma_start3A_321 : memref<80xi32, #tpu.memory_space<vmem>>) semaphore(%run_scoped3A_318 : memref<!tpu.dma_semaphore, #tpu.memory_space<semaphore_mem>>) {add = true}
        %dma_wait3A_325 = arith.constant 0 : i32
        %dma_wait3A_326 = tpu.memref_slice %arg6[%run_scoped3A_255, %dma_wait3A_325] : memref<2x80xi32, #tpu.memory_space<vmem>> -> memref<1x80xi32, #tpu.memory_space<vmem>>
        %dma_wait3A_327 = tpu.memref_squeeze %dma_wait3A_326 : memref<1x80xi32, #tpu.memory_space<vmem>> -> memref<80xi32, #tpu.memory_space<vmem>>
        %dma_wait3A_328 = arith.constant 0 : i32
        %dma_wait3A_329 = arith.constant 0 : i32
        %dma_wait3A_330 = tpu.memref_slice %arg11[%dma_wait3A_328, %dma_wait3A_329] : memref<10240x128xf32, #tpu.memory_space<vmem_shared>> -> memref<10240x128xf32, #tpu.memory_space<vmem_shared>>
        tpu.wait_indirect_dma semaphore(%run_scoped3A_318 : memref<!tpu.dma_semaphore, #tpu.memory_space<semaphore_mem>>) src(%arg10 : memref<80x128xf32, #tpu.memory_space<vmem>>) dst(%dma_wait3A_330 : memref<10240x128xf32, #tpu.memory_space<vmem_shared>>)
        tpu.yield
      }) : () -> ()
      %add3A_256 = arith.constant 4 : i32
      %add3A_257 = arith.addi %add3A_247, %add3A_256 : i32
      %lt3A_258 = arith.constant 125 : i32
      %lt3A_259 = arith.cmpi slt, %add3A_257, %lt3A_258 : i32
      %convert_element_type3A_260 = arith.extui %lt3A_259 : i1 to i32
      %cond3A_261 = arith.constant 0 : i32
      %cond3A_262 = arith.cmpi ne, %convert_element_type3A_260, %cond3A_261 : i32
      scf.if %cond3A_262 {
        %add3A_318 = arith.constant 4 : i32
        %add3A_319 = arith.addi %add3A_247, %add3A_318 : i32
        %dma_start3A_320 = arith.constant 0 : i32
        %dma_start3A_321 = arith.constant 0 : i32
        %dma_start3A_322 = arith.constant 0 : i32
        %dma_start3A_323 = arith.constant 0 : i32
        %dma_start3A_324 = tpu.memref_slice %arg3[%arg0, %dma_start3A_320, %dma_start3A_321, %dma_start3A_322, %dma_start3A_323] : memref<2x16x125x2x80xi32, #tpu.memory_space<hbm>> -> memref<1x16x125x2x80xi32, #tpu.memory_space<hbm>>
        %dma_start3A_325 = tpu.memref_squeeze %dma_start3A_324 : memref<1x16x125x2x80xi32, #tpu.memory_space<hbm>> -> memref<16x125x2x80xi32, #tpu.memory_space<hbm>>
        %dma_start3A_326 = arith.constant 0 : i32
        %dma_start3A_327 = arith.constant 0 : i32
        %dma_start3A_328 = arith.constant 0 : i32
        %dma_start3A_329 = tpu.memref_slice %dma_start3A_325[%arg1, %dma_start3A_326, %dma_start3A_327, %dma_start3A_328] : memref<16x125x2x80xi32, #tpu.memory_space<hbm>> -> memref<1x125x2x80xi32, #tpu.memory_space<hbm>>
        %dma_start3A_330 = tpu.memref_squeeze %dma_start3A_329 : memref<1x125x2x80xi32, #tpu.memory_space<hbm>> -> memref<125x2x80xi32, #tpu.memory_space<hbm>>
        %dma_start3A_331 = arith.constant 0 : i32
        %dma_start3A_332 = arith.constant 0 : i32
        %dma_start3A_333 = tpu.memref_slice %dma_start3A_330[%add3A_319, %dma_start3A_331, %dma_start3A_332] : memref<125x2x80xi32, #tpu.memory_space<hbm>> -> memref<1x2x80xi32, #tpu.memory_space<hbm>>
        %dma_start3A_334 = tpu.memref_squeeze %dma_start3A_333 : memref<1x2x80xi32, #tpu.memory_space<hbm>> -> memref<2x80xi32, #tpu.memory_space<hbm>>
        %dma_start3A_335 = arith.constant 0 : i32
        %dma_start3A_336 = arith.constant 0 : i32
        %dma_start3A_337 = arith.constant 0 : i32
        %dma_start3A_338 = arith.constant 0 : i32
        %dma_start3A_339 = tpu.memref_slice %arg3[%arg0, %dma_start3A_335, %dma_start3A_336, %dma_start3A_337, %dma_start3A_338] : memref<2x16x125x2x80xi32, #tpu.memory_space<hbm>> -> memref<1x16x125x2x80xi32, #tpu.memory_space<hbm>>
        %dma_start3A_340 = tpu.memref_squeeze %dma_start3A_339 : memref<1x16x125x2x80xi32, #tpu.memory_space<hbm>> -> memref<16x125x2x80xi32, #tpu.memory_space<hbm>>
        %dma_start3A_341 = arith.constant 0 : i32
        %dma_start3A_342 = arith.constant 0 : i32
        %dma_start3A_343 = arith.constant 0 : i32
        %dma_start3A_344 = tpu.memref_slice %dma_start3A_340[%arg1, %dma_start3A_341, %dma_start3A_342, %dma_start3A_343] : memref<16x125x2x80xi32, #tpu.memory_space<hbm>> -> memref<1x125x2x80xi32, #tpu.memory_space<hbm>>
        %dma_start3A_345 = tpu.memref_squeeze %dma_start3A_344 : memref<1x125x2x80xi32, #tpu.memory_space<hbm>> -> memref<125x2x80xi32, #tpu.memory_space<hbm>>
        %dma_start3A_346 = arith.constant 0 : i32
        %dma_start3A_347 = arith.constant 0 : i32
        %dma_start3A_348 = tpu.memref_slice %dma_start3A_345[%add3A_319, %dma_start3A_346, %dma_start3A_347] : memref<125x2x80xi32, #tpu.memory_space<hbm>> -> memref<1x2x80xi32, #tpu.memory_space<hbm>>
        %dma_start3A_349 = tpu.memref_squeeze %dma_start3A_348 : memref<1x2x80xi32, #tpu.memory_space<hbm>> -> memref<2x80xi32, #tpu.memory_space<hbm>>
        tpu.enqueue_dma source(%dma_start3A_349 : memref<2x80xi32, #tpu.memory_space<hbm>>) target(%arg6 : memref<2x80xi32, #tpu.memory_space<vmem>>) target_semaphore(%arg13 : memref<!tpu.dma_semaphore, #tpu.memory_space<semaphore_mem>>)
      } else {
      }
      %add3A_263 = arith.constant 2 : i32
      %add3A_264 = arith.addi %add3A_247, %add3A_263 : i32
      %lt3A_265 = arith.constant 125 : i32
      %lt3A_266 = arith.cmpi slt, %add3A_264, %lt3A_265 : i32
      %convert_element_type3A_267 = arith.extui %lt3A_266 : i1 to i32
      %cond3A_268 = arith.constant 0 : i32
      %cond3A_269 = arith.cmpi ne, %convert_element_type3A_267, %cond3A_268 : i32
      scf.if %cond3A_269 {
        %add3A_318 = arith.constant 2 : i32
        %add3A_319 = arith.addi %add3A_247, %add3A_318 : i32
        %dma_wait3A_320 = arith.constant 0 : i32
        %dma_wait3A_321 = arith.constant 0 : i32
        %dma_wait3A_322 = arith.constant 0 : i32
        %dma_wait3A_323 = arith.constant 0 : i32
        %dma_wait3A_324 = tpu.memref_slice %arg3[%arg0, %dma_wait3A_320, %dma_wait3A_321, %dma_wait3A_322, %dma_wait3A_323] : memref<2x16x125x2x80xi32, #tpu.memory_space<hbm>> -> memref<1x16x125x2x80xi32, #tpu.memory_space<hbm>>
        %dma_wait3A_325 = tpu.memref_squeeze %dma_wait3A_324 : memref<1x16x125x2x80xi32, #tpu.memory_space<hbm>> -> memref<16x125x2x80xi32, #tpu.memory_space<hbm>>
        %dma_wait3A_326 = arith.constant 0 : i32
        %dma_wait3A_327 = arith.constant 0 : i32
        %dma_wait3A_328 = arith.constant 0 : i32
        %dma_wait3A_329 = tpu.memref_slice %dma_wait3A_325[%arg1, %dma_wait3A_326, %dma_wait3A_327, %dma_wait3A_328] : memref<16x125x2x80xi32, #tpu.memory_space<hbm>> -> memref<1x125x2x80xi32, #tpu.memory_space<hbm>>
        %dma_wait3A_330 = tpu.memref_squeeze %dma_wait3A_329 : memref<1x125x2x80xi32, #tpu.memory_space<hbm>> -> memref<125x2x80xi32, #tpu.memory_space<hbm>>
        %dma_wait3A_331 = arith.constant 0 : i32
        %dma_wait3A_332 = arith.constant 0 : i32
        %dma_wait3A_333 = tpu.memref_slice %dma_wait3A_330[%add3A_319, %dma_wait3A_331, %dma_wait3A_332] : memref<125x2x80xi32, #tpu.memory_space<hbm>> -> memref<1x2x80xi32, #tpu.memory_space<hbm>>
        %dma_wait3A_334 = tpu.memref_squeeze %dma_wait3A_333 : memref<1x2x80xi32, #tpu.memory_space<hbm>> -> memref<2x80xi32, #tpu.memory_space<hbm>>
        %dma_wait3A_335 = arith.constant 0 : i32
        %dma_wait3A_336 = arith.constant 0 : i32
        %dma_wait3A_337 = arith.constant 0 : i32
        %dma_wait3A_338 = arith.constant 0 : i32
        %dma_wait3A_339 = tpu.memref_slice %arg3[%arg0, %dma_wait3A_335, %dma_wait3A_336, %dma_wait3A_337, %dma_wait3A_338] : memref<2x16x125x2x80xi32, #tpu.memory_space<hbm>> -> memref<1x16x125x2x80xi32, #tpu.memory_space<hbm>>
        %dma_wait3A_340 = tpu.memref_squeeze %dma_wait3A_339 : memref<1x16x125x2x80xi32, #tpu.memory_space<hbm>> -> memref<16x125x2x80xi32, #tpu.memory_space<hbm>>
        %dma_wait3A_341 = arith.constant 0 : i32
        %dma_wait3A_342 = arith.constant 0 : i32
        %dma_wait3A_343 = arith.constant 0 : i32
        %dma_wait3A_344 = tpu.memref_slice %dma_wait3A_340[%arg1, %dma_wait3A_341, %dma_wait3A_342, %dma_wait3A_343] : memref<16x125x2x80xi32, #tpu.memory_space<hbm>> -> memref<1x125x2x80xi32, #tpu.memory_space<hbm>>
        %dma_wait3A_345 = tpu.memref_squeeze %dma_wait3A_344 : memref<1x125x2x80xi32, #tpu.memory_space<hbm>> -> memref<125x2x80xi32, #tpu.memory_space<hbm>>
        %dma_wait3A_346 = arith.constant 0 : i32
        %dma_wait3A_347 = arith.constant 0 : i32
        %dma_wait3A_348 = tpu.memref_slice %dma_wait3A_345[%add3A_319, %dma_wait3A_346, %dma_wait3A_347] : memref<125x2x80xi32, #tpu.memory_space<hbm>> -> memref<1x2x80xi32, #tpu.memory_space<hbm>>
        %dma_wait3A_349 = tpu.memref_squeeze %dma_wait3A_348 : memref<1x2x80xi32, #tpu.memory_space<hbm>> -> memref<2x80xi32, #tpu.memory_space<hbm>>
        tpu.wait_dma2 semaphore(%arg15 : memref<!tpu.dma_semaphore, #tpu.memory_space<semaphore_mem>>) src(%dma_wait3A_349 : memref<2x80xi32, #tpu.memory_space<hbm>>) dst(%arg8 : memref<2x80xi32, #tpu.memory_space<vmem>>)
        %dma_start3A_350 = arith.constant 0 : i32
        %dma_start3A_351 = arith.constant 0 : i32
        %dma_start3A_352 = tpu.memref_slice %arg8[%dma_start3A_350, %dma_start3A_351] : memref<2x80xi32, #tpu.memory_space<vmem>> -> memref<1x80xi32, #tpu.memory_space<vmem>>
        %dma_start3A_353 = tpu.memref_squeeze %dma_start3A_352 : memref<1x80xi32, #tpu.memory_space<vmem>> -> memref<80xi32, #tpu.memory_space<vmem>>
        %dma_start3A_354 = arith.constant 0 : i32
        %dma_start3A_355 = arith.constant 0 : i32
        %dma_start3A_356 = tpu.memref_slice %arg2[%dma_start3A_354, %dma_start3A_355] : memref<10000x128xf32, #tpu.memory_space<hbm>> -> memref<10000x128xf32, #tpu.memory_space<hbm>>
        tpu.enqueue_indirect_dma source(%dma_start3A_356 : memref<10000x128xf32, #tpu.memory_space<hbm>>) target(%arg10 : memref<80x128xf32, #tpu.memory_space<vmem>>) offsets(%dma_start3A_353 : memref<80xi32, #tpu.memory_space<vmem>>) semaphore(%arg17 : memref<!tpu.dma_semaphore, #tpu.memory_space<semaphore_mem>>)
      } else {
      }
      %add3A_270 = arith.constant 2 : i32
      %add3A_271 = arith.addi %add3A_224, %add3A_270 : i32
      %dma_wait3A_272 = arith.constant 0 : i32
      %dma_wait3A_273 = arith.constant 0 : i32
      %dma_wait3A_274 = tpu.memref_slice %arg7[%dma_wait3A_272, %dma_wait3A_273] : memref<2x80xi32, #tpu.memory_space<vmem>> -> memref<1x80xi32, #tpu.memory_space<vmem>>
      %dma_wait3A_275 = tpu.memref_squeeze %dma_wait3A_274 : memref<1x80xi32, #tpu.memory_space<vmem>> -> memref<80xi32, #tpu.memory_space<vmem>>
      %dma_wait3A_276 = arith.constant 0 : i32
      %dma_wait3A_277 = arith.constant 0 : i32
      %dma_wait3A_278 = tpu.memref_slice %arg2[%dma_wait3A_276, %dma_wait3A_277] : memref<10000x128xf32, #tpu.memory_space<hbm>> -> memref<10000x128xf32, #tpu.memory_space<hbm>>
      tpu.wait_indirect_dma semaphore(%arg16 : memref<!tpu.dma_semaphore, #tpu.memory_space<semaphore_mem>>) src(%dma_wait3A_278 : memref<10000x128xf32, #tpu.memory_space<hbm>>) dst(%arg9 : memref<80x128xf32, #tpu.memory_space<vmem>>)
      %run_scoped3A_279 = arith.constant 1 : i32
      "tpu.region"() ({
        %run_scoped3A_318 = tpu.sem_alloc : memref<!tpu.dma_semaphore, #tpu.memory_space<semaphore_mem>>
        %dma_start3A_319 = arith.constant 0 : i32
        %dma_start3A_320 = tpu.memref_slice %arg7[%run_scoped3A_279, %dma_start3A_319] : memref<2x80xi32, #tpu.memory_space<vmem>> -> memref<1x80xi32, #tpu.memory_space<vmem>>
        %dma_start3A_321 = tpu.memref_squeeze %dma_start3A_320 : memref<1x80xi32, #tpu.memory_space<vmem>> -> memref<80xi32, #tpu.memory_space<vmem>>
        %dma_start3A_322 = arith.constant 0 : i32
        %dma_start3A_323 = arith.constant 0 : i32
        %dma_start3A_324 = tpu.memref_slice %arg11[%dma_start3A_322, %dma_start3A_323] : memref<10240x128xf32, #tpu.memory_space<vmem_shared>> -> memref<10240x128xf32, #tpu.memory_space<vmem_shared>>
        tpu.enqueue_indirect_dma source(%arg9 : memref<80x128xf32, #tpu.memory_space<vmem>>) target(%dma_start3A_324 : memref<10240x128xf32, #tpu.memory_space<vmem_shared>>) offsets(%dma_start3A_321 : memref<80xi32, #tpu.memory_space<vmem>>) semaphore(%run_scoped3A_318 : memref<!tpu.dma_semaphore, #tpu.memory_space<semaphore_mem>>) {add = true}
        %dma_wait3A_325 = arith.constant 0 : i32
        %dma_wait3A_326 = tpu.memref_slice %arg7[%run_scoped3A_279, %dma_wait3A_325] : memref<2x80xi32, #tpu.memory_space<vmem>> -> memref<1x80xi32, #tpu.memory_space<vmem>>
        %dma_wait3A_327 = tpu.memref_squeeze %dma_wait3A_326 : memref<1x80xi32, #tpu.memory_space<vmem>> -> memref<80xi32, #tpu.memory_space<vmem>>
        %dma_wait3A_328 = arith.constant 0 : i32
        %dma_wait3A_329 = arith.constant 0 : i32
        %dma_wait3A_330 = tpu.memref_slice %arg11[%dma_wait3A_328, %dma_wait3A_329] : memref<10240x128xf32, #tpu.memory_space<vmem_shared>> -> memref<10240x128xf32, #tpu.memory_space<vmem_shared>>
        tpu.wait_indirect_dma semaphore(%run_scoped3A_318 : memref<!tpu.dma_semaphore, #tpu.memory_space<semaphore_mem>>) src(%arg9 : memref<80x128xf32, #tpu.memory_space<vmem>>) dst(%dma_wait3A_330 : memref<10240x128xf32, #tpu.memory_space<vmem_shared>>)
        tpu.yield
      }) : () -> ()
      %add3A_280 = arith.constant 4 : i32
      %add3A_281 = arith.addi %add3A_271, %add3A_280 : i32
      %lt3A_282 = arith.constant 125 : i32
      %lt3A_283 = arith.cmpi slt, %add3A_281, %lt3A_282 : i32
      %convert_element_type3A_284 = arith.extui %lt3A_283 : i1 to i32
      %cond3A_285 = arith.constant 0 : i32
      %cond3A_286 = arith.cmpi ne, %convert_element_type3A_284, %cond3A_285 : i32
      scf.if %cond3A_286 {
        %add3A_318 = arith.constant 4 : i32
        %add3A_319 = arith.addi %add3A_271, %add3A_318 : i32
        %dma_start3A_320 = arith.constant 0 : i32
        %dma_start3A_321 = arith.constant 0 : i32
        %dma_start3A_322 = arith.constant 0 : i32
        %dma_start3A_323 = arith.constant 0 : i32
        %dma_start3A_324 = tpu.memref_slice %arg3[%arg0, %dma_start3A_320, %dma_start3A_321, %dma_start3A_322, %dma_start3A_323] : memref<2x16x125x2x80xi32, #tpu.memory_space<hbm>> -> memref<1x16x125x2x80xi32, #tpu.memory_space<hbm>>
        %dma_start3A_325 = tpu.memref_squeeze %dma_start3A_324 : memref<1x16x125x2x80xi32, #tpu.memory_space<hbm>> -> memref<16x125x2x80xi32, #tpu.memory_space<hbm>>
        %dma_start3A_326 = arith.constant 0 : i32
        %dma_start3A_327 = arith.constant 0 : i32
        %dma_start3A_328 = arith.constant 0 : i32
        %dma_start3A_329 = tpu.memref_slice %dma_start3A_325[%arg1, %dma_start3A_326, %dma_start3A_327, %dma_start3A_328] : memref<16x125x2x80xi32, #tpu.memory_space<hbm>> -> memref<1x125x2x80xi32, #tpu.memory_space<hbm>>
        %dma_start3A_330 = tpu.memref_squeeze %dma_start3A_329 : memref<1x125x2x80xi32, #tpu.memory_space<hbm>> -> memref<125x2x80xi32, #tpu.memory_space<hbm>>
        %dma_start3A_331 = arith.constant 0 : i32
        %dma_start3A_332 = arith.constant 0 : i32
        %dma_start3A_333 = tpu.memref_slice %dma_start3A_330[%add3A_319, %dma_start3A_331, %dma_start3A_332] : memref<125x2x80xi32, #tpu.memory_space<hbm>> -> memref<1x2x80xi32, #tpu.memory_space<hbm>>
        %dma_start3A_334 = tpu.memref_squeeze %dma_start3A_333 : memref<1x2x80xi32, #tpu.memory_space<hbm>> -> memref<2x80xi32, #tpu.memory_space<hbm>>
        %dma_start3A_335 = arith.constant 0 : i32
        %dma_start3A_336 = arith.constant 0 : i32
        %dma_start3A_337 = arith.constant 0 : i32
        %dma_start3A_338 = arith.constant 0 : i32
        %dma_start3A_339 = tpu.memref_slice %arg3[%arg0, %dma_start3A_335, %dma_start3A_336, %dma_start3A_337, %dma_start3A_338] : memref<2x16x125x2x80xi32, #tpu.memory_space<hbm>> -> memref<1x16x125x2x80xi32, #tpu.memory_space<hbm>>
        %dma_start3A_340 = tpu.memref_squeeze %dma_start3A_339 : memref<1x16x125x2x80xi32, #tpu.memory_space<hbm>> -> memref<16x125x2x80xi32, #tpu.memory_space<hbm>>
        %dma_start3A_341 = arith.constant 0 : i32
        %dma_start3A_342 = arith.constant 0 : i32
        %dma_start3A_343 = arith.constant 0 : i32
        %dma_start3A_344 = tpu.memref_slice %dma_start3A_340[%arg1, %dma_start3A_341, %dma_start3A_342, %dma_start3A_343] : memref<16x125x2x80xi32, #tpu.memory_space<hbm>> -> memref<1x125x2x80xi32, #tpu.memory_space<hbm>>
        %dma_start3A_345 = tpu.memref_squeeze %dma_start3A_344 : memref<1x125x2x80xi32, #tpu.memory_space<hbm>> -> memref<125x2x80xi32, #tpu.memory_space<hbm>>
        %dma_start3A_346 = arith.constant 0 : i32
        %dma_start3A_347 = arith.constant 0 : i32
        %dma_start3A_348 = tpu.memref_slice %dma_start3A_345[%add3A_319, %dma_start3A_346, %dma_start3A_347] : memref<125x2x80xi32, #tpu.memory_space<hbm>> -> memref<1x2x80xi32, #tpu.memory_space<hbm>>
        %dma_start3A_349 = tpu.memref_squeeze %dma_start3A_348 : memref<1x2x80xi32, #tpu.memory_space<hbm>> -> memref<2x80xi32, #tpu.memory_space<hbm>>
        tpu.enqueue_dma source(%dma_start3A_349 : memref<2x80xi32, #tpu.memory_space<hbm>>) target(%arg7 : memref<2x80xi32, #tpu.memory_space<vmem>>) target_semaphore(%arg14 : memref<!tpu.dma_semaphore, #tpu.memory_space<semaphore_mem>>)
      } else {
      }
      %add3A_287 = arith.constant 2 : i32
      %add3A_288 = arith.addi %add3A_271, %add3A_287 : i32
      %lt3A_289 = arith.constant 125 : i32
      %lt3A_290 = arith.cmpi slt, %add3A_288, %lt3A_289 : i32
      %convert_element_type3A_291 = arith.extui %lt3A_290 : i1 to i32
      %cond3A_292 = arith.constant 0 : i32
      %cond3A_293 = arith.cmpi ne, %convert_element_type3A_291, %cond3A_292 : i32
      scf.if %cond3A_293 {
        %add3A_318 = arith.constant 2 : i32
        %add3A_319 = arith.addi %add3A_271, %add3A_318 : i32
        %dma_wait3A_320 = arith.constant 0 : i32
        %dma_wait3A_321 = arith.constant 0 : i32
        %dma_wait3A_322 = arith.constant 0 : i32
        %dma_wait3A_323 = arith.constant 0 : i32
        %dma_wait3A_324 = tpu.memref_slice %arg3[%arg0, %dma_wait3A_320, %dma_wait3A_321, %dma_wait3A_322, %dma_wait3A_323] : memref<2x16x125x2x80xi32, #tpu.memory_space<hbm>> -> memref<1x16x125x2x80xi32, #tpu.memory_space<hbm>>
        %dma_wait3A_325 = tpu.memref_squeeze %dma_wait3A_324 : memref<1x16x125x2x80xi32, #tpu.memory_space<hbm>> -> memref<16x125x2x80xi32, #tpu.memory_space<hbm>>
        %dma_wait3A_326 = arith.constant 0 : i32
        %dma_wait3A_327 = arith.constant 0 : i32
        %dma_wait3A_328 = arith.constant 0 : i32
        %dma_wait3A_329 = tpu.memref_slice %dma_wait3A_325[%arg1, %dma_wait3A_326, %dma_wait3A_327, %dma_wait3A_328] : memref<16x125x2x80xi32, #tpu.memory_space<hbm>> -> memref<1x125x2x80xi32, #tpu.memory_space<hbm>>
        %dma_wait3A_330 = tpu.memref_squeeze %dma_wait3A_329 : memref<1x125x2x80xi32, #tpu.memory_space<hbm>> -> memref<125x2x80xi32, #tpu.memory_space<hbm>>
        %dma_wait3A_331 = arith.constant 0 : i32
        %dma_wait3A_332 = arith.constant 0 : i32
        %dma_wait3A_333 = tpu.memref_slice %dma_wait3A_330[%add3A_319, %dma_wait3A_331, %dma_wait3A_332] : memref<125x2x80xi32, #tpu.memory_space<hbm>> -> memref<1x2x80xi32, #tpu.memory_space<hbm>>
        %dma_wait3A_334 = tpu.memref_squeeze %dma_wait3A_333 : memref<1x2x80xi32, #tpu.memory_space<hbm>> -> memref<2x80xi32, #tpu.memory_space<hbm>>
        %dma_wait3A_335 = arith.constant 0 : i32
        %dma_wait3A_336 = arith.constant 0 : i32
        %dma_wait3A_337 = arith.constant 0 : i32
        %dma_wait3A_338 = arith.constant 0 : i32
        %dma_wait3A_339 = tpu.memref_slice %arg3[%arg0, %dma_wait3A_335, %dma_wait3A_336, %dma_wait3A_337, %dma_wait3A_338] : memref<2x16x125x2x80xi32, #tpu.memory_space<hbm>> -> memref<1x16x125x2x80xi32, #tpu.memory_space<hbm>>
        %dma_wait3A_340 = tpu.memref_squeeze %dma_wait3A_339 : memref<1x16x125x2x80xi32, #tpu.memory_space<hbm>> -> memref<16x125x2x80xi32, #tpu.memory_space<hbm>>
        %dma_wait3A_341 = arith.constant 0 : i32
        %dma_wait3A_342 = arith.constant 0 : i32
        %dma_wait3A_343 = arith.constant 0 : i32
        %dma_wait3A_344 = tpu.memref_slice %dma_wait3A_340[%arg1, %dma_wait3A_341, %dma_wait3A_342, %dma_wait3A_343] : memref<16x125x2x80xi32, #tpu.memory_space<hbm>> -> memref<1x125x2x80xi32, #tpu.memory_space<hbm>>
        %dma_wait3A_345 = tpu.memref_squeeze %dma_wait3A_344 : memref<1x125x2x80xi32, #tpu.memory_space<hbm>> -> memref<125x2x80xi32, #tpu.memory_space<hbm>>
        %dma_wait3A_346 = arith.constant 0 : i32
        %dma_wait3A_347 = arith.constant 0 : i32
        %dma_wait3A_348 = tpu.memref_slice %dma_wait3A_345[%add3A_319, %dma_wait3A_346, %dma_wait3A_347] : memref<125x2x80xi32, #tpu.memory_space<hbm>> -> memref<1x2x80xi32, #tpu.memory_space<hbm>>
        %dma_wait3A_349 = tpu.memref_squeeze %dma_wait3A_348 : memref<1x2x80xi32, #tpu.memory_space<hbm>> -> memref<2x80xi32, #tpu.memory_space<hbm>>
        tpu.wait_dma2 semaphore(%arg12 : memref<!tpu.dma_semaphore, #tpu.memory_space<semaphore_mem>>) src(%dma_wait3A_349 : memref<2x80xi32, #tpu.memory_space<hbm>>) dst(%arg5 : memref<2x80xi32, #tpu.memory_space<vmem>>)
        %dma_start3A_350 = arith.constant 0 : i32
        %dma_start3A_351 = arith.constant 0 : i32
        %dma_start3A_352 = tpu.memref_slice %arg5[%dma_start3A_350, %dma_start3A_351] : memref<2x80xi32, #tpu.memory_space<vmem>> -> memref<1x80xi32, #tpu.memory_space<vmem>>
        %dma_start3A_353 = tpu.memref_squeeze %dma_start3A_352 : memref<1x80xi32, #tpu.memory_space<vmem>> -> memref<80xi32, #tpu.memory_space<vmem>>
        %dma_start3A_354 = arith.constant 0 : i32
        %dma_start3A_355 = arith.constant 0 : i32
        %dma_start3A_356 = tpu.memref_slice %arg2[%dma_start3A_354, %dma_start3A_355] : memref<10000x128xf32, #tpu.memory_space<hbm>> -> memref<10000x128xf32, #tpu.memory_space<hbm>>
        tpu.enqueue_indirect_dma source(%dma_start3A_356 : memref<10000x128xf32, #tpu.memory_space<hbm>>) target(%arg9 : memref<80x128xf32, #tpu.memory_space<vmem>>) offsets(%dma_start3A_353 : memref<80xi32, #tpu.memory_space<vmem>>) semaphore(%arg16 : memref<!tpu.dma_semaphore, #tpu.memory_space<semaphore_mem>>)
      } else {
      }
      %add3A_294 = arith.constant 3 : i32
      %add3A_295 = arith.addi %add3A_224, %add3A_294 : i32
      %dma_wait3A_296 = arith.constant 0 : i32
      %dma_wait3A_297 = arith.constant 0 : i32
      %dma_wait3A_298 = tpu.memref_slice %arg8[%dma_wait3A_296, %dma_wait3A_297] : memref<2x80xi32, #tpu.memory_space<vmem>> -> memref<1x80xi32, #tpu.memory_space<vmem>>
      %dma_wait3A_299 = tpu.memref_squeeze %dma_wait3A_298 : memref<1x80xi32, #tpu.memory_space<vmem>> -> memref<80xi32, #tpu.memory_space<vmem>>
      %dma_wait3A_300 = arith.constant 0 : i32
      %dma_wait3A_301 = arith.constant 0 : i32
      %dma_wait3A_302 = tpu.memref_slice %arg2[%dma_wait3A_300, %dma_wait3A_301] : memref<10000x128xf32, #tpu.memory_space<hbm>> -> memref<10000x128xf32, #tpu.memory_space<hbm>>
      tpu.wait_indirect_dma semaphore(%arg17 : memref<!tpu.dma_semaphore, #tpu.memory_space<semaphore_mem>>) src(%dma_wait3A_302 : memref<10000x128xf32, #tpu.memory_space<hbm>>) dst(%arg10 : memref<80x128xf32, #tpu.memory_space<vmem>>)
      %run_scoped3A_303 = arith.constant 1 : i32
      "tpu.region"() ({
        %run_scoped3A_318 = tpu.sem_alloc : memref<!tpu.dma_semaphore, #tpu.memory_space<semaphore_mem>>
        %dma_start3A_319 = arith.constant 0 : i32
        %dma_start3A_320 = tpu.memref_slice %arg8[%run_scoped3A_303, %dma_start3A_319] : memref<2x80xi32, #tpu.memory_space<vmem>> -> memref<1x80xi32, #tpu.memory_space<vmem>>
        %dma_start3A_321 = tpu.memref_squeeze %dma_start3A_320 : memref<1x80xi32, #tpu.memory_space<vmem>> -> memref<80xi32, #tpu.memory_space<vmem>>
        %dma_start3A_322 = arith.constant 0 : i32
        %dma_start3A_323 = arith.constant 0 : i32
        %dma_start3A_324 = tpu.memref_slice %arg11[%dma_start3A_322, %dma_start3A_323] : memref<10240x128xf32, #tpu.memory_space<vmem_shared>> -> memref<10240x128xf32, #tpu.memory_space<vmem_shared>>
        tpu.enqueue_indirect_dma source(%arg10 : memref<80x128xf32, #tpu.memory_space<vmem>>) target(%dma_start3A_324 : memref<10240x128xf32, #tpu.memory_space<vmem_shared>>) offsets(%dma_start3A_321 : memref<80xi32, #tpu.memory_space<vmem>>) semaphore(%run_scoped3A_318 : memref<!tpu.dma_semaphore, #tpu.memory_space<semaphore_mem>>) {add = true}
        %dma_wait3A_325 = arith.constant 0 : i32
        %dma_wait3A_326 = tpu.memref_slice %arg8[%run_scoped3A_303, %dma_wait3A_325] : memref<2x80xi32, #tpu.memory_space<vmem>> -> memref<1x80xi32, #tpu.memory_space<vmem>>
        %dma_wait3A_327 = tpu.memref_squeeze %dma_wait3A_326 : memref<1x80xi32, #tpu.memory_space<vmem>> -> memref<80xi32, #tpu.memory_space<vmem>>
        %dma_wait3A_328 = arith.constant 0 : i32
        %dma_wait3A_329 = arith.constant 0 : i32
        %dma_wait3A_330 = tpu.memref_slice %arg11[%dma_wait3A_328, %dma_wait3A_329] : memref<10240x128xf32, #tpu.memory_space<vmem_shared>> -> memref<10240x128xf32, #tpu.memory_space<vmem_shared>>
        tpu.wait_indirect_dma semaphore(%run_scoped3A_318 : memref<!tpu.dma_semaphore, #tpu.memory_space<semaphore_mem>>) src(%arg10 : memref<80x128xf32, #tpu.memory_space<vmem>>) dst(%dma_wait3A_330 : memref<10240x128xf32, #tpu.memory_space<vmem_shared>>)
        tpu.yield
      }) : () -> ()
      %add3A_304 = arith.constant 4 : i32
      %add3A_305 = arith.addi %add3A_295, %add3A_304 : i32
      %lt3A_306 = arith.constant 125 : i32
      %lt3A_307 = arith.cmpi slt, %add3A_305, %lt3A_306 : i32
      %convert_element_type3A_308 = arith.extui %lt3A_307 : i1 to i32
      %cond3A_309 = arith.constant 0 : i32
      %cond3A_310 = arith.cmpi ne, %convert_element_type3A_308, %cond3A_309 : i32
      scf.if %cond3A_310 {
        %add3A_318 = arith.constant 4 : i32
        %add3A_319 = arith.addi %add3A_295, %add3A_318 : i32
        %dma_start3A_320 = arith.constant 0 : i32
        %dma_start3A_321 = arith.constant 0 : i32
        %dma_start3A_322 = arith.constant 0 : i32
        %dma_start3A_323 = arith.constant 0 : i32
        %dma_start3A_324 = tpu.memref_slice %arg3[%arg0, %dma_start3A_320, %dma_start3A_321, %dma_start3A_322, %dma_start3A_323] : memref<2x16x125x2x80xi32, #tpu.memory_space<hbm>> -> memref<1x16x125x2x80xi32, #tpu.memory_space<hbm>>
        %dma_start3A_325 = tpu.memref_squeeze %dma_start3A_324 : memref<1x16x125x2x80xi32, #tpu.memory_space<hbm>> -> memref<16x125x2x80xi32, #tpu.memory_space<hbm>>
        %dma_start3A_326 = arith.constant 0 : i32
        %dma_start3A_327 = arith.constant 0 : i32
        %dma_start3A_328 = arith.constant 0 : i32
        %dma_start3A_329 = tpu.memref_slice %dma_start3A_325[%arg1, %dma_start3A_326, %dma_start3A_327, %dma_start3A_328] : memref<16x125x2x80xi32, #tpu.memory_space<hbm>> -> memref<1x125x2x80xi32, #tpu.memory_space<hbm>>
        %dma_start3A_330 = tpu.memref_squeeze %dma_start3A_329 : memref<1x125x2x80xi32, #tpu.memory_space<hbm>> -> memref<125x2x80xi32, #tpu.memory_space<hbm>>
        %dma_start3A_331 = arith.constant 0 : i32
        %dma_start3A_332 = arith.constant 0 : i32
        %dma_start3A_333 = tpu.memref_slice %dma_start3A_330[%add3A_319, %dma_start3A_331, %dma_start3A_332] : memref<125x2x80xi32, #tpu.memory_space<hbm>> -> memref<1x2x80xi32, #tpu.memory_space<hbm>>
        %dma_start3A_334 = tpu.memref_squeeze %dma_start3A_333 : memref<1x2x80xi32, #tpu.memory_space<hbm>> -> memref<2x80xi32, #tpu.memory_space<hbm>>
        %dma_start3A_335 = arith.constant 0 : i32
        %dma_start3A_336 = arith.constant 0 : i32
        %dma_start3A_337 = arith.constant 0 : i32
        %dma_start3A_338 = arith.constant 0 : i32
        %dma_start3A_339 = tpu.memref_slice %arg3[%arg0, %dma_start3A_335, %dma_start3A_336, %dma_start3A_337, %dma_start3A_338] : memref<2x16x125x2x80xi32, #tpu.memory_space<hbm>> -> memref<1x16x125x2x80xi32, #tpu.memory_space<hbm>>
        %dma_start3A_340 = tpu.memref_squeeze %dma_start3A_339 : memref<1x16x125x2x80xi32, #tpu.memory_space<hbm>> -> memref<16x125x2x80xi32, #tpu.memory_space<hbm>>
        %dma_start3A_341 = arith.constant 0 : i32
        %dma_start3A_342 = arith.constant 0 : i32
        %dma_start3A_343 = arith.constant 0 : i32
        %dma_start3A_344 = tpu.memref_slice %dma_start3A_340[%arg1, %dma_start3A_341, %dma_start3A_342, %dma_start3A_343] : memref<16x125x2x80xi32, #tpu.memory_space<hbm>> -> memref<1x125x2x80xi32, #tpu.memory_space<hbm>>
        %dma_start3A_345 = tpu.memref_squeeze %dma_start3A_344 : memref<1x125x2x80xi32, #tpu.memory_space<hbm>> -> memref<125x2x80xi32, #tpu.memory_space<hbm>>
        %dma_start3A_346 = arith.constant 0 : i32
        %dma_start3A_347 = arith.constant 0 : i32
        %dma_start3A_348 = tpu.memref_slice %dma_start3A_345[%add3A_319, %dma_start3A_346, %dma_start3A_347] : memref<125x2x80xi32, #tpu.memory_space<hbm>> -> memref<1x2x80xi32, #tpu.memory_space<hbm>>
        %dma_start3A_349 = tpu.memref_squeeze %dma_start3A_348 : memref<1x2x80xi32, #tpu.memory_space<hbm>> -> memref<2x80xi32, #tpu.memory_space<hbm>>
        tpu.enqueue_dma source(%dma_start3A_349 : memref<2x80xi32, #tpu.memory_space<hbm>>) target(%arg8 : memref<2x80xi32, #tpu.memory_space<vmem>>) target_semaphore(%arg15 : memref<!tpu.dma_semaphore, #tpu.memory_space<semaphore_mem>>)
      } else {
      }
      %add3A_311 = arith.constant 2 : i32
      %add3A_312 = arith.addi %add3A_295, %add3A_311 : i32
      %lt3A_313 = arith.constant 125 : i32
      %lt3A_314 = arith.cmpi slt, %add3A_312, %lt3A_313 : i32
      %convert_element_type3A_315 = arith.extui %lt3A_314 : i1 to i32
      %cond3A_316 = arith.constant 0 : i32
      %cond3A_317 = arith.cmpi ne, %convert_element_type3A_315, %cond3A_316 : i32
      scf.if %cond3A_317 {
        %add3A_318 = arith.constant 2 : i32
        %add3A_319 = arith.addi %add3A_295, %add3A_318 : i32
        %dma_wait3A_320 = arith.constant 0 : i32
        %dma_wait3A_321 = arith.constant 0 : i32
        %dma_wait3A_322 = arith.constant 0 : i32
        %dma_wait3A_323 = arith.constant 0 : i32
        %dma_wait3A_324 = tpu.memref_slice %arg3[%arg0, %dma_wait3A_320, %dma_wait3A_321, %dma_wait3A_322, %dma_wait3A_323] : memref<2x16x125x2x80xi32, #tpu.memory_space<hbm>> -> memref<1x16x125x2x80xi32, #tpu.memory_space<hbm>>
        %dma_wait3A_325 = tpu.memref_squeeze %dma_wait3A_324 : memref<1x16x125x2x80xi32, #tpu.memory_space<hbm>> -> memref<16x125x2x80xi32, #tpu.memory_space<hbm>>
        %dma_wait3A_326 = arith.constant 0 : i32
        %dma_wait3A_327 = arith.constant 0 : i32
        %dma_wait3A_328 = arith.constant 0 : i32
        %dma_wait3A_329 = tpu.memref_slice %dma_wait3A_325[%arg1, %dma_wait3A_326, %dma_wait3A_327, %dma_wait3A_328] : memref<16x125x2x80xi32, #tpu.memory_space<hbm>> -> memref<1x125x2x80xi32, #tpu.memory_space<hbm>>
        %dma_wait3A_330 = tpu.memref_squeeze %dma_wait3A_329 : memref<1x125x2x80xi32, #tpu.memory_space<hbm>> -> memref<125x2x80xi32, #tpu.memory_space<hbm>>
        %dma_wait3A_331 = arith.constant 0 : i32
        %dma_wait3A_332 = arith.constant 0 : i32
        %dma_wait3A_333 = tpu.memref_slice %dma_wait3A_330[%add3A_319, %dma_wait3A_331, %dma_wait3A_332] : memref<125x2x80xi32, #tpu.memory_space<hbm>> -> memref<1x2x80xi32, #tpu.memory_space<hbm>>
        %dma_wait3A_334 = tpu.memref_squeeze %dma_wait3A_333 : memref<1x2x80xi32, #tpu.memory_space<hbm>> -> memref<2x80xi32, #tpu.memory_space<hbm>>
        %dma_wait3A_335 = arith.constant 0 : i32
        %dma_wait3A_336 = arith.constant 0 : i32
        %dma_wait3A_337 = arith.constant 0 : i32
        %dma_wait3A_338 = arith.constant 0 : i32
        %dma_wait3A_339 = tpu.memref_slice %arg3[%arg0, %dma_wait3A_335, %dma_wait3A_336, %dma_wait3A_337, %dma_wait3A_338] : memref<2x16x125x2x80xi32, #tpu.memory_space<hbm>> -> memref<1x16x125x2x80xi32, #tpu.memory_space<hbm>>
        %dma_wait3A_340 = tpu.memref_squeeze %dma_wait3A_339 : memref<1x16x125x2x80xi32, #tpu.memory_space<hbm>> -> memref<16x125x2x80xi32, #tpu.memory_space<hbm>>
        %dma_wait3A_341 = arith.constant 0 : i32
        %dma_wait3A_342 = arith.constant 0 : i32
        %dma_wait3A_343 = arith.constant 0 : i32
        %dma_wait3A_344 = tpu.memref_slice %dma_wait3A_340[%arg1, %dma_wait3A_341, %dma_wait3A_342, %dma_wait3A_343] : memref<16x125x2x80xi32, #tpu.memory_space<hbm>> -> memref<1x125x2x80xi32, #tpu.memory_space<hbm>>
        %dma_wait3A_345 = tpu.memref_squeeze %dma_wait3A_344 : memref<1x125x2x80xi32, #tpu.memory_space<hbm>> -> memref<125x2x80xi32, #tpu.memory_space<hbm>>
        %dma_wait3A_346 = arith.constant 0 : i32
        %dma_wait3A_347 = arith.constant 0 : i32
        %dma_wait3A_348 = tpu.memref_slice %dma_wait3A_345[%add3A_319, %dma_wait3A_346, %dma_wait3A_347] : memref<125x2x80xi32, #tpu.memory_space<hbm>> -> memref<1x2x80xi32, #tpu.memory_space<hbm>>
        %dma_wait3A_349 = tpu.memref_squeeze %dma_wait3A_348 : memref<1x2x80xi32, #tpu.memory_space<hbm>> -> memref<2x80xi32, #tpu.memory_space<hbm>>
        tpu.wait_dma2 semaphore(%arg13 : memref<!tpu.dma_semaphore, #tpu.memory_space<semaphore_mem>>) src(%dma_wait3A_349 : memref<2x80xi32, #tpu.memory_space<hbm>>) dst(%arg6 : memref<2x80xi32, #tpu.memory_space<vmem>>)
        %dma_start3A_350 = arith.constant 0 : i32
        %dma_start3A_351 = arith.constant 0 : i32
        %dma_start3A_352 = tpu.memref_slice %arg6[%dma_start3A_350, %dma_start3A_351] : memref<2x80xi32, #tpu.memory_space<vmem>> -> memref<1x80xi32, #tpu.memory_space<vmem>>
        %dma_start3A_353 = tpu.memref_squeeze %dma_start3A_352 : memref<1x80xi32, #tpu.memory_space<vmem>> -> memref<80xi32, #tpu.memory_space<vmem>>
        %dma_start3A_354 = arith.constant 0 : i32
        %dma_start3A_355 = arith.constant 0 : i32
        %dma_start3A_356 = tpu.memref_slice %arg2[%dma_start3A_354, %dma_start3A_355] : memref<10000x128xf32, #tpu.memory_space<hbm>> -> memref<10000x128xf32, #tpu.memory_space<hbm>>
        tpu.enqueue_indirect_dma source(%dma_start3A_356 : memref<10000x128xf32, #tpu.memory_space<hbm>>) target(%arg10 : memref<80x128xf32, #tpu.memory_space<vmem>>) offsets(%dma_start3A_353 : memref<80xi32, #tpu.memory_space<vmem>>) semaphore(%arg17 : memref<!tpu.dma_semaphore, #tpu.memory_space<semaphore_mem>>)
      } else {
      }
    }
    %scan3A_212 = arith.constant 31 : i32
    %dma_wait3A_213 = arith.constant 0 : i32
    %dma_wait3A_214 = arith.constant 0 : i32
    %dma_wait3A_215 = tpu.memref_slice %arg5[%dma_wait3A_213, %dma_wait3A_214] : memref<2x80xi32, #tpu.memory_space<vmem>> -> memref<1x80xi32, #tpu.memory_space<vmem>>
    %dma_wait3A_216 = tpu.memref_squeeze %dma_wait3A_215 : memref<1x80xi32, #tpu.memory_space<vmem>> -> memref<80xi32, #tpu.memory_space<vmem>>
    %dma_wait3A_217 = arith.constant 0 : i32
    %dma_wait3A_218 = arith.constant 0 : i32
    %dma_wait3A_219 = tpu.memref_slice %arg2[%dma_wait3A_217, %dma_wait3A_218] : memref<10000x128xf32, #tpu.memory_space<hbm>> -> memref<10000x128xf32, #tpu.memory_space<hbm>>
    tpu.wait_indirect_dma semaphore(%arg16 : memref<!tpu.dma_semaphore, #tpu.memory_space<semaphore_mem>>) src(%dma_wait3A_219 : memref<10000x128xf32, #tpu.memory_space<hbm>>) dst(%arg9 : memref<80x128xf32, #tpu.memory_space<vmem>>)
    %run_scoped3A = arith.constant 1 : i32
    "tpu.region"() ({
      %run_scoped3A_221 = tpu.sem_alloc : memref<!tpu.dma_semaphore, #tpu.memory_space<semaphore_mem>>
      %dma_start3A_222 = arith.constant 0 : i32
      %dma_start3A_223 = tpu.memref_slice %arg5[%run_scoped3A, %dma_start3A_222] : memref<2x80xi32, #tpu.memory_space<vmem>> -> memref<1x80xi32, #tpu.memory_space<vmem>>
      %dma_start3A_224 = tpu.memref_squeeze %dma_start3A_223 : memref<1x80xi32, #tpu.memory_space<vmem>> -> memref<80xi32, #tpu.memory_space<vmem>>
      %dma_start3A_225 = arith.constant 0 : i32
      %dma_start3A_226 = arith.constant 0 : i32
      %dma_start3A_227 = tpu.memref_slice %arg11[%dma_start3A_225, %dma_start3A_226] : memref<10240x128xf32, #tpu.memory_space<vmem_shared>> -> memref<10240x128xf32, #tpu.memory_space<vmem_shared>>
      tpu.enqueue_indirect_dma source(%arg9 : memref<80x128xf32, #tpu.memory_space<vmem>>) target(%dma_start3A_227 : memref<10240x128xf32, #tpu.memory_space<vmem_shared>>) offsets(%dma_start3A_224 : memref<80xi32, #tpu.memory_space<vmem>>) semaphore(%run_scoped3A_221 : memref<!tpu.dma_semaphore, #tpu.memory_space<semaphore_mem>>) {add = true}
      %dma_wait3A_228 = arith.constant 0 : i32
      %dma_wait3A_229 = tpu.memref_slice %arg5[%run_scoped3A, %dma_wait3A_228] : memref<2x80xi32, #tpu.memory_space<vmem>> -> memref<1x80xi32, #tpu.memory_space<vmem>>
      %dma_wait3A_230 = tpu.memref_squeeze %dma_wait3A_229 : memref<1x80xi32, #tpu.memory_space<vmem>> -> memref<80xi32, #tpu.memory_space<vmem>>
      %dma_wait3A_231 = arith.constant 0 : i32
      %dma_wait3A_232 = arith.constant 0 : i32
      %dma_wait3A_233 = tpu.memref_slice %arg11[%dma_wait3A_231, %dma_wait3A_232] : memref<10240x128xf32, #tpu.memory_space<vmem_shared>> -> memref<10240x128xf32, #tpu.memory_space<vmem_shared>>
      tpu.wait_indirect_dma semaphore(%run_scoped3A_221 : memref<!tpu.dma_semaphore, #tpu.memory_space<semaphore_mem>>) src(%arg9 : memref<80x128xf32, #tpu.memory_space<vmem>>) dst(%dma_wait3A_233 : memref<10240x128xf32, #tpu.memory_space<vmem_shared>>)
      tpu.yield
    }) : () -> ()
    %barrier3A_220 = arith.constant 0 : index
    tpu.barrier barrier_id(%barrier3A_220)
    "tpu.region"() ({
      %run_scoped3A_221 = tpu.sem_alloc : memref<!tpu.dma_semaphore, #tpu.memory_space<semaphore_mem>>
      %dma_start3A_222 = arith.constant 0 : i32
      %dma_start3A_223 = arith.constant 0 : i32
      %dma_start3A_224 = tpu.memref_slice %arg4[%arg0, %dma_start3A_222, %dma_start3A_223] : memref<2x10240x128xf32, #tpu.memory_space<hbm>> -> memref<1x10240x128xf32, #tpu.memory_space<hbm>>
      %dma_start3A_225 = tpu.memref_squeeze %dma_start3A_224 : memref<1x10240x128xf32, #tpu.memory_space<hbm>> -> memref<10240x128xf32, #tpu.memory_space<hbm>>
      %dma_start3A_226 = arith.constant 0 : i32
      %dma_start3A_227 = tpu.memref_slice %dma_start3A_225[%mul3A_0, %dma_start3A_226] : memref<10240x128xf32, #tpu.memory_space<hbm>> -> memref<640x128xf32, #tpu.memory_space<hbm>>
      %dma_start3A_228 = arith.constant 0 : i32
      %dma_start3A_229 = tpu.memref_slice %arg11[%mul3A_0, %dma_start3A_228] : memref<10240x128xf32, #tpu.memory_space<vmem_shared>> -> memref<640x128xf32, #tpu.memory_space<vmem_shared>>
      tpu.enqueue_dma source(%dma_start3A_229 : memref<640x128xf32, #tpu.memory_space<vmem_shared>>) target(%dma_start3A_227 : memref<640x128xf32, #tpu.memory_space<hbm>>) target_semaphore(%run_scoped3A_221 : memref<!tpu.dma_semaphore, #tpu.memory_space<semaphore_mem>>)
      %dma_wait3A_230 = arith.constant 0 : i32
      %dma_wait3A_231 = arith.constant 0 : i32
      %dma_wait3A_232 = tpu.memref_slice %arg4[%arg0, %dma_wait3A_230, %dma_wait3A_231] : memref<2x10240x128xf32, #tpu.memory_space<hbm>> -> memref<1x10240x128xf32, #tpu.memory_space<hbm>>
      %dma_wait3A_233 = tpu.memref_squeeze %dma_wait3A_232 : memref<1x10240x128xf32, #tpu.memory_space<hbm>> -> memref<10240x128xf32, #tpu.memory_space<hbm>>
      %dma_wait3A_234 = arith.constant 0 : i32
      %dma_wait3A_235 = tpu.memref_slice %dma_wait3A_233[%mul3A_0, %dma_wait3A_234] : memref<10240x128xf32, #tpu.memory_space<hbm>> -> memref<640x128xf32, #tpu.memory_space<hbm>>
      %dma_wait3A_236 = arith.constant 0 : i32
      %dma_wait3A_237 = tpu.memref_slice %arg11[%mul3A_0, %dma_wait3A_236] : memref<10240x128xf32, #tpu.memory_space<vmem_shared>> -> memref<640x128xf32, #tpu.memory_space<vmem_shared>>
      tpu.wait_dma2 semaphore(%run_scoped3A_221 : memref<!tpu.dma_semaphore, #tpu.memory_space<semaphore_mem>>) src(%dma_wait3A_237 : memref<640x128xf32, #tpu.memory_space<vmem_shared>>) dst(%dma_wait3A_235 : memref<640x128xf32, #tpu.memory_space<hbm>>)
      tpu.yield
    }) : () -> ()
    return
  }
}

#map = affine_map<(d0, d1) -> (0, 0)>
#map1 = affine_map<(d0, d1) -> (0, 0, 0, 0, 0)>
#map2 = affine_map<(d0, d1) -> (0, 0, 0)>
module attributes {stable_mosaic.version = 14 : i64} {
  func.func @k(%arg0: i32, %arg1: i32, %arg2: memref<10000x128xf32, #tpu.memory_space<hbm>>, %arg3: memref<2x16x125x2x80xi32, #tpu.memory_space<hbm>>, %arg4: memref<2x10240x128xf32, #tpu.memory_space<hbm>>, %arg5: memref<2x80xi32, #tpu.memory_space<vmem>>, %arg6: memref<2x80xi32, #tpu.memory_space<vmem>>, %arg7: memref<2x80xi32, #tpu.memory_space<vmem>>, %arg8: memref<2x80xi32, #tpu.memory_space<vmem>>, %arg9: memref<80x128xf32, #tpu.memory_space<vmem>>, %arg10: memref<80x128xf32, #tpu.memory_space<vmem>>, %arg11: memref<10240x128xf32, #tpu.memory_space<vmem_shared>>, %arg12: memref<!tpu.dma_semaphore, #tpu.memory_space<semaphore_mem>>, %arg13: memref<!tpu.dma_semaphore, #tpu.memory_space<semaphore_mem>>, %arg14: memref<!tpu.dma_semaphore, #tpu.memory_space<semaphore_mem>>, %arg15: memref<!tpu.dma_semaphore, #tpu.memory_space<semaphore_mem>>, %arg16: memref<!tpu.dma_semaphore, #tpu.memory_space<semaphore_mem>>, %arg17: memref<!tpu.dma_semaphore, #tpu.memory_space<semaphore_mem>>) attributes {dimension_semantics = [#tpu.dimension_semantics<core_parallel>, #tpu.dimension_semantics<subcore_parallel>], iteration_bounds = array<i64: 2, 16>, scalar_prefetch = 0 : i64, scratch_operands = 13 : i64, tpu.core_type = #tpu.core_type<sc_vector_subcore>, window_params = [{transform_indices = #map}, {transform_indices = #map1}, {transform_indices = #map2}]} {
    %mul3A = arith.constant 640 : i32
    %mul3A_0 = arith.muli %arg1, %mul3A : i32
    %scan3A = arith.constant 0 : i32
    %scan3A_1 = arith.constant 80 : i32
    %scan3A_2 = arith.addi %scan3A, %scan3A_1 : i32
    %scan3A_3 = arith.constant 1 : i32
    scf.for %scan3A_221 = %scan3A to %scan3A_2 step %scan3A_3  : i32 {
      %mul3A_222 = arith.constant 1 : i32
      %mul3A_223 = arith.muli %scan3A_221, %mul3A_222 : i32
      %add3A = arith.constant 0 : i32
      %add3A_224 = arith.addi %add3A, %mul3A_223 : i32
      %broadcast_in_dim3A = arith.constant 0.000000e+00 : f32
      %broadcast_in_dim3A_225 = vector.broadcast %broadcast_in_dim3A : f32 to vector<16xf32>
      %swap3A = arith.index_cast %add3A_224 : i32 to index
      %swap3A_226 = arith.constant 0 : index
      %swap3A_227 = tpu.vector_load %arg9[%swap3A, %swap3A_226] {strides = array<i32>} : memref<80x128xf32, #tpu.memory_space<vmem>>, vector<1x16xf32>,
      %swap3A_228 = vector.shape_cast %swap3A_227 : vector<1x16xf32> to vector<16xf32>
      %swap3A_229 = vector.shape_cast %broadcast_in_dim3A_225 : vector<16xf32> to vector<1x16xf32>
      tpu.vector_store %arg9[%swap3A, %swap3A_226], %swap3A_229 {strides = array<i32>} : memref<80x128xf32, #tpu.memory_space<vmem>>, vector<1x16xf32>,
      %broadcast_in_dim3A_230 = arith.constant 0.000000e+00 : f32
      %broadcast_in_dim3A_231 = vector.broadcast %broadcast_in_dim3A_230 : f32 to vector<16xf32>
      %swap3A_232 = arith.index_cast %add3A_224 : i32 to index
      %swap3A_233 = arith.constant 16 : index
      %swap3A_234 = tpu.vector_load %arg9[%swap3A_232, %swap3A_233] {strides = array<i32>} : memref<80x128xf32, #tpu.memory_space<vmem>>, vector<1x16xf32>,
      %swap3A_235 = vector.shape_cast %swap3A_234 : vector<1x16xf32> to vector<16xf32>
      %swap3A_236 = vector.shape_cast %broadcast_in_dim3A_231 : vector<16xf32> to vector<1x16xf32>
      tpu.vector_store %arg9[%swap3A_232, %swap3A_233], %swap3A_236 {strides = array<i32>} : memref<80x128xf32, #tpu.memory_space<vmem>>, vector<1x16xf32>,
      %broadcast_in_dim3A_237 = arith.constant 0.000000e+00 : f32
      %broadcast_in_dim3A_238 = vector.broadcast %broadcast_in_dim3A_237 : f32 to vector<16xf32>
      %swap3A_239 = arith.index_cast %add3A_224 : i32 to index
      %swap3A_240 = arith.constant 32 : index
      %swap3A_241 = tpu.vector_load %arg9[%swap3A_239, %swap3A_240] {strides = array<i32>} : memref<80x128xf32, #tpu.memory_space<vmem>>, vector<1x16xf32>,
      %swap3A_242 = vector.shape_cast %swap3A_241 : vector<1x16xf32> to vector<16xf32>
      %swap3A_243 = vector.shape_cast %broadcast_in_dim3A_238 : vector<16xf32> to vector<1x16xf32>
      tpu.vector_store %arg9[%swap3A_239, %swap3A_240], %swap3A_243 {strides = array<i32>} : memref<80x128xf32, #tpu.memory_space<vmem>>, vector<1x16xf32>,
      %broadcast_in_dim3A_244 = arith.constant 0.000000e+00 : f32
      %broadcast_in_dim3A_245 = vector.broadcast %broadcast_in_dim3A_244 : f32 to vector<16xf32>
      %swap3A_246 = arith.index_cast %add3A_224 : i32 to index
      %swap3A_247 = arith.constant 48 : index
      %swap3A_248 = tpu.vector_load %arg9[%swap3A_246, %swap3A_247] {strides = array<i32>} : memref<80x128xf32, #tpu.memory_space<vmem>>, vector<1x16xf32>,
      %swap3A_249 = vector.shape_cast %swap3A_248 : vector<1x16xf32> to vector<16xf32>
      %swap3A_250 = vector.shape_cast %broadcast_in_dim3A_245 : vector<16xf32> to vector<1x16xf32>
      tpu.vector_store %arg9[%swap3A_246, %swap3A_247], %swap3A_250 {strides = array<i32>} : memref<80x128xf32, #tpu.memory_space<vmem>>, vector<1x16xf32>,
      %broadcast_in_dim3A_251 = arith.constant 0.000000e+00 : f32
      %broadcast_in_dim3A_252 = vector.broadcast %broadcast_in_dim3A_251 : f32 to vector<16xf32>
      %swap3A_253 = arith.index_cast %add3A_224 : i32 to index
      %swap3A_254 = arith.constant 64 : index
      %swap3A_255 = tpu.vector_load %arg9[%swap3A_253, %swap3A_254] {strides = array<i32>} : memref<80x128xf32, #tpu.memory_space<vmem>>, vector<1x16xf32>,
      %swap3A_256 = vector.shape_cast %swap3A_255 : vector<1x16xf32> to vector<16xf32>
      %swap3A_257 = vector.shape_cast %broadcast_in_dim3A_252 : vector<16xf32> to vector<1x16xf32>
      tpu.vector_store %arg9[%swap3A_253, %swap3A_254], %swap3A_257 {strides = array<i32>} : memref<80x128xf32, #tpu.memory_space<vmem>>, vector<1x16xf32>,
      %broadcast_in_dim3A_258 = arith.constant 0.000000e+00 : f32
      %broadcast_in_dim3A_259 = vector.broadcast %broadcast_in_dim3A_258 : f32 to vector<16xf32>
      %swap3A_260 = arith.index_cast %add3A_224 : i32 to index
      %swap3A_261 = arith.constant 80 : index
      %swap3A_262 = tpu.vector_load %arg9[%swap3A_260, %swap3A_261] {strides = array<i32>} : memref<80x128xf32, #tpu.memory_space<vmem>>, vector<1x16xf32>,
      %swap3A_263 = vector.shape_cast %swap3A_262 : vector<1x16xf32> to vector<16xf32>
      %swap3A_264 = vector.shape_cast %broadcast_in_dim3A_259 : vector<16xf32> to vector<1x16xf32>
      tpu.vector_store %arg9[%swap3A_260, %swap3A_261], %swap3A_264 {strides = array<i32>} : memref<80x128xf32, #tpu.memory_space<vmem>>, vector<1x16xf32>,
      %broadcast_in_dim3A_265 = arith.constant 0.000000e+00 : f32
      %broadcast_in_dim3A_266 = vector.broadcast %broadcast_in_dim3A_265 : f32 to vector<16xf32>
      %swap3A_267 = arith.index_cast %add3A_224 : i32 to index
      %swap3A_268 = arith.constant 96 : index
      %swap3A_269 = tpu.vector_load %arg9[%swap3A_267, %swap3A_268] {strides = array<i32>} : memref<80x128xf32, #tpu.memory_space<vmem>>, vector<1x16xf32>,
      %swap3A_270 = vector.shape_cast %swap3A_269 : vector<1x16xf32> to vector<16xf32>
      %swap3A_271 = vector.shape_cast %broadcast_in_dim3A_266 : vector<16xf32> to vector<1x16xf32>
      tpu.vector_store %arg9[%swap3A_267, %swap3A_268], %swap3A_271 {strides = array<i32>} : memref<80x128xf32, #tpu.memory_space<vmem>>, vector<1x16xf32>,
      %broadcast_in_dim3A_272 = arith.constant 0.000000e+00 : f32
      %broadcast_in_dim3A_273 = vector.broadcast %broadcast_in_dim3A_272 : f32 to vector<16xf32>
      %swap3A_274 = arith.index_cast %add3A_224 : i32 to index
      %swap3A_275 = arith.constant 112 : index
      %swap3A_276 = tpu.vector_load %arg9[%swap3A_274, %swap3A_275] {strides = array<i32>} : memref<80x128xf32, #tpu.memory_space<vmem>>, vector<1x16xf32>,
      %swap3A_277 = vector.shape_cast %swap3A_276 : vector<1x16xf32> to vector<16xf32>
      %swap3A_278 = vector.shape_cast %broadcast_in_dim3A_273 : vector<16xf32> to vector<1x16xf32>
      tpu.vector_store %arg9[%swap3A_274, %swap3A_275], %swap3A_278 {strides = array<i32>} : memref<80x128xf32, #tpu.memory_space<vmem>>, vector<1x16xf32>,
    }
    %scan3A_4 = arith.constant 80 : i32
    %scan3A_5 = arith.constant 0 : i32
    %scan3A_6 = arith.constant 8 : i32
    %scan3A_7 = arith.addi %scan3A_5, %scan3A_6 : i32
    %scan3A_8 = arith.constant 1 : i32
    scf.for %scan3A_221 = %scan3A_5 to %scan3A_7 step %scan3A_8  : i32 {
      %mul3A_222 = arith.constant 1 : i32
      %mul3A_223 = arith.muli %scan3A_221, %mul3A_222 : i32
      %add3A = arith.constant 0 : i32
      %add3A_224 = arith.addi %add3A, %mul3A_223 : i32
      %mul3A_225 = arith.constant 80 : i32
      %mul3A_226 = arith.muli %add3A_224, %mul3A_225 : i32
      %add3A_227 = arith.addi %mul3A_0, %mul3A_226 : i32
      "tpu.region"() ({
        %run_scoped3A_228 = tpu.sem_alloc : memref<!tpu.dma_semaphore, #tpu.memory_space<semaphore_mem>>
        %dma_start3A_229 = arith.constant 0 : i32
        %dma_start3A_230 = tpu.memref_slice %arg11[%add3A_227, %dma_start3A_229] : memref<10240x128xf32, #tpu.memory_space<vmem_shared>> -> memref<80x128xf32, #tpu.memory_space<vmem_shared>>
        %dma_start3A_231 = arith.constant 0 : i32
        %dma_start3A_232 = tpu.memref_slice %arg11[%add3A_227, %dma_start3A_231] : memref<10240x128xf32, #tpu.memory_space<vmem_shared>> -> memref<80x128xf32, #tpu.memory_space<vmem_shared>>
        tpu.enqueue_dma source(%arg9 : memref<80x128xf32, #tpu.memory_space<vmem>>) target(%dma_start3A_232 : memref<80x128xf32, #tpu.memory_space<vmem_shared>>) target_semaphore(%run_scoped3A_228 : memref<!tpu.dma_semaphore, #tpu.memory_space<semaphore_mem>>)
        %dma_wait3A_233 = arith.constant 0 : i32
        %dma_wait3A_234 = tpu.memref_slice %arg11[%add3A_227, %dma_wait3A_233] : memref<10240x128xf32, #tpu.memory_space<vmem_shared>> -> memref<80x128xf32, #tpu.memory_space<vmem_shared>>
        %dma_wait3A_235 = arith.constant 0 : i32
        %dma_wait3A_236 = tpu.memref_slice %arg11[%add3A_227, %dma_wait3A_235] : memref<10240x128xf32, #tpu.memory_space<vmem_shared>> -> memref<80x128xf32, #tpu.memory_space<vmem_shared>>
        tpu.wait_dma2 semaphore(%run_scoped3A_228 : memref<!tpu.dma_semaphore, #tpu.memory_space<semaphore_mem>>) src(%arg9 : memref<80x128xf32, #tpu.memory_space<vmem>>) dst(%dma_wait3A_236 : memref<80x128xf32, #tpu.memory_space<vmem_shared>>)
        tpu.yield
      }) : () -> ()
    }
    %scan3A_9 = arith.constant 8 : i32
    %barrier3A = arith.constant 0 : index
    tpu.barrier barrier_id(%barrier3A)
    %dma_start3A = arith.constant 0 : i32
    %dma_start3A_10 = arith.constant 0 : i32
    %dma_start3A_11 = arith.constant 0 : i32
    %dma_start3A_12 = arith.constant 0 : i32
    %dma_start3A_13 = arith.constant 0 : i32
    %dma_start3A_14 = tpu.memref_slice %arg3[%arg0, %dma_start3A_10, %dma_start3A_11, %dma_start3A_12, %dma_start3A_13] : memref<2x16x125x2x80xi32, #tpu.memory_space<hbm>> -> memref<1x16x125x2x80xi32, #tpu.memory_space<hbm>>
    %dma_start3A_15 = tpu.memref_squeeze %dma_start3A_14 : memref<1x16x125x2x80xi32, #tpu.memory_space<hbm>> -> memref<16x125x2x80xi32, #tpu.memory_space<hbm>>
    %dma_start3A_16 = arith.constant 0 : i32
    %dma_start3A_17 = arith.constant 0 : i32
    %dma_start3A_18 = arith.constant 0 : i32
    %dma_start3A_19 = tpu.memref_slice %dma_start3A_15[%arg1, %dma_start3A_16, %dma_start3A_17, %dma_start3A_18] : memref<16x125x2x80xi32, #tpu.memory_space<hbm>> -> memref<1x125x2x80xi32, #tpu.memory_space<hbm>>
    %dma_start3A_20 = tpu.memref_squeeze %dma_start3A_19 : memref<1x125x2x80xi32, #tpu.memory_space<hbm>> -> memref<125x2x80xi32, #tpu.memory_space<hbm>>
    %dma_start3A_21 = arith.constant 0 : i32
    %dma_start3A_22 = arith.constant 0 : i32
    %dma_start3A_23 = tpu.memref_slice %dma_start3A_20[%dma_start3A, %dma_start3A_21, %dma_start3A_22] : memref<125x2x80xi32, #tpu.memory_space<hbm>> -> memref<1x2x80xi32, #tpu.memory_space<hbm>>
    %dma_start3A_24 = tpu.memref_squeeze %dma_start3A_23 : memref<1x2x80xi32, #tpu.memory_space<hbm>> -> memref<2x80xi32, #tpu.memory_space<hbm>>
    %dma_start3A_25 = arith.constant 0 : i32
    %dma_start3A_26 = arith.constant 0 : i32
    %dma_start3A_27 = arith.constant 0 : i32
    %dma_start3A_28 = arith.constant 0 : i32
    %dma_start3A_29 = tpu.memref_slice %arg3[%arg0, %dma_start3A_25, %dma_start3A_26, %dma_start3A_27, %dma_start3A_28] : memref<2x16x125x2x80xi32, #tpu.memory_space<hbm>> -> memref<1x16x125x2x80xi32, #tpu.memory_space<hbm>>
    %dma_start3A_30 = tpu.memref_squeeze %dma_start3A_29 : memref<1x16x125x2x80xi32, #tpu.memory_space<hbm>> -> memref<16x125x2x80xi32, #tpu.memory_space<hbm>>
    %dma_start3A_31 = arith.constant 0 : i32
    %dma_start3A_32 = arith.constant 0 : i32
    %dma_start3A_33 = arith.constant 0 : i32
    %dma_start3A_34 = tpu.memref_slice %dma_start3A_30[%arg1, %dma_start3A_31, %dma_start3A_32, %dma_start3A_33] : memref<16x125x2x80xi32, #tpu.memory_space<hbm>> -> memref<1x125x2x80xi32, #tpu.memory_space<hbm>>
    %dma_start3A_35 = tpu.memref_squeeze %dma_start3A_34 : memref<1x125x2x80xi32, #tpu.memory_space<hbm>> -> memref<125x2x80xi32, #tpu.memory_space<hbm>>
    %dma_start3A_36 = arith.constant 0 : i32
    %dma_start3A_37 = arith.constant 0 : i32
    %dma_start3A_38 = tpu.memref_slice %dma_start3A_35[%dma_start3A, %dma_start3A_36, %dma_start3A_37] : memref<125x2x80xi32, #tpu.memory_space<hbm>> -> memref<1x2x80xi32, #tpu.memory_space<hbm>>
    %dma_start3A_39 = tpu.memref_squeeze %dma_start3A_38 : memref<1x2x80xi32, #tpu.memory_space<hbm>> -> memref<2x80xi32, #tpu.memory_space<hbm>>
    tpu.enqueue_dma source(%dma_start3A_39 : memref<2x80xi32, #tpu.memory_space<hbm>>) target(%arg5 : memref<2x80xi32, #tpu.memory_space<vmem>>) target_semaphore(%arg12 : memref<!tpu.dma_semaphore, #tpu.memory_space<semaphore_mem>>)
    %dma_start3A_40 = arith.constant 1 : i32
    %dma_start3A_41 = arith.constant 0 : i32
    %dma_start3A_42 = arith.constant 0 : i32
    %dma_start3A_43 = arith.constant 0 : i32
    %dma_start3A_44 = arith.constant 0 : i32
    %dma_start3A_45 = tpu.memref_slice %arg3[%arg0, %dma_start3A_41, %dma_start3A_42, %dma_start3A_43, %dma_start3A_44] : memref<2x16x125x2x80xi32, #tpu.memory_space<hbm>> -> memref<1x16x125x2x80xi32, #tpu.memory_space<hbm>>
    %dma_start3A_46 = tpu.memref_squeeze %dma_start3A_45 : memref<1x16x125x2x80xi32, #tpu.memory_space<hbm>> -> memref<16x125x2x80xi32, #tpu.memory_space<hbm>>
    %dma_start3A_47 = arith.constant 0 : i32
    %dma_start3A_48 = arith.constant 0 : i32
    %dma_start3A_49 = arith.constant 0 : i32
    %dma_start3A_50 = tpu.memref_slice %dma_start3A_46[%arg1, %dma_start3A_47, %dma_start3A_48, %dma_start3A_49] : memref<16x125x2x80xi32, #tpu.memory_space<hbm>> -> memref<1x125x2x80xi32, #tpu.memory_space<hbm>>
    %dma_start3A_51 = tpu.memref_squeeze %dma_start3A_50 : memref<1x125x2x80xi32, #tpu.memory_space<hbm>> -> memref<125x2x80xi32, #tpu.memory_space<hbm>>
    %dma_start3A_52 = arith.constant 0 : i32
    %dma_start3A_53 = arith.constant 0 : i32
    %dma_start3A_54 = tpu.memref_slice %dma_start3A_51[%dma_start3A_40, %dma_start3A_52, %dma_start3A_53] : memref<125x2x80xi32, #tpu.memory_space<hbm>> -> memref<1x2x80xi32, #tpu.memory_space<hbm>>
    %dma_start3A_55 = tpu.memref_squeeze %dma_start3A_54 : memref<1x2x80xi32, #tpu.memory_space<hbm>> -> memref<2x80xi32, #tpu.memory_space<hbm>>
    %dma_start3A_56 = arith.constant 0 : i32
    %dma_start3A_57 = arith.constant 0 : i32
    %dma_start3A_58 = arith.constant 0 : i32
    %dma_start3A_59 = arith.constant 0 : i32
    %dma_start3A_60 = tpu.memref_slice %arg3[%arg0, %dma_start3A_56, %dma_start3A_57, %dma_start3A_58, %dma_start3A_59] : memref<2x16x125x2x80xi32, #tpu.memory_space<hbm>> -> memref<1x16x125x2x80xi32, #tpu.memory_space<hbm>>
    %dma_start3A_61 = tpu.memref_squeeze %dma_start3A_60 : memref<1x16x125x2x80xi32, #tpu.memory_space<hbm>> -> memref<16x125x2x80xi32, #tpu.memory_space<hbm>>
    %dma_start3A_62 = arith.constant 0 : i32
    %dma_start3A_63 = arith.constant 0 : i32
    %dma_start3A_64 = arith.constant 0 : i32
    %dma_start3A_65 = tpu.memref_slice %dma_start3A_61[%arg1, %dma_start3A_62, %dma_start3A_63, %dma_start3A_64] : memref<16x125x2x80xi32, #tpu.memory_space<hbm>> -> memref<1x125x2x80xi32, #tpu.memory_space<hbm>>
    %dma_start3A_66 = tpu.memref_squeeze %dma_start3A_65 : memref<1x125x2x80xi32, #tpu.memory_space<hbm>> -> memref<125x2x80xi32, #tpu.memory_space<hbm>>
    %dma_start3A_67 = arith.constant 0 : i32
    %dma_start3A_68 = arith.constant 0 : i32
    %dma_start3A_69 = tpu.memref_slice %dma_start3A_66[%dma_start3A_40, %dma_start3A_67, %dma_start3A_68] : memref<125x2x80xi32, #tpu.memory_space<hbm>> -> memref<1x2x80xi32, #tpu.memory_space<hbm>>
    %dma_start3A_70 = tpu.memref_squeeze %dma_start3A_69 : memref<1x2x80xi32, #tpu.memory_space<hbm>> -> memref<2x80xi32, #tpu.memory_space<hbm>>
    tpu.enqueue_dma source(%dma_start3A_70 : memref<2x80xi32, #tpu.memory_space<hbm>>) target(%arg6 : memref<2x80xi32, #tpu.memory_space<vmem>>) target_semaphore(%arg13 : memref<!tpu.dma_semaphore, #tpu.memory_space<semaphore_mem>>)
    %dma_start3A_71 = arith.constant 2 : i32
    %dma_start3A_72 = arith.constant 0 : i32
    %dma_start3A_73 = arith.constant 0 : i32
    %dma_start3A_74 = arith.constant 0 : i32
    %dma_start3A_75 = arith.constant 0 : i32
    %dma_start3A_76 = tpu.memref_slice %arg3[%arg0, %dma_start3A_72, %dma_start3A_73, %dma_start3A_74, %dma_start3A_75] : memref<2x16x125x2x80xi32, #tpu.memory_space<hbm>> -> memref<1x16x125x2x80xi32, #tpu.memory_space<hbm>>
    %dma_start3A_77 = tpu.memref_squeeze %dma_start3A_76 : memref<1x16x125x2x80xi32, #tpu.memory_space<hbm>> -> memref<16x125x2x80xi32, #tpu.memory_space<hbm>>
    %dma_start3A_78 = arith.constant 0 : i32
    %dma_start3A_79 = arith.constant 0 : i32
    %dma_start3A_80 = arith.constant 0 : i32
    %dma_start3A_81 = tpu.memref_slice %dma_start3A_77[%arg1, %dma_start3A_78, %dma_start3A_79, %dma_start3A_80] : memref<16x125x2x80xi32, #tpu.memory_space<hbm>> -> memref<1x125x2x80xi32, #tpu.memory_space<hbm>>
    %dma_start3A_82 = tpu.memref_squeeze %dma_start3A_81 : memref<1x125x2x80xi32, #tpu.memory_space<hbm>> -> memref<125x2x80xi32, #tpu.memory_space<hbm>>
    %dma_start3A_83 = arith.constant 0 : i32
    %dma_start3A_84 = arith.constant 0 : i32
    %dma_start3A_85 = tpu.memref_slice %dma_start3A_82[%dma_start3A_71, %dma_start3A_83, %dma_start3A_84] : memref<125x2x80xi32, #tpu.memory_space<hbm>> -> memref<1x2x80xi32, #tpu.memory_space<hbm>>
    %dma_start3A_86 = tpu.memref_squeeze %dma_start3A_85 : memref<1x2x80xi32, #tpu.memory_space<hbm>> -> memref<2x80xi32, #tpu.memory_space<hbm>>
    %dma_start3A_87 = arith.constant 0 : i32
    %dma_start3A_88 = arith.constant 0 : i32
    %dma_start3A_89 = arith.constant 0 : i32
    %dma_start3A_90 = arith.constant 0 : i32
    %dma_start3A_91 = tpu.memref_slice %arg3[%arg0, %dma_start3A_87, %dma_start3A_88, %dma_start3A_89, %dma_start3A_90] : memref<2x16x125x2x80xi32, #tpu.memory_space<hbm>> -> memref<1x16x125x2x80xi32, #tpu.memory_space<hbm>>
    %dma_start3A_92 = tpu.memref_squeeze %dma_start3A_91 : memref<1x16x125x2x80xi32, #tpu.memory_space<hbm>> -> memref<16x125x2x80xi32, #tpu.memory_space<hbm>>
    %dma_start3A_93 = arith.constant 0 : i32
    %dma_start3A_94 = arith.constant 0 : i32
    %dma_start3A_95 = arith.constant 0 : i32
    %dma_start3A_96 = tpu.memref_slice %dma_start3A_92[%arg1, %dma_start3A_93, %dma_start3A_94, %dma_start3A_95] : memref<16x125x2x80xi32, #tpu.memory_space<hbm>> -> memref<1x125x2x80xi32, #tpu.memory_space<hbm>>
    %dma_start3A_97 = tpu.memref_squeeze %dma_start3A_96 : memref<1x125x2x80xi32, #tpu.memory_space<hbm>> -> memref<125x2x80xi32, #tpu.memory_space<hbm>>
    %dma_start3A_98 = arith.constant 0 : i32
    %dma_start3A_99 = arith.constant 0 : i32
    %dma_start3A_100 = tpu.memref_slice %dma_start3A_97[%dma_start3A_71, %dma_start3A_98, %dma_start3A_99] : memref<125x2x80xi32, #tpu.memory_space<hbm>> -> memref<1x2x80xi32, #tpu.memory_space<hbm>>
    %dma_start3A_101 = tpu.memref_squeeze %dma_start3A_100 : memref<1x2x80xi32, #tpu.memory_space<hbm>> -> memref<2x80xi32, #tpu.memory_space<hbm>>
    tpu.enqueue_dma source(%dma_start3A_101 : memref<2x80xi32, #tpu.memory_space<hbm>>) target(%arg7 : memref<2x80xi32, #tpu.memory_space<vmem>>) target_semaphore(%arg14 : memref<!tpu.dma_semaphore, #tpu.memory_space<semaphore_mem>>)
    %dma_start3A_102 = arith.constant 3 : i32
    %dma_start3A_103 = arith.constant 0 : i32
    %dma_start3A_104 = arith.constant 0 : i32
    %dma_start3A_105 = arith.constant 0 : i32
    %dma_start3A_106 = arith.constant 0 : i32
    %dma_start3A_107 = tpu.memref_slice %arg3[%arg0, %dma_start3A_103, %dma_start3A_104, %dma_start3A_105, %dma_start3A_106] : memref<2x16x125x2x80xi32, #tpu.memory_space<hbm>> -> memref<1x16x125x2x80xi32, #tpu.memory_space<hbm>>
    %dma_start3A_108 = tpu.memref_squeeze %dma_start3A_107 : memref<1x16x125x2x80xi32, #tpu.memory_space<hbm>> -> memref<16x125x2x80xi32, #tpu.memory_space<hbm>>
    %dma_start3A_109 = arith.constant 0 : i32
    %dma_start3A_110 = arith.constant 0 : i32
    %dma_start3A_111 = arith.constant 0 : i32
    %dma_start3A_112 = tpu.memref_slice %dma_start3A_108[%arg1, %dma_start3A_109, %dma_start3A_110, %dma_start3A_111] : memref<16x125x2x80xi32, #tpu.memory_space<hbm>> -> memref<1x125x2x80xi32, #tpu.memory_space<hbm>>
    %dma_start3A_113 = tpu.memref_squeeze %dma_start3A_112 : memref<1x125x2x80xi32, #tpu.memory_space<hbm>> -> memref<125x2x80xi32, #tpu.memory_space<hbm>>
    %dma_start3A_114 = arith.constant 0 : i32
    %dma_start3A_115 = arith.constant 0 : i32
    %dma_start3A_116 = tpu.memref_slice %dma_start3A_113[%dma_start3A_102, %dma_start3A_114, %dma_start3A_115] : memref<125x2x80xi32, #tpu.memory_space<hbm>> -> memref<1x2x80xi32, #tpu.memory_space<hbm>>
    %dma_start3A_117 = tpu.memref_squeeze %dma_start3A_116 : memref<1x2x80xi32, #tpu.memory_space<hbm>> -> memref<2x80xi32, #tpu.memory_space<hbm>>
    %dma_start3A_118 = arith.constant 0 : i32
    %dma_start3A_119 = arith.constant 0 : i32
    %dma_start3A_120 = arith.constant 0 : i32
    %dma_start3A_121 = arith.constant 0 : i32
    %dma_start3A_122 = tpu.memref_slice %arg3[%arg0, %dma_start3A_118, %dma_start3A_119, %dma_start3A_120, %dma_start3A_121] : memref<2x16x125x2x80xi32, #tpu.memory_space<hbm>> -> memref<1x16x125x2x80xi32, #tpu.memory_space<hbm>>
    %dma_start3A_123 = tpu.memref_squeeze %dma_start3A_122 : memref<1x16x125x2x80xi32, #tpu.memory_space<hbm>> -> memref<16x125x2x80xi32, #tpu.memory_space<hbm>>
    %dma_start3A_124 = arith.constant 0 : i32
    %dma_start3A_125 = arith.constant 0 : i32
    %dma_start3A_126 = arith.constant 0 : i32
    %dma_start3A_127 = tpu.memref_slice %dma_start3A_123[%arg1, %dma_start3A_124, %dma_start3A_125, %dma_start3A_126] : memref<16x125x2x80xi32, #tpu.memory_space<hbm>> -> memref<1x125x2x80xi32, #tpu.memory_space<hbm>>
    %dma_start3A_128 = tpu.memref_squeeze %dma_start3A_127 : memref<1x125x2x80xi32, #tpu.memory_space<hbm>> -> memref<125x2x80xi32, #tpu.memory_space<hbm>>
    %dma_start3A_129 = arith.constant 0 : i32
    %dma_start3A_130 = arith.constant 0 : i32
    %dma_start3A_131 = tpu.memref_slice %dma_start3A_128[%dma_start3A_102, %dma_start3A_129, %dma_start3A_130] : memref<125x2x80xi32, #tpu.memory_space<hbm>> -> memref<1x2x80xi32, #tpu.memory_space<hbm>>
    %dma_start3A_132 = tpu.memref_squeeze %dma_start3A_131 : memref<1x2x80xi32, #tpu.memory_space<hbm>> -> memref<2x80xi32, #tpu.memory_space<hbm>>
    tpu.enqueue_dma source(%dma_start3A_132 : memref<2x80xi32, #tpu.memory_space<hbm>>) target(%arg8 : memref<2x80xi32, #tpu.memory_space<vmem>>) target_semaphore(%arg15 : memref<!tpu.dma_semaphore, #tpu.memory_space<semaphore_mem>>)
    %dma_wait3A = arith.constant 0 : i32
    %dma_wait3A_133 = arith.constant 0 : i32
    %dma_wait3A_134 = arith.constant 0 : i32
    %dma_wait3A_135 = arith.constant 0 : i32
    %dma_wait3A_136 = arith.constant 0 : i32
    %dma_wait3A_137 = tpu.memref_slice %arg3[%arg0, %dma_wait3A_133, %dma_wait3A_134, %dma_wait3A_135, %dma_wait3A_136] : memref<2x16x125x2x80xi32, #tpu.memory_space<hbm>> -> memref<1x16x125x2x80xi32, #tpu.memory_space<hbm>>
    %dma_wait3A_138 = tpu.memref_squeeze %dma_wait3A_137 : memref<1x16x125x2x80xi32, #tpu.memory_space<hbm>> -> memref<16x125x2x80xi32, #tpu.memory_space<hbm>>
    %dma_wait3A_139 = arith.constant 0 : i32
    %dma_wait3A_140 = arith.constant 0 : i32
    %dma_wait3A_141 = arith.constant 0 : i32
    %dma_wait3A_142 = tpu.memref_slice %dma_wait3A_138[%arg1, %dma_wait3A_139, %dma_wait3A_140, %dma_wait3A_141] : memref<16x125x2x80xi32, #tpu.memory_space<hbm>> -> memref<1x125x2x80xi32, #tpu.memory_space<hbm>>
    %dma_wait3A_143 = tpu.memref_squeeze %dma_wait3A_142 : memref<1x125x2x80xi32, #tpu.memory_space<hbm>> -> memref<125x2x80xi32, #tpu.memory_space<hbm>>
    %dma_wait3A_144 = arith.constant 0 : i32
    %dma_wait3A_145 = arith.constant 0 : i32
    %dma_wait3A_146 = tpu.memref_slice %dma_wait3A_143[%dma_wait3A, %dma_wait3A_144, %dma_wait3A_145] : memref<125x2x80xi32, #tpu.memory_space<hbm>> -> memref<1x2x80xi32, #tpu.memory_space<hbm>>
    %dma_wait3A_147 = tpu.memref_squeeze %dma_wait3A_146 : memref<1x2x80xi32, #tpu.memory_space<hbm>> -> memref<2x80xi32, #tpu.memory_space<hbm>>
    %dma_wait3A_148 = arith.constant 0 : i32
    %dma_wait3A_149 = arith.constant 0 : i32
    %dma_wait3A_150 = arith.constant 0 : i32
    %dma_wait3A_151 = arith.constant 0 : i32
    %dma_wait3A_152 = tpu.memref_slice %arg3[%arg0, %dma_wait3A_148, %dma_wait3A_149, %dma_wait3A_150, %dma_wait3A_151] : memref<2x16x125x2x80xi32, #tpu.memory_space<hbm>> -> memref<1x16x125x2x80xi32, #tpu.memory_space<hbm>>
    %dma_wait3A_153 = tpu.memref_squeeze %dma_wait3A_152 : memref<1x16x125x2x80xi32, #tpu.memory_space<hbm>> -> memref<16x125x2x80xi32, #tpu.memory_space<hbm>>
    %dma_wait3A_154 = arith.constant 0 : i32
    %dma_wait3A_155 = arith.constant 0 : i32
    %dma_wait3A_156 = arith.constant 0 : i32
    %dma_wait3A_157 = tpu.memref_slice %dma_wait3A_153[%arg1, %dma_wait3A_154, %dma_wait3A_155, %dma_wait3A_156] : memref<16x125x2x80xi32, #tpu.memory_space<hbm>> -> memref<1x125x2x80xi32, #tpu.memory_space<hbm>>
    %dma_wait3A_158 = tpu.memref_squeeze %dma_wait3A_157 : memref<1x125x2x80xi32, #tpu.memory_space<hbm>> -> memref<125x2x80xi32, #tpu.memory_space<hbm>>
    %dma_wait3A_159 = arith.constant 0 : i32
    %dma_wait3A_160 = arith.constant 0 : i32
    %dma_wait3A_161 = tpu.memref_slice %dma_wait3A_158[%dma_wait3A, %dma_wait3A_159, %dma_wait3A_160] : memref<125x2x80xi32, #tpu.memory_space<hbm>> -> memref<1x2x80xi32, #tpu.memory_space<hbm>>
    %dma_wait3A_162 = tpu.memref_squeeze %dma_wait3A_161 : memref<1x2x80xi32, #tpu.memory_space<hbm>> -> memref<2x80xi32, #tpu.memory_space<hbm>>
    tpu.wait_dma2 semaphore(%arg12 : memref<!tpu.dma_semaphore, #tpu.memory_space<semaphore_mem>>) src(%dma_wait3A_162 : memref<2x80xi32, #tpu.memory_space<hbm>>) dst(%arg5 : memref<2x80xi32, #tpu.memory_space<vmem>>)
    %dma_start3A_163 = arith.constant 0 : i32
    %dma_start3A_164 = arith.constant 0 : i32
    %dma_start3A_165 = tpu.memref_slice %arg5[%dma_start3A_163, %dma_start3A_164] : memref<2x80xi32, #tpu.memory_space<vmem>> -> memref<1x80xi32, #tpu.memory_space<vmem>>
    %dma_start3A_166 = tpu.memref_squeeze %dma_start3A_165 : memref<1x80xi32, #tpu.memory_space<vmem>> -> memref<80xi32, #tpu.memory_space<vmem>>
    %dma_start3A_167 = arith.constant 0 : i32
    %dma_start3A_168 = arith.constant 0 : i32
    %dma_start3A_169 = tpu.memref_slice %arg2[%dma_start3A_167, %dma_start3A_168] : memref<10000x128xf32, #tpu.memory_space<hbm>> -> memref<10000x128xf32, #tpu.memory_space<hbm>>
    tpu.enqueue_indirect_dma source(%dma_start3A_169 : memref<10000x128xf32, #tpu.memory_space<hbm>>) target(%arg9 : memref<80x128xf32, #tpu.memory_space<vmem>>) offsets(%dma_start3A_166 : memref<80xi32, #tpu.memory_space<vmem>>) semaphore(%arg16 : memref<!tpu.dma_semaphore, #tpu.memory_space<semaphore_mem>>)
    %dma_wait3A_170 = arith.constant 1 : i32
    %dma_wait3A_171 = arith.constant 0 : i32
    %dma_wait3A_172 = arith.constant 0 : i32
    %dma_wait3A_173 = arith.constant 0 : i32
    %dma_wait3A_174 = arith.constant 0 : i32
    %dma_wait3A_175 = tpu.memref_slice %arg3[%arg0, %dma_wait3A_171, %dma_wait3A_172, %dma_wait3A_173, %dma_wait3A_174] : memref<2x16x125x2x80xi32, #tpu.memory_space<hbm>> -> memref<1x16x125x2x80xi32, #tpu.memory_space<hbm>>
    %dma_wait3A_176 = tpu.memref_squeeze %dma_wait3A_175 : memref<1x16x125x2x80xi32, #tpu.memory_space<hbm>> -> memref<16x125x2x80xi32, #tpu.memory_space<hbm>>
    %dma_wait3A_177 = arith.constant 0 : i32
    %dma_wait3A_178 = arith.constant 0 : i32
    %dma_wait3A_179 = arith.constant 0 : i32
    %dma_wait3A_180 = tpu.memref_slice %dma_wait3A_176[%arg1, %dma_wait3A_177, %dma_wait3A_178, %dma_wait3A_179] : memref<16x125x2x80xi32, #tpu.memory_space<hbm>> -> memref<1x125x2x80xi32, #tpu.memory_space<hbm>>
    %dma_wait3A_181 = tpu.memref_squeeze %dma_wait3A_180 : memref<1x125x2x80xi32, #tpu.memory_space<hbm>> -> memref<125x2x80xi32, #tpu.memory_space<hbm>>
    %dma_wait3A_182 = arith.constant 0 : i32
    %dma_wait3A_183 = arith.constant 0 : i32
    %dma_wait3A_184 = tpu.memref_slice %dma_wait3A_181[%dma_wait3A_170, %dma_wait3A_182, %dma_wait3A_183] : memref<125x2x80xi32, #tpu.memory_space<hbm>> -> memref<1x2x80xi32, #tpu.memory_space<hbm>>
    %dma_wait3A_185 = tpu.memref_squeeze %dma_wait3A_184 : memref<1x2x80xi32, #tpu.memory_space<hbm>> -> memref<2x80xi32, #tpu.memory_space<hbm>>
    %dma_wait3A_186 = arith.constant 0 : i32
    %dma_wait3A_187 = arith.constant 0 : i32
    %dma_wait3A_188 = arith.constant 0 : i32
    %dma_wait3A_189 = arith.constant 0 : i32
    %dma_wait3A_190 = tpu.memref_slice %arg3[%arg0, %dma_wait3A_186, %dma_wait3A_187, %dma_wait3A_188, %dma_wait3A_189] : memref<2x16x125x2x80xi32, #tpu.memory_space<hbm>> -> memref<1x16x125x2x80xi32, #tpu.memory_space<hbm>>
    %dma_wait3A_191 = tpu.memref_squeeze %dma_wait3A_190 : memref<1x16x125x2x80xi32, #tpu.memory_space<hbm>> -> memref<16x125x2x80xi32, #tpu.memory_space<hbm>>
    %dma_wait3A_192 = arith.constant 0 : i32
    %dma_wait3A_193 = arith.constant 0 : i32
    %dma_wait3A_194 = arith.constant 0 : i32
    %dma_wait3A_195 = tpu.memref_slice %dma_wait3A_191[%arg1, %dma_wait3A_192, %dma_wait3A_193, %dma_wait3A_194] : memref<16x125x2x80xi32, #tpu.memory_space<hbm>> -> memref<1x125x2x80xi32, #tpu.memory_space<hbm>>
    %dma_wait3A_196 = tpu.memref_squeeze %dma_wait3A_195 : memref<1x125x2x80xi32, #tpu.memory_space<hbm>> -> memref<125x2x80xi32, #tpu.memory_space<hbm>>
    %dma_wait3A_197 = arith.constant 0 : i32
    %dma_wait3A_198 = arith.constant 0 : i32
    %dma_wait3A_199 = tpu.memref_slice %dma_wait3A_196[%dma_wait3A_170, %dma_wait3A_197, %dma_wait3A_198] : memref<125x2x80xi32, #tpu.memory_space<hbm>> -> memref<1x2x80xi32, #tpu.memory_space<hbm>>
    %dma_wait3A_200 = tpu.memref_squeeze %dma_wait3A_199 : memref<1x2x80xi32, #tpu.memory_space<hbm>> -> memref<2x80xi32, #tpu.memory_space<hbm>>
    tpu.wait_dma2 semaphore(%arg13 : memref<!tpu.dma_semaphore, #tpu.memory_space<semaphore_mem>>) src(%dma_wait3A_200 : memref<2x80xi32, #tpu.memory_space<hbm>>) dst(%arg6 : memref<2x80xi32, #tpu.memory_space<vmem>>)
    %dma_start3A_201 = arith.constant 0 : i32
    %dma_start3A_202 = arith.constant 0 : i32
    %dma_start3A_203 = tpu.memref_slice %arg6[%dma_start3A_201, %dma_start3A_202] : memref<2x80xi32, #tpu.memory_space<vmem>> -> memref<1x80xi32, #tpu.memory_space<vmem>>
    %dma_start3A_204 = tpu.memref_squeeze %dma_start3A_203 : memref<1x80xi32, #tpu.memory_space<vmem>> -> memref<80xi32, #tpu.memory_space<vmem>>
    %dma_start3A_205 = arith.constant 0 : i32
    %dma_start3A_206 = arith.constant 0 : i32
    %dma_start3A_207 = tpu.memref_slice %arg2[%dma_start3A_205, %dma_start3A_206] : memref<10000x128xf32, #tpu.memory_space<hbm>> -> memref<10000x128xf32, #tpu.memory_space<hbm>>
    tpu.enqueue_indirect_dma source(%dma_start3A_207 : memref<10000x128xf32, #tpu.memory_space<hbm>>) target(%arg10 : memref<80x128xf32, #tpu.memory_space<vmem>>) offsets(%dma_start3A_204 : memref<80xi32, #tpu.memory_space<vmem>>) semaphore(%arg17 : memref<!tpu.dma_semaphore, #tpu.memory_space<semaphore_mem>>)
    %scan3A_208 = arith.constant 0 : i32
    %scan3A_209 = arith.constant 31 : i32
    %scan3A_210 = arith.addi %scan3A_208, %scan3A_209 : i32
    %scan3A_211 = arith.constant 1 : i32
    scf.for %scan3A_221 = %scan3A_208 to %scan3A_210 step %scan3A_211  : i32 {
      %mul3A_222 = arith.constant 4 : i32
      %mul3A_223 = arith.muli %scan3A_221, %mul3A_222 : i32
      %add3A = arith.constant 0 : i32
      %add3A_224 = arith.addi %add3A, %mul3A_223 : i32
      %add3A_225 = arith.constant 0 : i32
      %add3A_226 = arith.addi %add3A_224, %add3A_225 : i32
      %dma_wait3A_227 = arith.constant 0 : i32
      %dma_wait3A_228 = arith.constant 0 : i32
      %dma_wait3A_229 = tpu.memref_slice %arg5[%dma_wait3A_227, %dma_wait3A_228] : memref<2x80xi32, #tpu.memory_space<vmem>> -> memref<1x80xi32, #tpu.memory_space<vmem>>
      %dma_wait3A_230 = tpu.memref_squeeze %dma_wait3A_229 : memref<1x80xi32, #tpu.memory_space<vmem>> -> memref<80xi32, #tpu.memory_space<vmem>>
      %dma_wait3A_231 = arith.constant 0 : i32
      %dma_wait3A_232 = arith.constant 0 : i32
      %dma_wait3A_233 = tpu.memref_slice %arg2[%dma_wait3A_231, %dma_wait3A_232] : memref<10000x128xf32, #tpu.memory_space<hbm>> -> memref<10000x128xf32, #tpu.memory_space<hbm>>
      tpu.wait_indirect_dma semaphore(%arg16 : memref<!tpu.dma_semaphore, #tpu.memory_space<semaphore_mem>>) src(%dma_wait3A_233 : memref<10000x128xf32, #tpu.memory_space<hbm>>) dst(%arg9 : memref<80x128xf32, #tpu.memory_space<vmem>>)
      %run_scoped3A_234 = arith.constant 1 : i32
      "tpu.region"() ({
        %run_scoped3A_318 = tpu.sem_alloc : memref<!tpu.dma_semaphore, #tpu.memory_space<semaphore_mem>>
        %dma_start3A_319 = arith.constant 0 : i32
        %dma_start3A_320 = tpu.memref_slice %arg5[%run_scoped3A_234, %dma_start3A_319] : memref<2x80xi32, #tpu.memory_space<vmem>> -> memref<1x80xi32, #tpu.memory_space<vmem>>
        %dma_start3A_321 = tpu.memref_squeeze %dma_start3A_320 : memref<1x80xi32, #tpu.memory_space<vmem>> -> memref<80xi32, #tpu.memory_space<vmem>>
        %dma_start3A_322 = arith.constant 0 : i32
        %dma_start3A_323 = arith.constant 0 : i32
        %dma_start3A_324 = tpu.memref_slice %arg11[%dma_start3A_322, %dma_start3A_323] : memref<10240x128xf32, #tpu.memory_space<vmem_shared>> -> memref<10240x128xf32, #tpu.memory_space<vmem_shared>>
        tpu.enqueue_indirect_dma source(%arg9 : memref<80x128xf32, #tpu.memory_space<vmem>>) target(%dma_start3A_324 : memref<10240x128xf32, #tpu.memory_space<vmem_shared>>) offsets(%dma_start3A_321 : memref<80xi32, #tpu.memory_space<vmem>>) semaphore(%run_scoped3A_318 : memref<!tpu.dma_semaphore, #tpu.memory_space<semaphore_mem>>) {add = true}
        %dma_wait3A_325 = arith.constant 0 : i32
        %dma_wait3A_326 = tpu.memref_slice %arg5[%run_scoped3A_234, %dma_wait3A_325] : memref<2x80xi32, #tpu.memory_space<vmem>> -> memref<1x80xi32, #tpu.memory_space<vmem>>
        %dma_wait3A_327 = tpu.memref_squeeze %dma_wait3A_326 : memref<1x80xi32, #tpu.memory_space<vmem>> -> memref<80xi32, #tpu.memory_space<vmem>>
        %dma_wait3A_328 = arith.constant 0 : i32
        %dma_wait3A_329 = arith.constant 0 : i32
        %dma_wait3A_330 = tpu.memref_slice %arg11[%dma_wait3A_328, %dma_wait3A_329] : memref<10240x128xf32, #tpu.memory_space<vmem_shared>> -> memref<10240x128xf32, #tpu.memory_space<vmem_shared>>
        tpu.wait_indirect_dma semaphore(%run_scoped3A_318 : memref<!tpu.dma_semaphore, #tpu.memory_space<semaphore_mem>>) src(%arg9 : memref<80x128xf32, #tpu.memory_space<vmem>>) dst(%dma_wait3A_330 : memref<10240x128xf32, #tpu.memory_space<vmem_shared>>)
        tpu.yield
      }) : () -> ()
      %add3A_235 = arith.constant 4 : i32
      %add3A_236 = arith.addi %add3A_226, %add3A_235 : i32
      %lt3A = arith.constant 125 : i32
      %lt3A_237 = arith.cmpi slt, %add3A_236, %lt3A : i32
      %convert_element_type3A = arith.extui %lt3A_237 : i1 to i32
      %cond3A = arith.constant 0 : i32
      %cond3A_238 = arith.cmpi ne, %convert_element_type3A, %cond3A : i32
      scf.if %cond3A_238 {
        %add3A_318 = arith.constant 4 : i32
        %add3A_319 = arith.addi %add3A_226, %add3A_318 : i32
        %dma_start3A_320 = arith.constant 0 : i32
        %dma_start3A_321 = arith.constant 0 : i32
        %dma_start3A_322 = arith.constant 0 : i32
        %dma_start3A_323 = arith.constant 0 : i32
        %dma_start3A_324 = tpu.memref_slice %arg3[%arg0, %dma_start3A_320, %dma_start3A_321, %dma_start3A_322, %dma_start3A_323] : memref<2x16x125x2x80xi32, #tpu.memory_space<hbm>> -> memref<1x16x125x2x80xi32, #tpu.memory_space<hbm>>
        %dma_start3A_325 = tpu.memref_squeeze %dma_start3A_324 : memref<1x16x125x2x80xi32, #tpu.memory_space<hbm>> -> memref<16x125x2x80xi32, #tpu.memory_space<hbm>>
        %dma_start3A_326 = arith.constant 0 : i32
        %dma_start3A_327 = arith.constant 0 : i32
        %dma_start3A_328 = arith.constant 0 : i32
        %dma_start3A_329 = tpu.memref_slice %dma_start3A_325[%arg1, %dma_start3A_326, %dma_start3A_327, %dma_start3A_328] : memref<16x125x2x80xi32, #tpu.memory_space<hbm>> -> memref<1x125x2x80xi32, #tpu.memory_space<hbm>>
        %dma_start3A_330 = tpu.memref_squeeze %dma_start3A_329 : memref<1x125x2x80xi32, #tpu.memory_space<hbm>> -> memref<125x2x80xi32, #tpu.memory_space<hbm>>
        %dma_start3A_331 = arith.constant 0 : i32
        %dma_start3A_332 = arith.constant 0 : i32
        %dma_start3A_333 = tpu.memref_slice %dma_start3A_330[%add3A_319, %dma_start3A_331, %dma_start3A_332] : memref<125x2x80xi32, #tpu.memory_space<hbm>> -> memref<1x2x80xi32, #tpu.memory_space<hbm>>
        %dma_start3A_334 = tpu.memref_squeeze %dma_start3A_333 : memref<1x2x80xi32, #tpu.memory_space<hbm>> -> memref<2x80xi32, #tpu.memory_space<hbm>>
        %dma_start3A_335 = arith.constant 0 : i32
        %dma_start3A_336 = arith.constant 0 : i32
        %dma_start3A_337 = arith.constant 0 : i32
        %dma_start3A_338 = arith.constant 0 : i32
        %dma_start3A_339 = tpu.memref_slice %arg3[%arg0, %dma_start3A_335, %dma_start3A_336, %dma_start3A_337, %dma_start3A_338] : memref<2x16x125x2x80xi32, #tpu.memory_space<hbm>> -> memref<1x16x125x2x80xi32, #tpu.memory_space<hbm>>
        %dma_start3A_340 = tpu.memref_squeeze %dma_start3A_339 : memref<1x16x125x2x80xi32, #tpu.memory_space<hbm>> -> memref<16x125x2x80xi32, #tpu.memory_space<hbm>>
        %dma_start3A_341 = arith.constant 0 : i32
        %dma_start3A_342 = arith.constant 0 : i32
        %dma_start3A_343 = arith.constant 0 : i32
        %dma_start3A_344 = tpu.memref_slice %dma_start3A_340[%arg1, %dma_start3A_341, %dma_start3A_342, %dma_start3A_343] : memref<16x125x2x80xi32, #tpu.memory_space<hbm>> -> memref<1x125x2x80xi32, #tpu.memory_space<hbm>>
        %dma_start3A_345 = tpu.memref_squeeze %dma_start3A_344 : memref<1x125x2x80xi32, #tpu.memory_space<hbm>> -> memref<125x2x80xi32, #tpu.memory_space<hbm>>
        %dma_start3A_346 = arith.constant 0 : i32
        %dma_start3A_347 = arith.constant 0 : i32
        %dma_start3A_348 = tpu.memref_slice %dma_start3A_345[%add3A_319, %dma_start3A_346, %dma_start3A_347] : memref<125x2x80xi32, #tpu.memory_space<hbm>> -> memref<1x2x80xi32, #tpu.memory_space<hbm>>
        %dma_start3A_349 = tpu.memref_squeeze %dma_start3A_348 : memref<1x2x80xi32, #tpu.memory_space<hbm>> -> memref<2x80xi32, #tpu.memory_space<hbm>>
        tpu.enqueue_dma source(%dma_start3A_349 : memref<2x80xi32, #tpu.memory_space<hbm>>) target(%arg5 : memref<2x80xi32, #tpu.memory_space<vmem>>) target_semaphore(%arg12 : memref<!tpu.dma_semaphore, #tpu.memory_space<semaphore_mem>>)
      } else {
      }
      %add3A_239 = arith.constant 2 : i32
      %add3A_240 = arith.addi %add3A_226, %add3A_239 : i32
      %lt3A_241 = arith.constant 125 : i32
      %lt3A_242 = arith.cmpi slt, %add3A_240, %lt3A_241 : i32
      %convert_element_type3A_243 = arith.extui %lt3A_242 : i1 to i32
      %cond3A_244 = arith.constant 0 : i32
      %cond3A_245 = arith.cmpi ne, %convert_element_type3A_243, %cond3A_244 : i32
      scf.if %cond3A_245 {
        %add3A_318 = arith.constant 2 : i32
        %add3A_319 = arith.addi %add3A_226, %add3A_318 : i32
        %dma_wait3A_320 = arith.constant 0 : i32
        %dma_wait3A_321 = arith.constant 0 : i32
        %dma_wait3A_322 = arith.constant 0 : i32
        %dma_wait3A_323 = arith.constant 0 : i32
        %dma_wait3A_324 = tpu.memref_slice %arg3[%arg0, %dma_wait3A_320, %dma_wait3A_321, %dma_wait3A_322, %dma_wait3A_323] : memref<2x16x125x2x80xi32, #tpu.memory_space<hbm>> -> memref<1x16x125x2x80xi32, #tpu.memory_space<hbm>>
        %dma_wait3A_325 = tpu.memref_squeeze %dma_wait3A_324 : memref<1x16x125x2x80xi32, #tpu.memory_space<hbm>> -> memref<16x125x2x80xi32, #tpu.memory_space<hbm>>
        %dma_wait3A_326 = arith.constant 0 : i32
        %dma_wait3A_327 = arith.constant 0 : i32
        %dma_wait3A_328 = arith.constant 0 : i32
        %dma_wait3A_329 = tpu.memref_slice %dma_wait3A_325[%arg1, %dma_wait3A_326, %dma_wait3A_327, %dma_wait3A_328] : memref<16x125x2x80xi32, #tpu.memory_space<hbm>> -> memref<1x125x2x80xi32, #tpu.memory_space<hbm>>
        %dma_wait3A_330 = tpu.memref_squeeze %dma_wait3A_329 : memref<1x125x2x80xi32, #tpu.memory_space<hbm>> -> memref<125x2x80xi32, #tpu.memory_space<hbm>>
        %dma_wait3A_331 = arith.constant 0 : i32
        %dma_wait3A_332 = arith.constant 0 : i32
        %dma_wait3A_333 = tpu.memref_slice %dma_wait3A_330[%add3A_319, %dma_wait3A_331, %dma_wait3A_332] : memref<125x2x80xi32, #tpu.memory_space<hbm>> -> memref<1x2x80xi32, #tpu.memory_space<hbm>>
        %dma_wait3A_334 = tpu.memref_squeeze %dma_wait3A_333 : memref<1x2x80xi32, #tpu.memory_space<hbm>> -> memref<2x80xi32, #tpu.memory_space<hbm>>
        %dma_wait3A_335 = arith.constant 0 : i32
        %dma_wait3A_336 = arith.constant 0 : i32
        %dma_wait3A_337 = arith.constant 0 : i32
        %dma_wait3A_338 = arith.constant 0 : i32
        %dma_wait3A_339 = tpu.memref_slice %arg3[%arg0, %dma_wait3A_335, %dma_wait3A_336, %dma_wait3A_337, %dma_wait3A_338] : memref<2x16x125x2x80xi32, #tpu.memory_space<hbm>> -> memref<1x16x125x2x80xi32, #tpu.memory_space<hbm>>
        %dma_wait3A_340 = tpu.memref_squeeze %dma_wait3A_339 : memref<1x16x125x2x80xi32, #tpu.memory_space<hbm>> -> memref<16x125x2x80xi32, #tpu.memory_space<hbm>>
        %dma_wait3A_341 = arith.constant 0 : i32
        %dma_wait3A_342 = arith.constant 0 : i32
        %dma_wait3A_343 = arith.constant 0 : i32
        %dma_wait3A_344 = tpu.memref_slice %dma_wait3A_340[%arg1, %dma_wait3A_341, %dma_wait3A_342, %dma_wait3A_343] : memref<16x125x2x80xi32, #tpu.memory_space<hbm>> -> memref<1x125x2x80xi32, #tpu.memory_space<hbm>>
        %dma_wait3A_345 = tpu.memref_squeeze %dma_wait3A_344 : memref<1x125x2x80xi32, #tpu.memory_space<hbm>> -> memref<125x2x80xi32, #tpu.memory_space<hbm>>
        %dma_wait3A_346 = arith.constant 0 : i32
        %dma_wait3A_347 = arith.constant 0 : i32
        %dma_wait3A_348 = tpu.memref_slice %dma_wait3A_345[%add3A_319, %dma_wait3A_346, %dma_wait3A_347] : memref<125x2x80xi32, #tpu.memory_space<hbm>> -> memref<1x2x80xi32, #tpu.memory_space<hbm>>
        %dma_wait3A_349 = tpu.memref_squeeze %dma_wait3A_348 : memref<1x2x80xi32, #tpu.memory_space<hbm>> -> memref<2x80xi32, #tpu.memory_space<hbm>>
        tpu.wait_dma2 semaphore(%arg14 : memref<!tpu.dma_semaphore, #tpu.memory_space<semaphore_mem>>) src(%dma_wait3A_349 : memref<2x80xi32, #tpu.memory_space<hbm>>) dst(%arg7 : memref<2x80xi32, #tpu.memory_space<vmem>>)
        %dma_start3A_350 = arith.constant 0 : i32
        %dma_start3A_351 = arith.constant 0 : i32
        %dma_start3A_352 = tpu.memref_slice %arg7[%dma_start3A_350, %dma_start3A_351] : memref<2x80xi32, #tpu.memory_space<vmem>> -> memref<1x80xi32, #tpu.memory_space<vmem>>
        %dma_start3A_353 = tpu.memref_squeeze %dma_start3A_352 : memref<1x80xi32, #tpu.memory_space<vmem>> -> memref<80xi32, #tpu.memory_space<vmem>>
        %dma_start3A_354 = arith.constant 0 : i32
        %dma_start3A_355 = arith.constant 0 : i32
        %dma_start3A_356 = tpu.memref_slice %arg2[%dma_start3A_354, %dma_start3A_355] : memref<10000x128xf32, #tpu.memory_space<hbm>> -> memref<10000x128xf32, #tpu.memory_space<hbm>>
        tpu.enqueue_indirect_dma source(%dma_start3A_356 : memref<10000x128xf32, #tpu.memory_space<hbm>>) target(%arg9 : memref<80x128xf32, #tpu.memory_space<vmem>>) offsets(%dma_start3A_353 : memref<80xi32, #tpu.memory_space<vmem>>) semaphore(%arg16 : memref<!tpu.dma_semaphore, #tpu.memory_space<semaphore_mem>>)
      } else {
      }
      %add3A_246 = arith.constant 1 : i32
      %add3A_247 = arith.addi %add3A_224, %add3A_246 : i32
      %dma_wait3A_248 = arith.constant 0 : i32
      %dma_wait3A_249 = arith.constant 0 : i32
      %dma_wait3A_250 = tpu.memref_slice %arg6[%dma_wait3A_248, %dma_wait3A_249] : memref<2x80xi32, #tpu.memory_space<vmem>> -> memref<1x80xi32, #tpu.memory_space<vmem>>
      %dma_wait3A_251 = tpu.memref_squeeze %dma_wait3A_250 : memref<1x80xi32, #tpu.memory_space<vmem>> -> memref<80xi32, #tpu.memory_space<vmem>>
      %dma_wait3A_252 = arith.constant 0 : i32
      %dma_wait3A_253 = arith.constant 0 : i32
      %dma_wait3A_254 = tpu.memref_slice %arg2[%dma_wait3A_252, %dma_wait3A_253] : memref<10000x128xf32, #tpu.memory_space<hbm>> -> memref<10000x128xf32, #tpu.memory_space<hbm>>
      tpu.wait_indirect_dma semaphore(%arg17 : memref<!tpu.dma_semaphore, #tpu.memory_space<semaphore_mem>>) src(%dma_wait3A_254 : memref<10000x128xf32, #tpu.memory_space<hbm>>) dst(%arg10 : memref<80x128xf32, #tpu.memory_space<vmem>>)
      %run_scoped3A_255 = arith.constant 1 : i32
      "tpu.region"() ({
        %run_scoped3A_318 = tpu.sem_alloc : memref<!tpu.dma_semaphore, #tpu.memory_space<semaphore_mem>>
        %dma_start3A_319 = arith.constant 0 : i32
        %dma_start3A_320 = tpu.memref_slice %arg6[%run_scoped3A_255, %dma_start3A_319] : memref<2x80xi32, #tpu.memory_space<vmem>> -> memref<1x80xi32, #tpu.memory_space<vmem>>
        %dma_start3A_321 = tpu.memref_squeeze %dma_start3A_320 : memref<1x80xi32, #tpu.memory_space<vmem>> -> memref<80xi32, #tpu.memory_space<vmem>>
        %dma_start3A_322 = arith.constant 0 : i32
        %dma_start3A_323 = arith.constant 0 : i32
        %dma_start3A_324 = tpu.memref_slice %arg11[%dma_start3A_322, %dma_start3A_323] : memref<10240x128xf32, #tpu.memory_space<vmem_shared>> -> memref<10240x128xf32, #tpu.memory_space<vmem_shared>>
        tpu.enqueue_indirect_dma source(%arg10 : memref<80x128xf32, #tpu.memory_space<vmem>>) target(%dma_start3A_324 : memref<10240x128xf32, #tpu.memory_space<vmem_shared>>) offsets(%dma_start3A_321 : memref<80xi32, #tpu.memory_space<vmem>>) semaphore(%run_scoped3A_318 : memref<!tpu.dma_semaphore, #tpu.memory_space<semaphore_mem>>) {add = true}
        %dma_wait3A_325 = arith.constant 0 : i32
        %dma_wait3A_326 = tpu.memref_slice %arg6[%run_scoped3A_255, %dma_wait3A_325] : memref<2x80xi32, #tpu.memory_space<vmem>> -> memref<1x80xi32, #tpu.memory_space<vmem>>
        %dma_wait3A_327 = tpu.memref_squeeze %dma_wait3A_326 : memref<1x80xi32, #tpu.memory_space<vmem>> -> memref<80xi32, #tpu.memory_space<vmem>>
        %dma_wait3A_328 = arith.constant 0 : i32
        %dma_wait3A_329 = arith.constant 0 : i32
        %dma_wait3A_330 = tpu.memref_slice %arg11[%dma_wait3A_328, %dma_wait3A_329] : memref<10240x128xf32, #tpu.memory_space<vmem_shared>> -> memref<10240x128xf32, #tpu.memory_space<vmem_shared>>
        tpu.wait_indirect_dma semaphore(%run_scoped3A_318 : memref<!tpu.dma_semaphore, #tpu.memory_space<semaphore_mem>>) src(%arg10 : memref<80x128xf32, #tpu.memory_space<vmem>>) dst(%dma_wait3A_330 : memref<10240x128xf32, #tpu.memory_space<vmem_shared>>)
        tpu.yield
      }) : () -> ()
      %add3A_256 = arith.constant 4 : i32
      %add3A_257 = arith.addi %add3A_247, %add3A_256 : i32
      %lt3A_258 = arith.constant 125 : i32
      %lt3A_259 = arith.cmpi slt, %add3A_257, %lt3A_258 : i32
      %convert_element_type3A_260 = arith.extui %lt3A_259 : i1 to i32
      %cond3A_261 = arith.constant 0 : i32
      %cond3A_262 = arith.cmpi ne, %convert_element_type3A_260, %cond3A_261 : i32
      scf.if %cond3A_262 {
        %add3A_318 = arith.constant 4 : i32
        %add3A_319 = arith.addi %add3A_247, %add3A_318 : i32
        %dma_start3A_320 = arith.constant 0 : i32
        %dma_start3A_321 = arith.constant 0 : i32
        %dma_start3A_322 = arith.constant 0 : i32
        %dma_start3A_323 = arith.constant 0 : i32
        %dma_start3A_324 = tpu.memref_slice %arg3[%arg0, %dma_start3A_320, %dma_start3A_321, %dma_start3A_322, %dma_start3A_323] : memref<2x16x125x2x80xi32, #tpu.memory_space<hbm>> -> memref<1x16x125x2x80xi32, #tpu.memory_space<hbm>>
        %dma_start3A_325 = tpu.memref_squeeze %dma_start3A_324 : memref<1x16x125x2x80xi32, #tpu.memory_space<hbm>> -> memref<16x125x2x80xi32, #tpu.memory_space<hbm>>
        %dma_start3A_326 = arith.constant 0 : i32
        %dma_start3A_327 = arith.constant 0 : i32
        %dma_start3A_328 = arith.constant 0 : i32
        %dma_start3A_329 = tpu.memref_slice %dma_start3A_325[%arg1, %dma_start3A_326, %dma_start3A_327, %dma_start3A_328] : memref<16x125x2x80xi32, #tpu.memory_space<hbm>> -> memref<1x125x2x80xi32, #tpu.memory_space<hbm>>
        %dma_start3A_330 = tpu.memref_squeeze %dma_start3A_329 : memref<1x125x2x80xi32, #tpu.memory_space<hbm>> -> memref<125x2x80xi32, #tpu.memory_space<hbm>>
        %dma_start3A_331 = arith.constant 0 : i32
        %dma_start3A_332 = arith.constant 0 : i32
        %dma_start3A_333 = tpu.memref_slice %dma_start3A_330[%add3A_319, %dma_start3A_331, %dma_start3A_332] : memref<125x2x80xi32, #tpu.memory_space<hbm>> -> memref<1x2x80xi32, #tpu.memory_space<hbm>>
        %dma_start3A_334 = tpu.memref_squeeze %dma_start3A_333 : memref<1x2x80xi32, #tpu.memory_space<hbm>> -> memref<2x80xi32, #tpu.memory_space<hbm>>
        %dma_start3A_335 = arith.constant 0 : i32
        %dma_start3A_336 = arith.constant 0 : i32
        %dma_start3A_337 = arith.constant 0 : i32
        %dma_start3A_338 = arith.constant 0 : i32
        %dma_start3A_339 = tpu.memref_slice %arg3[%arg0, %dma_start3A_335, %dma_start3A_336, %dma_start3A_337, %dma_start3A_338] : memref<2x16x125x2x80xi32, #tpu.memory_space<hbm>> -> memref<1x16x125x2x80xi32, #tpu.memory_space<hbm>>
        %dma_start3A_340 = tpu.memref_squeeze %dma_start3A_339 : memref<1x16x125x2x80xi32, #tpu.memory_space<hbm>> -> memref<16x125x2x80xi32, #tpu.memory_space<hbm>>
        %dma_start3A_341 = arith.constant 0 : i32
        %dma_start3A_342 = arith.constant 0 : i32
        %dma_start3A_343 = arith.constant 0 : i32
        %dma_start3A_344 = tpu.memref_slice %dma_start3A_340[%arg1, %dma_start3A_341, %dma_start3A_342, %dma_start3A_343] : memref<16x125x2x80xi32, #tpu.memory_space<hbm>> -> memref<1x125x2x80xi32, #tpu.memory_space<hbm>>
        %dma_start3A_345 = tpu.memref_squeeze %dma_start3A_344 : memref<1x125x2x80xi32, #tpu.memory_space<hbm>> -> memref<125x2x80xi32, #tpu.memory_space<hbm>>
        %dma_start3A_346 = arith.constant 0 : i32
        %dma_start3A_347 = arith.constant 0 : i32
        %dma_start3A_348 = tpu.memref_slice %dma_start3A_345[%add3A_319, %dma_start3A_346, %dma_start3A_347] : memref<125x2x80xi32, #tpu.memory_space<hbm>> -> memref<1x2x80xi32, #tpu.memory_space<hbm>>
        %dma_start3A_349 = tpu.memref_squeeze %dma_start3A_348 : memref<1x2x80xi32, #tpu.memory_space<hbm>> -> memref<2x80xi32, #tpu.memory_space<hbm>>
        tpu.enqueue_dma source(%dma_start3A_349 : memref<2x80xi32, #tpu.memory_space<hbm>>) target(%arg6 : memref<2x80xi32, #tpu.memory_space<vmem>>) target_semaphore(%arg13 : memref<!tpu.dma_semaphore, #tpu.memory_space<semaphore_mem>>)
      } else {
      }
      %add3A_263 = arith.constant 2 : i32
      %add3A_264 = arith.addi %add3A_247, %add3A_263 : i32
      %lt3A_265 = arith.constant 125 : i32
      %lt3A_266 = arith.cmpi slt, %add3A_264, %lt3A_265 : i32
      %convert_element_type3A_267 = arith.extui %lt3A_266 : i1 to i32
      %cond3A_268 = arith.constant 0 : i32
      %cond3A_269 = arith.cmpi ne, %convert_element_type3A_267, %cond3A_268 : i32
      scf.if %cond3A_269 {
        %add3A_318 = arith.constant 2 : i32
        %add3A_319 = arith.addi %add3A_247, %add3A_318 : i32
        %dma_wait3A_320 = arith.constant 0 : i32
        %dma_wait3A_321 = arith.constant 0 : i32
        %dma_wait3A_322 = arith.constant 0 : i32
        %dma_wait3A_323 = arith.constant 0 : i32
        %dma_wait3A_324 = tpu.memref_slice %arg3[%arg0, %dma_wait3A_320, %dma_wait3A_321, %dma_wait3A_322, %dma_wait3A_323] : memref<2x16x125x2x80xi32, #tpu.memory_space<hbm>> -> memref<1x16x125x2x80xi32, #tpu.memory_space<hbm>>
        %dma_wait3A_325 = tpu.memref_squeeze %dma_wait3A_324 : memref<1x16x125x2x80xi32, #tpu.memory_space<hbm>> -> memref<16x125x2x80xi32, #tpu.memory_space<hbm>>
        %dma_wait3A_326 = arith.constant 0 : i32
        %dma_wait3A_327 = arith.constant 0 : i32
        %dma_wait3A_328 = arith.constant 0 : i32
        %dma_wait3A_329 = tpu.memref_slice %dma_wait3A_325[%arg1, %dma_wait3A_326, %dma_wait3A_327, %dma_wait3A_328] : memref<16x125x2x80xi32, #tpu.memory_space<hbm>> -> memref<1x125x2x80xi32, #tpu.memory_space<hbm>>
        %dma_wait3A_330 = tpu.memref_squeeze %dma_wait3A_329 : memref<1x125x2x80xi32, #tpu.memory_space<hbm>> -> memref<125x2x80xi32, #tpu.memory_space<hbm>>
        %dma_wait3A_331 = arith.constant 0 : i32
        %dma_wait3A_332 = arith.constant 0 : i32
        %dma_wait3A_333 = tpu.memref_slice %dma_wait3A_330[%add3A_319, %dma_wait3A_331, %dma_wait3A_332] : memref<125x2x80xi32, #tpu.memory_space<hbm>> -> memref<1x2x80xi32, #tpu.memory_space<hbm>>
        %dma_wait3A_334 = tpu.memref_squeeze %dma_wait3A_333 : memref<1x2x80xi32, #tpu.memory_space<hbm>> -> memref<2x80xi32, #tpu.memory_space<hbm>>
        %dma_wait3A_335 = arith.constant 0 : i32
        %dma_wait3A_336 = arith.constant 0 : i32
        %dma_wait3A_337 = arith.constant 0 : i32
        %dma_wait3A_338 = arith.constant 0 : i32
        %dma_wait3A_339 = tpu.memref_slice %arg3[%arg0, %dma_wait3A_335, %dma_wait3A_336, %dma_wait3A_337, %dma_wait3A_338] : memref<2x16x125x2x80xi32, #tpu.memory_space<hbm>> -> memref<1x16x125x2x80xi32, #tpu.memory_space<hbm>>
        %dma_wait3A_340 = tpu.memref_squeeze %dma_wait3A_339 : memref<1x16x125x2x80xi32, #tpu.memory_space<hbm>> -> memref<16x125x2x80xi32, #tpu.memory_space<hbm>>
        %dma_wait3A_341 = arith.constant 0 : i32
        %dma_wait3A_342 = arith.constant 0 : i32
        %dma_wait3A_343 = arith.constant 0 : i32
        %dma_wait3A_344 = tpu.memref_slice %dma_wait3A_340[%arg1, %dma_wait3A_341, %dma_wait3A_342, %dma_wait3A_343] : memref<16x125x2x80xi32, #tpu.memory_space<hbm>> -> memref<1x125x2x80xi32, #tpu.memory_space<hbm>>
        %dma_wait3A_345 = tpu.memref_squeeze %dma_wait3A_344 : memref<1x125x2x80xi32, #tpu.memory_space<hbm>> -> memref<125x2x80xi32, #tpu.memory_space<hbm>>
        %dma_wait3A_346 = arith.constant 0 : i32
        %dma_wait3A_347 = arith.constant 0 : i32
        %dma_wait3A_348 = tpu.memref_slice %dma_wait3A_345[%add3A_319, %dma_wait3A_346, %dma_wait3A_347] : memref<125x2x80xi32, #tpu.memory_space<hbm>> -> memref<1x2x80xi32, #tpu.memory_space<hbm>>
        %dma_wait3A_349 = tpu.memref_squeeze %dma_wait3A_348 : memref<1x2x80xi32, #tpu.memory_space<hbm>> -> memref<2x80xi32, #tpu.memory_space<hbm>>
        tpu.wait_dma2 semaphore(%arg15 : memref<!tpu.dma_semaphore, #tpu.memory_space<semaphore_mem>>) src(%dma_wait3A_349 : memref<2x80xi32, #tpu.memory_space<hbm>>) dst(%arg8 : memref<2x80xi32, #tpu.memory_space<vmem>>)
        %dma_start3A_350 = arith.constant 0 : i32
        %dma_start3A_351 = arith.constant 0 : i32
        %dma_start3A_352 = tpu.memref_slice %arg8[%dma_start3A_350, %dma_start3A_351] : memref<2x80xi32, #tpu.memory_space<vmem>> -> memref<1x80xi32, #tpu.memory_space<vmem>>
        %dma_start3A_353 = tpu.memref_squeeze %dma_start3A_352 : memref<1x80xi32, #tpu.memory_space<vmem>> -> memref<80xi32, #tpu.memory_space<vmem>>
        %dma_start3A_354 = arith.constant 0 : i32
        %dma_start3A_355 = arith.constant 0 : i32
        %dma_start3A_356 = tpu.memref_slice %arg2[%dma_start3A_354, %dma_start3A_355] : memref<10000x128xf32, #tpu.memory_space<hbm>> -> memref<10000x128xf32, #tpu.memory_space<hbm>>
        tpu.enqueue_indirect_dma source(%dma_start3A_356 : memref<10000x128xf32, #tpu.memory_space<hbm>>) target(%arg10 : memref<80x128xf32, #tpu.memory_space<vmem>>) offsets(%dma_start3A_353 : memref<80xi32, #tpu.memory_space<vmem>>) semaphore(%arg17 : memref<!tpu.dma_semaphore, #tpu.memory_space<semaphore_mem>>)
      } else {
      }
      %add3A_270 = arith.constant 2 : i32
      %add3A_271 = arith.addi %add3A_224, %add3A_270 : i32
      %dma_wait3A_272 = arith.constant 0 : i32
      %dma_wait3A_273 = arith.constant 0 : i32
      %dma_wait3A_274 = tpu.memref_slice %arg7[%dma_wait3A_272, %dma_wait3A_273] : memref<2x80xi32, #tpu.memory_space<vmem>> -> memref<1x80xi32, #tpu.memory_space<vmem>>
      %dma_wait3A_275 = tpu.memref_squeeze %dma_wait3A_274 : memref<1x80xi32, #tpu.memory_space<vmem>> -> memref<80xi32, #tpu.memory_space<vmem>>
      %dma_wait3A_276 = arith.constant 0 : i32
      %dma_wait3A_277 = arith.constant 0 : i32
      %dma_wait3A_278 = tpu.memref_slice %arg2[%dma_wait3A_276, %dma_wait3A_277] : memref<10000x128xf32, #tpu.memory_space<hbm>> -> memref<10000x128xf32, #tpu.memory_space<hbm>>
      tpu.wait_indirect_dma semaphore(%arg16 : memref<!tpu.dma_semaphore, #tpu.memory_space<semaphore_mem>>) src(%dma_wait3A_278 : memref<10000x128xf32, #tpu.memory_space<hbm>>) dst(%arg9 : memref<80x128xf32, #tpu.memory_space<vmem>>)
      %run_scoped3A_279 = arith.constant 1 : i32
      "tpu.region"() ({
        %run_scoped3A_318 = tpu.sem_alloc : memref<!tpu.dma_semaphore, #tpu.memory_space<semaphore_mem>>
        %dma_start3A_319 = arith.constant 0 : i32
        %dma_start3A_320 = tpu.memref_slice %arg7[%run_scoped3A_279, %dma_start3A_319] : memref<2x80xi32, #tpu.memory_space<vmem>> -> memref<1x80xi32, #tpu.memory_space<vmem>>
        %dma_start3A_321 = tpu.memref_squeeze %dma_start3A_320 : memref<1x80xi32, #tpu.memory_space<vmem>> -> memref<80xi32, #tpu.memory_space<vmem>>
        %dma_start3A_322 = arith.constant 0 : i32
        %dma_start3A_323 = arith.constant 0 : i32
        %dma_start3A_324 = tpu.memref_slice %arg11[%dma_start3A_322, %dma_start3A_323] : memref<10240x128xf32, #tpu.memory_space<vmem_shared>> -> memref<10240x128xf32, #tpu.memory_space<vmem_shared>>
        tpu.enqueue_indirect_dma source(%arg9 : memref<80x128xf32, #tpu.memory_space<vmem>>) target(%dma_start3A_324 : memref<10240x128xf32, #tpu.memory_space<vmem_shared>>) offsets(%dma_start3A_321 : memref<80xi32, #tpu.memory_space<vmem>>) semaphore(%run_scoped3A_318 : memref<!tpu.dma_semaphore, #tpu.memory_space<semaphore_mem>>) {add = true}
        %dma_wait3A_325 = arith.constant 0 : i32
        %dma_wait3A_326 = tpu.memref_slice %arg7[%run_scoped3A_279, %dma_wait3A_325] : memref<2x80xi32, #tpu.memory_space<vmem>> -> memref<1x80xi32, #tpu.memory_space<vmem>>
        %dma_wait3A_327 = tpu.memref_squeeze %dma_wait3A_326 : memref<1x80xi32, #tpu.memory_space<vmem>> -> memref<80xi32, #tpu.memory_space<vmem>>
        %dma_wait3A_328 = arith.constant 0 : i32
        %dma_wait3A_329 = arith.constant 0 : i32
        %dma_wait3A_330 = tpu.memref_slice %arg11[%dma_wait3A_328, %dma_wait3A_329] : memref<10240x128xf32, #tpu.memory_space<vmem_shared>> -> memref<10240x128xf32, #tpu.memory_space<vmem_shared>>
        tpu.wait_indirect_dma semaphore(%run_scoped3A_318 : memref<!tpu.dma_semaphore, #tpu.memory_space<semaphore_mem>>) src(%arg9 : memref<80x128xf32, #tpu.memory_space<vmem>>) dst(%dma_wait3A_330 : memref<10240x128xf32, #tpu.memory_space<vmem_shared>>)
        tpu.yield
      }) : () -> ()
      %add3A_280 = arith.constant 4 : i32
      %add3A_281 = arith.addi %add3A_271, %add3A_280 : i32
      %lt3A_282 = arith.constant 125 : i32
      %lt3A_283 = arith.cmpi slt, %add3A_281, %lt3A_282 : i32
      %convert_element_type3A_284 = arith.extui %lt3A_283 : i1 to i32
      %cond3A_285 = arith.constant 0 : i32
      %cond3A_286 = arith.cmpi ne, %convert_element_type3A_284, %cond3A_285 : i32
      scf.if %cond3A_286 {
        %add3A_318 = arith.constant 4 : i32
        %add3A_319 = arith.addi %add3A_271, %add3A_318 : i32
        %dma_start3A_320 = arith.constant 0 : i32
        %dma_start3A_321 = arith.constant 0 : i32
        %dma_start3A_322 = arith.constant 0 : i32
        %dma_start3A_323 = arith.constant 0 : i32
        %dma_start3A_324 = tpu.memref_slice %arg3[%arg0, %dma_start3A_320, %dma_start3A_321, %dma_start3A_322, %dma_start3A_323] : memref<2x16x125x2x80xi32, #tpu.memory_space<hbm>> -> memref<1x16x125x2x80xi32, #tpu.memory_space<hbm>>
        %dma_start3A_325 = tpu.memref_squeeze %dma_start3A_324 : memref<1x16x125x2x80xi32, #tpu.memory_space<hbm>> -> memref<16x125x2x80xi32, #tpu.memory_space<hbm>>
        %dma_start3A_326 = arith.constant 0 : i32
        %dma_start3A_327 = arith.constant 0 : i32
        %dma_start3A_328 = arith.constant 0 : i32
        %dma_start3A_329 = tpu.memref_slice %dma_start3A_325[%arg1, %dma_start3A_326, %dma_start3A_327, %dma_start3A_328] : memref<16x125x2x80xi32, #tpu.memory_space<hbm>> -> memref<1x125x2x80xi32, #tpu.memory_space<hbm>>
        %dma_start3A_330 = tpu.memref_squeeze %dma_start3A_329 : memref<1x125x2x80xi32, #tpu.memory_space<hbm>> -> memref<125x2x80xi32, #tpu.memory_space<hbm>>
        %dma_start3A_331 = arith.constant 0 : i32
        %dma_start3A_332 = arith.constant 0 : i32
        %dma_start3A_333 = tpu.memref_slice %dma_start3A_330[%add3A_319, %dma_start3A_331, %dma_start3A_332] : memref<125x2x80xi32, #tpu.memory_space<hbm>> -> memref<1x2x80xi32, #tpu.memory_space<hbm>>
        %dma_start3A_334 = tpu.memref_squeeze %dma_start3A_333 : memref<1x2x80xi32, #tpu.memory_space<hbm>> -> memref<2x80xi32, #tpu.memory_space<hbm>>
        %dma_start3A_335 = arith.constant 0 : i32
        %dma_start3A_336 = arith.constant 0 : i32
        %dma_start3A_337 = arith.constant 0 : i32
        %dma_start3A_338 = arith.constant 0 : i32
        %dma_start3A_339 = tpu.memref_slice %arg3[%arg0, %dma_start3A_335, %dma_start3A_336, %dma_start3A_337, %dma_start3A_338] : memref<2x16x125x2x80xi32, #tpu.memory_space<hbm>> -> memref<1x16x125x2x80xi32, #tpu.memory_space<hbm>>
        %dma_start3A_340 = tpu.memref_squeeze %dma_start3A_339 : memref<1x16x125x2x80xi32, #tpu.memory_space<hbm>> -> memref<16x125x2x80xi32, #tpu.memory_space<hbm>>
        %dma_start3A_341 = arith.constant 0 : i32
        %dma_start3A_342 = arith.constant 0 : i32
        %dma_start3A_343 = arith.constant 0 : i32
        %dma_start3A_344 = tpu.memref_slice %dma_start3A_340[%arg1, %dma_start3A_341, %dma_start3A_342, %dma_start3A_343] : memref<16x125x2x80xi32, #tpu.memory_space<hbm>> -> memref<1x125x2x80xi32, #tpu.memory_space<hbm>>
        %dma_start3A_345 = tpu.memref_squeeze %dma_start3A_344 : memref<1x125x2x80xi32, #tpu.memory_space<hbm>> -> memref<125x2x80xi32, #tpu.memory_space<hbm>>
        %dma_start3A_346 = arith.constant 0 : i32
        %dma_start3A_347 = arith.constant 0 : i32
        %dma_start3A_348 = tpu.memref_slice %dma_start3A_345[%add3A_319, %dma_start3A_346, %dma_start3A_347] : memref<125x2x80xi32, #tpu.memory_space<hbm>> -> memref<1x2x80xi32, #tpu.memory_space<hbm>>
        %dma_start3A_349 = tpu.memref_squeeze %dma_start3A_348 : memref<1x2x80xi32, #tpu.memory_space<hbm>> -> memref<2x80xi32, #tpu.memory_space<hbm>>
        tpu.enqueue_dma source(%dma_start3A_349 : memref<2x80xi32, #tpu.memory_space<hbm>>) target(%arg7 : memref<2x80xi32, #tpu.memory_space<vmem>>) target_semaphore(%arg14 : memref<!tpu.dma_semaphore, #tpu.memory_space<semaphore_mem>>)
      } else {
      }
      %add3A_287 = arith.constant 2 : i32
      %add3A_288 = arith.addi %add3A_271, %add3A_287 : i32
      %lt3A_289 = arith.constant 125 : i32
      %lt3A_290 = arith.cmpi slt, %add3A_288, %lt3A_289 : i32
      %convert_element_type3A_291 = arith.extui %lt3A_290 : i1 to i32
      %cond3A_292 = arith.constant 0 : i32
      %cond3A_293 = arith.cmpi ne, %convert_element_type3A_291, %cond3A_292 : i32
      scf.if %cond3A_293 {
        %add3A_318 = arith.constant 2 : i32
        %add3A_319 = arith.addi %add3A_271, %add3A_318 : i32
        %dma_wait3A_320 = arith.constant 0 : i32
        %dma_wait3A_321 = arith.constant 0 : i32
        %dma_wait3A_322 = arith.constant 0 : i32
        %dma_wait3A_323 = arith.constant 0 : i32
        %dma_wait3A_324 = tpu.memref_slice %arg3[%arg0, %dma_wait3A_320, %dma_wait3A_321, %dma_wait3A_322, %dma_wait3A_323] : memref<2x16x125x2x80xi32, #tpu.memory_space<hbm>> -> memref<1x16x125x2x80xi32, #tpu.memory_space<hbm>>
        %dma_wait3A_325 = tpu.memref_squeeze %dma_wait3A_324 : memref<1x16x125x2x80xi32, #tpu.memory_space<hbm>> -> memref<16x125x2x80xi32, #tpu.memory_space<hbm>>
        %dma_wait3A_326 = arith.constant 0 : i32
        %dma_wait3A_327 = arith.constant 0 : i32
        %dma_wait3A_328 = arith.constant 0 : i32
        %dma_wait3A_329 = tpu.memref_slice %dma_wait3A_325[%arg1, %dma_wait3A_326, %dma_wait3A_327, %dma_wait3A_328] : memref<16x125x2x80xi32, #tpu.memory_space<hbm>> -> memref<1x125x2x80xi32, #tpu.memory_space<hbm>>
        %dma_wait3A_330 = tpu.memref_squeeze %dma_wait3A_329 : memref<1x125x2x80xi32, #tpu.memory_space<hbm>> -> memref<125x2x80xi32, #tpu.memory_space<hbm>>
        %dma_wait3A_331 = arith.constant 0 : i32
        %dma_wait3A_332 = arith.constant 0 : i32
        %dma_wait3A_333 = tpu.memref_slice %dma_wait3A_330[%add3A_319, %dma_wait3A_331, %dma_wait3A_332] : memref<125x2x80xi32, #tpu.memory_space<hbm>> -> memref<1x2x80xi32, #tpu.memory_space<hbm>>
        %dma_wait3A_334 = tpu.memref_squeeze %dma_wait3A_333 : memref<1x2x80xi32, #tpu.memory_space<hbm>> -> memref<2x80xi32, #tpu.memory_space<hbm>>
        %dma_wait3A_335 = arith.constant 0 : i32
        %dma_wait3A_336 = arith.constant 0 : i32
        %dma_wait3A_337 = arith.constant 0 : i32
        %dma_wait3A_338 = arith.constant 0 : i32
        %dma_wait3A_339 = tpu.memref_slice %arg3[%arg0, %dma_wait3A_335, %dma_wait3A_336, %dma_wait3A_337, %dma_wait3A_338] : memref<2x16x125x2x80xi32, #tpu.memory_space<hbm>> -> memref<1x16x125x2x80xi32, #tpu.memory_space<hbm>>
        %dma_wait3A_340 = tpu.memref_squeeze %dma_wait3A_339 : memref<1x16x125x2x80xi32, #tpu.memory_space<hbm>> -> memref<16x125x2x80xi32, #tpu.memory_space<hbm>>
        %dma_wait3A_341 = arith.constant 0 : i32
        %dma_wait3A_342 = arith.constant 0 : i32
        %dma_wait3A_343 = arith.constant 0 : i32
        %dma_wait3A_344 = tpu.memref_slice %dma_wait3A_340[%arg1, %dma_wait3A_341, %dma_wait3A_342, %dma_wait3A_343] : memref<16x125x2x80xi32, #tpu.memory_space<hbm>> -> memref<1x125x2x80xi32, #tpu.memory_space<hbm>>
        %dma_wait3A_345 = tpu.memref_squeeze %dma_wait3A_344 : memref<1x125x2x80xi32, #tpu.memory_space<hbm>> -> memref<125x2x80xi32, #tpu.memory_space<hbm>>
        %dma_wait3A_346 = arith.constant 0 : i32
        %dma_wait3A_347 = arith.constant 0 : i32
        %dma_wait3A_348 = tpu.memref_slice %dma_wait3A_345[%add3A_319, %dma_wait3A_346, %dma_wait3A_347] : memref<125x2x80xi32, #tpu.memory_space<hbm>> -> memref<1x2x80xi32, #tpu.memory_space<hbm>>
        %dma_wait3A_349 = tpu.memref_squeeze %dma_wait3A_348 : memref<1x2x80xi32, #tpu.memory_space<hbm>> -> memref<2x80xi32, #tpu.memory_space<hbm>>
        tpu.wait_dma2 semaphore(%arg12 : memref<!tpu.dma_semaphore, #tpu.memory_space<semaphore_mem>>) src(%dma_wait3A_349 : memref<2x80xi32, #tpu.memory_space<hbm>>) dst(%arg5 : memref<2x80xi32, #tpu.memory_space<vmem>>)
        %dma_start3A_350 = arith.constant 0 : i32
        %dma_start3A_351 = arith.constant 0 : i32
        %dma_start3A_352 = tpu.memref_slice %arg5[%dma_start3A_350, %dma_start3A_351] : memref<2x80xi32, #tpu.memory_space<vmem>> -> memref<1x80xi32, #tpu.memory_space<vmem>>
        %dma_start3A_353 = tpu.memref_squeeze %dma_start3A_352 : memref<1x80xi32, #tpu.memory_space<vmem>> -> memref<80xi32, #tpu.memory_space<vmem>>
        %dma_start3A_354 = arith.constant 0 : i32
        %dma_start3A_355 = arith.constant 0 : i32
        %dma_start3A_356 = tpu.memref_slice %arg2[%dma_start3A_354, %dma_start3A_355] : memref<10000x128xf32, #tpu.memory_space<hbm>> -> memref<10000x128xf32, #tpu.memory_space<hbm>>
        tpu.enqueue_indirect_dma source(%dma_start3A_356 : memref<10000x128xf32, #tpu.memory_space<hbm>>) target(%arg9 : memref<80x128xf32, #tpu.memory_space<vmem>>) offsets(%dma_start3A_353 : memref<80xi32, #tpu.memory_space<vmem>>) semaphore(%arg16 : memref<!tpu.dma_semaphore, #tpu.memory_space<semaphore_mem>>)
      } else {
      }
      %add3A_294 = arith.constant 3 : i32
      %add3A_295 = arith.addi %add3A_224, %add3A_294 : i32
      %dma_wait3A_296 = arith.constant 0 : i32
      %dma_wait3A_297 = arith.constant 0 : i32
      %dma_wait3A_298 = tpu.memref_slice %arg8[%dma_wait3A_296, %dma_wait3A_297] : memref<2x80xi32, #tpu.memory_space<vmem>> -> memref<1x80xi32, #tpu.memory_space<vmem>>
      %dma_wait3A_299 = tpu.memref_squeeze %dma_wait3A_298 : memref<1x80xi32, #tpu.memory_space<vmem>> -> memref<80xi32, #tpu.memory_space<vmem>>
      %dma_wait3A_300 = arith.constant 0 : i32
      %dma_wait3A_301 = arith.constant 0 : i32
      %dma_wait3A_302 = tpu.memref_slice %arg2[%dma_wait3A_300, %dma_wait3A_301] : memref<10000x128xf32, #tpu.memory_space<hbm>> -> memref<10000x128xf32, #tpu.memory_space<hbm>>
      tpu.wait_indirect_dma semaphore(%arg17 : memref<!tpu.dma_semaphore, #tpu.memory_space<semaphore_mem>>) src(%dma_wait3A_302 : memref<10000x128xf32, #tpu.memory_space<hbm>>) dst(%arg10 : memref<80x128xf32, #tpu.memory_space<vmem>>)
      %run_scoped3A_303 = arith.constant 1 : i32
      "tpu.region"() ({
        %run_scoped3A_318 = tpu.sem_alloc : memref<!tpu.dma_semaphore, #tpu.memory_space<semaphore_mem>>
        %dma_start3A_319 = arith.constant 0 : i32
        %dma_start3A_320 = tpu.memref_slice %arg8[%run_scoped3A_303, %dma_start3A_319] : memref<2x80xi32, #tpu.memory_space<vmem>> -> memref<1x80xi32, #tpu.memory_space<vmem>>
        %dma_start3A_321 = tpu.memref_squeeze %dma_start3A_320 : memref<1x80xi32, #tpu.memory_space<vmem>> -> memref<80xi32, #tpu.memory_space<vmem>>
        %dma_start3A_322 = arith.constant 0 : i32
        %dma_start3A_323 = arith.constant 0 : i32
        %dma_start3A_324 = tpu.memref_slice %arg11[%dma_start3A_322, %dma_start3A_323] : memref<10240x128xf32, #tpu.memory_space<vmem_shared>> -> memref<10240x128xf32, #tpu.memory_space<vmem_shared>>
        tpu.enqueue_indirect_dma source(%arg10 : memref<80x128xf32, #tpu.memory_space<vmem>>) target(%dma_start3A_324 : memref<10240x128xf32, #tpu.memory_space<vmem_shared>>) offsets(%dma_start3A_321 : memref<80xi32, #tpu.memory_space<vmem>>) semaphore(%run_scoped3A_318 : memref<!tpu.dma_semaphore, #tpu.memory_space<semaphore_mem>>) {add = true}
        %dma_wait3A_325 = arith.constant 0 : i32
        %dma_wait3A_326 = tpu.memref_slice %arg8[%run_scoped3A_303, %dma_wait3A_325] : memref<2x80xi32, #tpu.memory_space<vmem>> -> memref<1x80xi32, #tpu.memory_space<vmem>>
        %dma_wait3A_327 = tpu.memref_squeeze %dma_wait3A_326 : memref<1x80xi32, #tpu.memory_space<vmem>> -> memref<80xi32, #tpu.memory_space<vmem>>
        %dma_wait3A_328 = arith.constant 0 : i32
        %dma_wait3A_329 = arith.constant 0 : i32
        %dma_wait3A_330 = tpu.memref_slice %arg11[%dma_wait3A_328, %dma_wait3A_329] : memref<10240x128xf32, #tpu.memory_space<vmem_shared>> -> memref<10240x128xf32, #tpu.memory_space<vmem_shared>>
        tpu.wait_indirect_dma semaphore(%run_scoped3A_318 : memref<!tpu.dma_semaphore, #tpu.memory_space<semaphore_mem>>) src(%arg10 : memref<80x128xf32, #tpu.memory_space<vmem>>) dst(%dma_wait3A_330 : memref<10240x128xf32, #tpu.memory_space<vmem_shared>>)
        tpu.yield
      }) : () -> ()
      %add3A_304 = arith.constant 4 : i32
      %add3A_305 = arith.addi %add3A_295, %add3A_304 : i32
      %lt3A_306 = arith.constant 125 : i32
      %lt3A_307 = arith.cmpi slt, %add3A_305, %lt3A_306 : i32
      %convert_element_type3A_308 = arith.extui %lt3A_307 : i1 to i32
      %cond3A_309 = arith.constant 0 : i32
      %cond3A_310 = arith.cmpi ne, %convert_element_type3A_308, %cond3A_309 : i32
      scf.if %cond3A_310 {
        %add3A_318 = arith.constant 4 : i32
        %add3A_319 = arith.addi %add3A_295, %add3A_318 : i32
        %dma_start3A_320 = arith.constant 0 : i32
        %dma_start3A_321 = arith.constant 0 : i32
        %dma_start3A_322 = arith.constant 0 : i32
        %dma_start3A_323 = arith.constant 0 : i32
        %dma_start3A_324 = tpu.memref_slice %arg3[%arg0, %dma_start3A_320, %dma_start3A_321, %dma_start3A_322, %dma_start3A_323] : memref<2x16x125x2x80xi32, #tpu.memory_space<hbm>> -> memref<1x16x125x2x80xi32, #tpu.memory_space<hbm>>
        %dma_start3A_325 = tpu.memref_squeeze %dma_start3A_324 : memref<1x16x125x2x80xi32, #tpu.memory_space<hbm>> -> memref<16x125x2x80xi32, #tpu.memory_space<hbm>>
        %dma_start3A_326 = arith.constant 0 : i32
        %dma_start3A_327 = arith.constant 0 : i32
        %dma_start3A_328 = arith.constant 0 : i32
        %dma_start3A_329 = tpu.memref_slice %dma_start3A_325[%arg1, %dma_start3A_326, %dma_start3A_327, %dma_start3A_328] : memref<16x125x2x80xi32, #tpu.memory_space<hbm>> -> memref<1x125x2x80xi32, #tpu.memory_space<hbm>>
        %dma_start3A_330 = tpu.memref_squeeze %dma_start3A_329 : memref<1x125x2x80xi32, #tpu.memory_space<hbm>> -> memref<125x2x80xi32, #tpu.memory_space<hbm>>
        %dma_start3A_331 = arith.constant 0 : i32
        %dma_start3A_332 = arith.constant 0 : i32
        %dma_start3A_333 = tpu.memref_slice %dma_start3A_330[%add3A_319, %dma_start3A_331, %dma_start3A_332] : memref<125x2x80xi32, #tpu.memory_space<hbm>> -> memref<1x2x80xi32, #tpu.memory_space<hbm>>
        %dma_start3A_334 = tpu.memref_squeeze %dma_start3A_333 : memref<1x2x80xi32, #tpu.memory_space<hbm>> -> memref<2x80xi32, #tpu.memory_space<hbm>>
        %dma_start3A_335 = arith.constant 0 : i32
        %dma_start3A_336 = arith.constant 0 : i32
        %dma_start3A_337 = arith.constant 0 : i32
        %dma_start3A_338 = arith.constant 0 : i32
        %dma_start3A_339 = tpu.memref_slice %arg3[%arg0, %dma_start3A_335, %dma_start3A_336, %dma_start3A_337, %dma_start3A_338] : memref<2x16x125x2x80xi32, #tpu.memory_space<hbm>> -> memref<1x16x125x2x80xi32, #tpu.memory_space<hbm>>
        %dma_start3A_340 = tpu.memref_squeeze %dma_start3A_339 : memref<1x16x125x2x80xi32, #tpu.memory_space<hbm>> -> memref<16x125x2x80xi32, #tpu.memory_space<hbm>>
        %dma_start3A_341 = arith.constant 0 : i32
        %dma_start3A_342 = arith.constant 0 : i32
        %dma_start3A_343 = arith.constant 0 : i32
        %dma_start3A_344 = tpu.memref_slice %dma_start3A_340[%arg1, %dma_start3A_341, %dma_start3A_342, %dma_start3A_343] : memref<16x125x2x80xi32, #tpu.memory_space<hbm>> -> memref<1x125x2x80xi32, #tpu.memory_space<hbm>>
        %dma_start3A_345 = tpu.memref_squeeze %dma_start3A_344 : memref<1x125x2x80xi32, #tpu.memory_space<hbm>> -> memref<125x2x80xi32, #tpu.memory_space<hbm>>
        %dma_start3A_346 = arith.constant 0 : i32
        %dma_start3A_347 = arith.constant 0 : i32
        %dma_start3A_348 = tpu.memref_slice %dma_start3A_345[%add3A_319, %dma_start3A_346, %dma_start3A_347] : memref<125x2x80xi32, #tpu.memory_space<hbm>> -> memref<1x2x80xi32, #tpu.memory_space<hbm>>
        %dma_start3A_349 = tpu.memref_squeeze %dma_start3A_348 : memref<1x2x80xi32, #tpu.memory_space<hbm>> -> memref<2x80xi32, #tpu.memory_space<hbm>>
        tpu.enqueue_dma source(%dma_start3A_349 : memref<2x80xi32, #tpu.memory_space<hbm>>) target(%arg8 : memref<2x80xi32, #tpu.memory_space<vmem>>) target_semaphore(%arg15 : memref<!tpu.dma_semaphore, #tpu.memory_space<semaphore_mem>>)
      } else {
      }
      %add3A_311 = arith.constant 2 : i32
      %add3A_312 = arith.addi %add3A_295, %add3A_311 : i32
      %lt3A_313 = arith.constant 125 : i32
      %lt3A_314 = arith.cmpi slt, %add3A_312, %lt3A_313 : i32
      %convert_element_type3A_315 = arith.extui %lt3A_314 : i1 to i32
      %cond3A_316 = arith.constant 0 : i32
      %cond3A_317 = arith.cmpi ne, %convert_element_type3A_315, %cond3A_316 : i32
      scf.if %cond3A_317 {
        %add3A_318 = arith.constant 2 : i32
        %add3A_319 = arith.addi %add3A_295, %add3A_318 : i32
        %dma_wait3A_320 = arith.constant 0 : i32
        %dma_wait3A_321 = arith.constant 0 : i32
        %dma_wait3A_322 = arith.constant 0 : i32
        %dma_wait3A_323 = arith.constant 0 : i32
        %dma_wait3A_324 = tpu.memref_slice %arg3[%arg0, %dma_wait3A_320, %dma_wait3A_321, %dma_wait3A_322, %dma_wait3A_323] : memref<2x16x125x2x80xi32, #tpu.memory_space<hbm>> -> memref<1x16x125x2x80xi32, #tpu.memory_space<hbm>>
        %dma_wait3A_325 = tpu.memref_squeeze %dma_wait3A_324 : memref<1x16x125x2x80xi32, #tpu.memory_space<hbm>> -> memref<16x125x2x80xi32, #tpu.memory_space<hbm>>
        %dma_wait3A_326 = arith.constant 0 : i32
        %dma_wait3A_327 = arith.constant 0 : i32
        %dma_wait3A_328 = arith.constant 0 : i32
        %dma_wait3A_329 = tpu.memref_slice %dma_wait3A_325[%arg1, %dma_wait3A_326, %dma_wait3A_327, %dma_wait3A_328] : memref<16x125x2x80xi32, #tpu.memory_space<hbm>> -> memref<1x125x2x80xi32, #tpu.memory_space<hbm>>
        %dma_wait3A_330 = tpu.memref_squeeze %dma_wait3A_329 : memref<1x125x2x80xi32, #tpu.memory_space<hbm>> -> memref<125x2x80xi32, #tpu.memory_space<hbm>>
        %dma_wait3A_331 = arith.constant 0 : i32
        %dma_wait3A_332 = arith.constant 0 : i32
        %dma_wait3A_333 = tpu.memref_slice %dma_wait3A_330[%add3A_319, %dma_wait3A_331, %dma_wait3A_332] : memref<125x2x80xi32, #tpu.memory_space<hbm>> -> memref<1x2x80xi32, #tpu.memory_space<hbm>>
        %dma_wait3A_334 = tpu.memref_squeeze %dma_wait3A_333 : memref<1x2x80xi32, #tpu.memory_space<hbm>> -> memref<2x80xi32, #tpu.memory_space<hbm>>
        %dma_wait3A_335 = arith.constant 0 : i32
        %dma_wait3A_336 = arith.constant 0 : i32
        %dma_wait3A_337 = arith.constant 0 : i32
        %dma_wait3A_338 = arith.constant 0 : i32
        %dma_wait3A_339 = tpu.memref_slice %arg3[%arg0, %dma_wait3A_335, %dma_wait3A_336, %dma_wait3A_337, %dma_wait3A_338] : memref<2x16x125x2x80xi32, #tpu.memory_space<hbm>> -> memref<1x16x125x2x80xi32, #tpu.memory_space<hbm>>
        %dma_wait3A_340 = tpu.memref_squeeze %dma_wait3A_339 : memref<1x16x125x2x80xi32, #tpu.memory_space<hbm>> -> memref<16x125x2x80xi32, #tpu.memory_space<hbm>>
        %dma_wait3A_341 = arith.constant 0 : i32
        %dma_wait3A_342 = arith.constant 0 : i32
        %dma_wait3A_343 = arith.constant 0 : i32
        %dma_wait3A_344 = tpu.memref_slice %dma_wait3A_340[%arg1, %dma_wait3A_341, %dma_wait3A_342, %dma_wait3A_343] : memref<16x125x2x80xi32, #tpu.memory_space<hbm>> -> memref<1x125x2x80xi32, #tpu.memory_space<hbm>>
        %dma_wait3A_345 = tpu.memref_squeeze %dma_wait3A_344 : memref<1x125x2x80xi32, #tpu.memory_space<hbm>> -> memref<125x2x80xi32, #tpu.memory_space<hbm>>
        %dma_wait3A_346 = arith.constant 0 : i32
        %dma_wait3A_347 = arith.constant 0 : i32
        %dma_wait3A_348 = tpu.memref_slice %dma_wait3A_345[%add3A_319, %dma_wait3A_346, %dma_wait3A_347] : memref<125x2x80xi32, #tpu.memory_space<hbm>> -> memref<1x2x80xi32, #tpu.memory_space<hbm>>
        %dma_wait3A_349 = tpu.memref_squeeze %dma_wait3A_348 : memref<1x2x80xi32, #tpu.memory_space<hbm>> -> memref<2x80xi32, #tpu.memory_space<hbm>>
        tpu.wait_dma2 semaphore(%arg13 : memref<!tpu.dma_semaphore, #tpu.memory_space<semaphore_mem>>) src(%dma_wait3A_349 : memref<2x80xi32, #tpu.memory_space<hbm>>) dst(%arg6 : memref<2x80xi32, #tpu.memory_space<vmem>>)
        %dma_start3A_350 = arith.constant 0 : i32
        %dma_start3A_351 = arith.constant 0 : i32
        %dma_start3A_352 = tpu.memref_slice %arg6[%dma_start3A_350, %dma_start3A_351] : memref<2x80xi32, #tpu.memory_space<vmem>> -> memref<1x80xi32, #tpu.memory_space<vmem>>
        %dma_start3A_353 = tpu.memref_squeeze %dma_start3A_352 : memref<1x80xi32, #tpu.memory_space<vmem>> -> memref<80xi32, #tpu.memory_space<vmem>>
        %dma_start3A_354 = arith.constant 0 : i32
        %dma_start3A_355 = arith.constant 0 : i32
        %dma_start3A_356 = tpu.memref_slice %arg2[%dma_start3A_354, %dma_start3A_355] : memref<10000x128xf32, #tpu.memory_space<hbm>> -> memref<10000x128xf32, #tpu.memory_space<hbm>>
        tpu.enqueue_indirect_dma source(%dma_start3A_356 : memref<10000x128xf32, #tpu.memory_space<hbm>>) target(%arg10 : memref<80x128xf32, #tpu.memory_space<vmem>>) offsets(%dma_start3A_353 : memref<80xi32, #tpu.memory_space<vmem>>) semaphore(%arg17 : memref<!tpu.dma_semaphore, #tpu.memory_space<semaphore_mem>>)
      } else {
      }
    }
    %scan3A_212 = arith.constant 31 : i32
    %dma_wait3A_213 = arith.constant 0 : i32
    %dma_wait3A_214 = arith.constant 0 : i32
    %dma_wait3A_215 = tpu.memref_slice %arg5[%dma_wait3A_213, %dma_wait3A_214] : memref<2x80xi32, #tpu.memory_space<vmem>> -> memref<1x80xi32, #tpu.memory_space<vmem>>
    %dma_wait3A_216 = tpu.memref_squeeze %dma_wait3A_215 : memref<1x80xi32, #tpu.memory_space<vmem>> -> memref<80xi32, #tpu.memory_space<vmem>>
    %dma_wait3A_217 = arith.constant 0 : i32
    %dma_wait3A_218 = arith.constant 0 : i32
    %dma_wait3A_219 = tpu.memref_slice %arg2[%dma_wait3A_217, %dma_wait3A_218] : memref<10000x128xf32, #tpu.memory_space<hbm>> -> memref<10000x128xf32, #tpu.memory_space<hbm>>
    tpu.wait_indirect_dma semaphore(%arg16 : memref<!tpu.dma_semaphore, #tpu.memory_space<semaphore_mem>>) src(%dma_wait3A_219 : memref<10000x128xf32, #tpu.memory_space<hbm>>) dst(%arg9 : memref<80x128xf32, #tpu.memory_space<vmem>>)
    %run_scoped3A = arith.constant 1 : i32
    "tpu.region"() ({
      %run_scoped3A_221 = tpu.sem_alloc : memref<!tpu.dma_semaphore, #tpu.memory_space<semaphore_mem>>
      %dma_start3A_222 = arith.constant 0 : i32
      %dma_start3A_223 = tpu.memref_slice %arg5[%run_scoped3A, %dma_start3A_222] : memref<2x80xi32, #tpu.memory_space<vmem>> -> memref<1x80xi32, #tpu.memory_space<vmem>>
      %dma_start3A_224 = tpu.memref_squeeze %dma_start3A_223 : memref<1x80xi32, #tpu.memory_space<vmem>> -> memref<80xi32, #tpu.memory_space<vmem>>
      %dma_start3A_225 = arith.constant 0 : i32
      %dma_start3A_226 = arith.constant 0 : i32
      %dma_start3A_227 = tpu.memref_slice %arg11[%dma_start3A_225, %dma_start3A_226] : memref<10240x128xf32, #tpu.memory_space<vmem_shared>> -> memref<10240x128xf32, #tpu.memory_space<vmem_shared>>
      tpu.enqueue_indirect_dma source(%arg9 : memref<80x128xf32, #tpu.memory_space<vmem>>) target(%dma_start3A_227 : memref<10240x128xf32, #tpu.memory_space<vmem_shared>>) offsets(%dma_start3A_224 : memref<80xi32, #tpu.memory_space<vmem>>) semaphore(%run_scoped3A_221 : memref<!tpu.dma_semaphore, #tpu.memory_space<semaphore_mem>>) {add = true}
      %dma_wait3A_228 = arith.constant 0 : i32
      %dma_wait3A_229 = tpu.memref_slice %arg5[%run_scoped3A, %dma_wait3A_228] : memref<2x80xi32, #tpu.memory_space<vmem>> -> memref<1x80xi32, #tpu.memory_space<vmem>>
      %dma_wait3A_230 = tpu.memref_squeeze %dma_wait3A_229 : memref<1x80xi32, #tpu.memory_space<vmem>> -> memref<80xi32, #tpu.memory_space<vmem>>
      %dma_wait3A_231 = arith.constant 0 : i32
      %dma_wait3A_232 = arith.constant 0 : i32
      %dma_wait3A_233 = tpu.memref_slice %arg11[%dma_wait3A_231, %dma_wait3A_232] : memref<10240x128xf32, #tpu.memory_space<vmem_shared>> -> memref<10240x128xf32, #tpu.memory_space<vmem_shared>>
      tpu.wait_indirect_dma semaphore(%run_scoped3A_221 : memref<!tpu.dma_semaphore, #tpu.memory_space<semaphore_mem>>) src(%arg9 : memref<80x128xf32, #tpu.memory_space<vmem>>) dst(%dma_wait3A_233 : memref<10240x128xf32, #tpu.memory_space<vmem_shared>>)
      tpu.yield
    }) : () -> ()
    %barrier3A_220 = arith.constant 0 : index
    tpu.barrier barrier_id(%barrier3A_220)
    "tpu.region"() ({
      %run_scoped3A_221 = tpu.sem_alloc : memref<!tpu.dma_semaphore, #tpu.memory_space<semaphore_mem>>
      %dma_start3A_222 = arith.constant 0 : i32
      %dma_start3A_223 = arith.constant 0 : i32
      %dma_start3A_224 = tpu.memref_slice %arg4[%arg0, %dma_start3A_222, %dma_start3A_223] : memref<2x10240x128xf32, #tpu.memory_space<hbm>> -> memref<1x10240x128xf32, #tpu.memory_space<hbm>>
      %dma_start3A_225 = tpu.memref_squeeze %dma_start3A_224 : memref<1x10240x128xf32, #tpu.memory_space<hbm>> -> memref<10240x128xf32, #tpu.memory_space<hbm>>
      %dma_start3A_226 = arith.constant 0 : i32
      %dma_start3A_227 = tpu.memref_slice %dma_start3A_225[%mul3A_0, %dma_start3A_226] : memref<10240x128xf32, #tpu.memory_space<hbm>> -> memref<640x128xf32, #tpu.memory_space<hbm>>
      %dma_start3A_228 = arith.constant 0 : i32
      %dma_start3A_229 = tpu.memref_slice %arg11[%mul3A_0, %dma_start3A_228] : memref<10240x128xf32, #tpu.memory_space<vmem_shared>> -> memref<640x128xf32, #tpu.memory_space<vmem_shared>>
      tpu.enqueue_dma source(%dma_start3A_229 : memref<640x128xf32, #tpu.memory_space<vmem_shared>>) target(%dma_start3A_227 : memref<640x128xf32, #tpu.memory_space<hbm>>) target_semaphore(%run_scoped3A_221 : memref<!tpu.dma_semaphore, #tpu.memory_space<semaphore_mem>>)
      %dma_wait3A_230 = arith.constant 0 : i32
      %dma_wait3A_231 = arith.constant 0 : i32
      %dma_wait3A_232 = tpu.memref_slice %arg4[%arg0, %dma_wait3A_230, %dma_wait3A_231] : memref<2x10240x128xf32, #tpu.memory_space<hbm>> -> memref<1x10240x128xf32, #tpu.memory_space<hbm>>
      %dma_wait3A_233 = tpu.memref_squeeze %dma_wait3A_232 : memref<1x10240x128xf32, #tpu.memory_space<hbm>> -> memref<10240x128xf32, #tpu.memory_space<hbm>>
      %dma_wait3A_234 = arith.constant 0 : i32
      %dma_wait3A_235 = tpu.memref_slice %dma_wait3A_233[%mul3A_0, %dma_wait3A_234] : memref<10240x128xf32, #tpu.memory_space<hbm>> -> memref<640x128xf32, #tpu.memory_space<hbm>>
      %dma_wait3A_236 = arith.constant 0 : i32
      %dma_wait3A_237 = tpu.memref_slice %arg11[%mul3A_0, %dma_wait3A_236] : memref<10240x128xf32, #tpu.memory_space<vmem_shared>> -> memref<640x128xf32, #tpu.memory_space<vmem_shared>>
      tpu.wait_dma2 semaphore(%run_scoped3A_221 : memref<!tpu.dma_semaphore, #tpu.memory_space<semaphore_mem>>) src(%dma_wait3A_237 : memref<640x128xf32, #tpu.memory_space<vmem_shared>>) dst(%dma_wait3A_235 : memref<640x128xf32, #tpu.memory_space<hbm>>)
      tpu.yield
    }) : () -> ()
    return
  }
}

module attributes {stable_mosaic.version = 14 : i64} {
  func.func @body(%arg0: i32, %arg1: memref<1000x128xf32, #tpu.memory_space<vmem>>, %arg2: memref<128x128xf32, #tpu.memory_space<vmem>>, %arg3: memref<1000x128xf32, #tpu.memory_space<vmem>>) attributes {dimension_semantics = [#tpu.dimension_semantics<arbitrary>], iteration_bounds = array<i64: 10>, scalar_prefetch = 0 : i64, scratch_operands = 0 : i64, tpu.core_type = #tpu.core_type<tc>, window_params = [{transform_indices = @transform_0, window_bounds = array<i64: 1000, 128>}, {pipeline_mode = #tpu.pipeline_mode<synchronous>, transform_indices = @transform_1, window_bounds = array<i64: 128, 128>}, {transform_indices = @transform_2, window_bounds = array<i64: 1000, 128>}]} {
    %get3A = arith.constant 0 : index
    %get3A_0 = arith.constant 0 : index
    %get3A_1 = vector.load %arg1[%get3A, %get3A_0] : memref<1000x128xf32, #tpu.memory_space<vmem>>, vector<1000x128xf32>
    %get3A_2 = arith.constant 0 : index
    %get3A_3 = arith.constant 0 : index
    %get3A_4 = vector.load %arg2[%get3A_2, %get3A_3] : memref<128x128xf32, #tpu.memory_space<vmem>>, vector<128x128xf32>
    %dot_general3A = arith.constant dense<0.000000e+00> : vector<1000x128xf32>
    %dot_general3A_5 = tpu.matmul %get3A_1, %get3A_4, %dot_general3A {dimension_numbers = #tpu.dot_dimension_numbers<[1], [0], [0], [1], [0, 0, 1, 1], [], []>, transpose_lhs_hint = false} : vector<1000x128xf32>, vector<128x128xf32>, vector<1000x128xf32> -> vector<1000x128xf32>
    %swap3A = arith.constant 0 : index
    %swap3A_6 = arith.constant 0 : index
    %swap3A_7 = vector.load %arg3[%swap3A, %swap3A_6] : memref<1000x128xf32, #tpu.memory_space<vmem>>, vector<1000x128xf32>
    tpu.vector_store %arg3[%swap3A, %swap3A_6], %dot_general3A_5 {strides = array<i32>} : memref<1000x128xf32, #tpu.memory_space<vmem>>, vector<1000x128xf32>,
    return
  }
  func.func @transform_0(%arg0: i32) -> (i32, i32) {
    %c0_i32 = arith.constant 0 : i32
    %c0_i32_0 = arith.constant 0 : i32
    return %arg0, %c0_i32 : i32, i32
  }
  func.func @transform_1(%arg0: i32) -> (i32, i32) {
    %c0_i32 = arith.constant 0 : i32
    %c0_i32_0 = arith.constant 0 : i32
    %c0_i32_1 = arith.constant 0 : i32
    return %c0_i32, %c0_i32_0 : i32, i32
  }
  func.func @transform_2(%arg0: i32) -> (i32, i32) {
    %c0_i32 = arith.constant 0 : i32
    %c0_i32_0 = arith.constant 0 : i32
    return %arg0, %c0_i32 : i32, i32
  }
}

module attributes {stable_mosaic.version = 14 : i64} {
  func.func @body(%arg0: i32, %arg1: memref<2x1000x128xf32, #tpu.memory_space<vmem>>, %arg2: memref<1x128xf32, #tpu.memory_space<vmem>>, %arg3: memref<1000x128xf32, #tpu.memory_space<vmem>>) attributes {dimension_semantics = [#tpu.dimension_semantics<arbitrary>], iteration_bounds = array<i64: 10>, scalar_prefetch = 0 : i64, scratch_operands = 0 : i64, tpu.core_type = #tpu.core_type<tc>, window_params = [{transform_indices = @transform_0, window_bounds = array<i64: 2, 1000, 128>}, {pipeline_mode = #tpu.pipeline_mode<synchronous>, transform_indices = @transform_1, window_bounds = array<i64: 1, 128>}, {transform_indices = @transform_2, window_bounds = array<i64: 1000, 128>}]} {
    %get3A = arith.constant 0 : index
    %get3A_0 = arith.constant 0 : index
    %get3A_1 = arith.constant 0 : index
    %get3A_2 = vector.load %arg1[%get3A, %get3A_0, %get3A_1] : memref<2x1000x128xf32, #tpu.memory_space<vmem>>, vector<1x1000x128xf32>
    %get3A_3 = vector.shape_cast %get3A_2 : vector<1x1000x128xf32> to vector<1000x128xf32>
    %get3A_4 = arith.constant 1 : index
    %get3A_5 = arith.constant 0 : index
    %get3A_6 = arith.constant 0 : index
    %get3A_7 = vector.load %arg1[%get3A_4, %get3A_5, %get3A_6] : memref<2x1000x128xf32, #tpu.memory_space<vmem>>, vector<1x1000x128xf32>
    %get3A_8 = vector.shape_cast %get3A_7 : vector<1x1000x128xf32> to vector<1000x128xf32>
    %add3A = arith.addf %get3A_3, %get3A_8 : vector<1000x128xf32>
    %get3A_9 = arith.constant 0 : index
    %get3A_10 = arith.constant 0 : index
    %get3A_11 = vector.load %arg2[%get3A_9, %get3A_10] : memref<1x128xf32, #tpu.memory_space<vmem>>, vector<1x128xf32>
    %add3A_12 = vector.broadcast %get3A_11 : vector<1x128xf32> to vector<1000x128xf32>
    %add3A_13 = arith.addf %add3A, %add3A_12 : vector<1000x128xf32>
    %max3A = arith.constant 0.000000e+00 : f32
    %max3A_14 = vector.broadcast %max3A : f32 to vector<1000x128xf32>
    %max3A_15 = arith.maximumf %add3A_13, %max3A_14 : vector<1000x128xf32>
    %swap3A = arith.constant 0 : index
    %swap3A_16 = arith.constant 0 : index
    %swap3A_17 = vector.load %arg3[%swap3A, %swap3A_16] : memref<1000x128xf32, #tpu.memory_space<vmem>>, vector<1000x128xf32>
    tpu.vector_store %arg3[%swap3A, %swap3A_16], %max3A_15 {strides = array<i32>} : memref<1000x128xf32, #tpu.memory_space<vmem>>, vector<1000x128xf32>,
    return
  }
  func.func @transform_0(%arg0: i32) -> (i32, i32, i32) {
    %c0_i32 = arith.constant 0 : i32
    %c0_i32_0 = arith.constant 0 : i32
    %c0_i32_1 = arith.constant 0 : i32
    return %c0_i32, %arg0, %c0_i32_0 : i32, i32, i32
  }
  func.func @transform_1(%arg0: i32) -> (i32, i32) {
    %c0_i32 = arith.constant 0 : i32
    %c0_i32_0 = arith.constant 0 : i32
    %c0_i32_1 = arith.constant 0 : i32
    return %c0_i32, %c0_i32_0 : i32, i32
  }
  func.func @transform_2(%arg0: i32) -> (i32, i32) {
    %c0_i32 = arith.constant 0 : i32
    %c0_i32_0 = arith.constant 0 : i32
    return %arg0, %c0_i32 : i32, i32
  }
}

module attributes {stable_mosaic.version = 14 : i64} {
  func.func @body(%arg0: i32, %arg1: memref<2x1000x128xf32, #tpu.memory_space<vmem>>, %arg2: memref<128x256xf32, #tpu.memory_space<vmem>>, %arg3: memref<1x256xf32, #tpu.memory_space<vmem>>, %arg4: memref<256x128xf32, #tpu.memory_space<vmem>>, %arg5: memref<1x128xf32, #tpu.memory_space<vmem>>, %arg6: memref<128x10xf32, #tpu.memory_space<vmem>>, %arg7: memref<1x10xf32, #tpu.memory_space<vmem>>, %arg8: memref<1x10xf32, #tpu.memory_space<vmem>>, %arg9: memref<1x256xf32, #tpu.memory_space<vmem>>) attributes {dimension_semantics = [#tpu.dimension_semantics<arbitrary>], iteration_bounds = array<i64: 10>, scalar_prefetch = 0 : i64, scratch_operands = 1 : i64, tpu.core_type = #tpu.core_type<tc>, window_params = [{transform_indices = @transform_0, window_bounds = array<i64: 2, 1000, 128>}, {pipeline_mode = #tpu.pipeline_mode<synchronous>, transform_indices = @transform_1, window_bounds = array<i64: 128, 256>}, {pipeline_mode = #tpu.pipeline_mode<synchronous>, transform_indices = @transform_2, window_bounds = array<i64: 1, 256>}, {pipeline_mode = #tpu.pipeline_mode<synchronous>, transform_indices = @transform_3, window_bounds = array<i64: 256, 128>}, {pipeline_mode = #tpu.pipeline_mode<synchronous>, transform_indices = @transform_4, window_bounds = array<i64: 1, 128>}, {pipeline_mode = #tpu.pipeline_mode<synchronous>, transform_indices = @transform_5, window_bounds = array<i64: 128, 10>}, {pipeline_mode = #tpu.pipeline_mode<synchronous>, transform_indices = @transform_6, window_bounds = array<i64: 1, 10>}, {pipeline_mode = #tpu.pipeline_mode<synchronous>, transform_indices = @transform_7, window_bounds = array<i64: 1, 10>}]} {
    %eq3A = arith.constant 0 : i32
    %eq3A_0 = arith.cmpi eq, %arg0, %eq3A : i32
    %convert_element_type3A = arith.extui %eq3A_0 : i1 to i32
    %cond3A = arith.constant 0 : i32
    %cond3A_1 = arith.cmpi ne, %convert_element_type3A, %cond3A : i32
    scf.if %cond3A_1 {
      %broadcast_in_dim3A_34 = arith.constant 0.000000e+00 : f32
      %broadcast_in_dim3A_35 = vector.broadcast %broadcast_in_dim3A_34 : f32 to vector<1x256xf32>
      %swap3A_36 = arith.constant 0 : index
      %swap3A_37 = arith.constant 0 : index
      %swap3A_38 = vector.load %arg9[%swap3A_36, %swap3A_37] : memref<1x256xf32, #tpu.memory_space<vmem>>, vector<1x256xf32>
      tpu.vector_store %arg9[%swap3A_36, %swap3A_37], %broadcast_in_dim3A_35 {strides = array<i32>} : memref<1x256xf32, #tpu.memory_space<vmem>>, vector<1x256xf32>,
    } else {
    }
    %get3A = arith.constant 0 : index
    %get3A_2 = arith.constant 0 : index
    %get3A_3 = arith.constant 0 : index
    %get3A_4 = vector.load %arg1[%get3A, %get3A_2, %get3A_3] : memref<2x1000x128xf32, #tpu.memory_space<vmem>>, vector<1x1000x128xf32>
    %get3A_5 = vector.shape_cast %get3A_4 : vector<1x1000x128xf32> to vector<1000x128xf32>
    %get3A_6 = arith.constant 1 : index
    %get3A_7 = arith.constant 0 : index
    %get3A_8 = arith.constant 0 : index
    %get3A_9 = vector.load %arg1[%get3A_6, %get3A_7, %get3A_8] : memref<2x1000x128xf32, #tpu.memory_space<vmem>>, vector<1x1000x128xf32>
    %get3A_10 = vector.shape_cast %get3A_9 : vector<1x1000x128xf32> to vector<1000x128xf32>
    %add3A = arith.addf %get3A_5, %get3A_10 : vector<1000x128xf32>
    %get3A_11 = arith.constant 0 : index
    %get3A_12 = arith.constant 0 : index
    %get3A_13 = vector.load %arg2[%get3A_11, %get3A_12] : memref<128x256xf32, #tpu.memory_space<vmem>>, vector<128x256xf32>
    %dot_general3A = arith.constant dense<0.000000e+00> : vector<1000x256xf32>
    %dot_general3A_14 = tpu.matmul %add3A, %get3A_13, %dot_general3A {dimension_numbers = #tpu.dot_dimension_numbers<[1], [0], [0], [1], [0, 0, 1, 1], [], []>, transpose_lhs_hint = false} : vector<1000x128xf32>, vector<128x256xf32>, vector<1000x256xf32> -> vector<1000x256xf32>
    %get3A_15 = arith.constant 0 : index
    %get3A_16 = arith.constant 0 : index
    %get3A_17 = vector.load %arg3[%get3A_15, %get3A_16] : memref<1x256xf32, #tpu.memory_space<vmem>>, vector<1x256xf32>
    %add3A_18 = vector.broadcast %get3A_17 : vector<1x256xf32> to vector<1000x256xf32>
    %add3A_19 = arith.addf %dot_general3A_14, %add3A_18 : vector<1000x256xf32>
    %max3A = arith.constant 0.000000e+00 : f32
    %max3A_20 = vector.broadcast %max3A : f32 to vector<1000x256xf32>
    %max3A_21 = arith.maximumf %add3A_19, %max3A_20 : vector<1000x256xf32>
    %get3A_22 = arith.constant 0 : index
    %get3A_23 = arith.constant 0 : index
    %get3A_24 = vector.load %arg9[%get3A_22, %get3A_23] : memref<1x256xf32, #tpu.memory_space<vmem>>, vector<1x256xf32>
    %reduce_sum3A = arith.constant dense<0.000000e+00> : vector<256xf32>
    %reduce_sum3A_25 = vector.multi_reduction <add>, %max3A_21, %reduce_sum3A [0] : vector<1000x256xf32> to vector<256xf32>
    %broadcast_in_dim3A = vector.shape_cast %reduce_sum3A_25 : vector<256xf32> to vector<1x256xf32>
    %add3A_26 = arith.addf %get3A_24, %broadcast_in_dim3A : vector<1x256xf32>
    %swap3A = arith.constant 0 : index
    %swap3A_27 = arith.constant 0 : index
    %swap3A_28 = vector.load %arg9[%swap3A, %swap3A_27] : memref<1x256xf32, #tpu.memory_space<vmem>>, vector<1x256xf32>
    tpu.vector_store %arg9[%swap3A, %swap3A_27], %add3A_26 {strides = array<i32>} : memref<1x256xf32, #tpu.memory_space<vmem>>, vector<1x256xf32>,
    %eq3A_29 = arith.constant 9 : i32
    %eq3A_30 = arith.cmpi eq, %arg0, %eq3A_29 : i32
    %convert_element_type3A_31 = arith.extui %eq3A_30 : i1 to i32
    %cond3A_32 = arith.constant 0 : i32
    %cond3A_33 = arith.cmpi ne, %convert_element_type3A_31, %cond3A_32 : i32
    scf.if %cond3A_33 {
      %get3A_34 = arith.constant 0 : index
      %get3A_35 = arith.constant 0 : index
      %get3A_36 = vector.load %arg9[%get3A_34, %get3A_35] : memref<1x256xf32, #tpu.memory_space<vmem>>, vector<1x256xf32>
      %div3A = arith.constant 1.000000e+04 : f32
      %div3A_37 = vector.broadcast %div3A : f32 to vector<1x256xf32>
      %div3A_38 = arith.divf %get3A_36, %div3A_37 : vector<1x256xf32>
      %max3A_39 = arith.constant 0.000000e+00 : f32
      %max3A_40 = vector.broadcast %max3A_39 : f32 to vector<1x256xf32>
      %max3A_41 = arith.maximumf %div3A_38, %max3A_40 : vector<1x256xf32>
      %get3A_42 = arith.constant 0 : index
      %get3A_43 = arith.constant 0 : index
      %get3A_44 = vector.load %arg4[%get3A_42, %get3A_43] : memref<256x128xf32, #tpu.memory_space<vmem>>, vector<256x128xf32>
      %dot_general3A_45 = arith.constant dense<0.000000e+00> : vector<1x128xf32>
      %dot_general3A_46 = tpu.matmul %max3A_41, %get3A_44, %dot_general3A_45 {dimension_numbers = #tpu.dot_dimension_numbers<[1], [0], [0], [1], [0, 0, 1, 1], [], []>, transpose_lhs_hint = false} : vector<1x256xf32>, vector<256x128xf32>, vector<1x128xf32> -> vector<1x128xf32>
      %get3A_47 = arith.constant 0 : index
      %get3A_48 = arith.constant 0 : index
      %get3A_49 = vector.load %arg5[%get3A_47, %get3A_48] : memref<1x128xf32, #tpu.memory_space<vmem>>, vector<1x128xf32>
      %add3A_50 = arith.addf %dot_general3A_46, %get3A_49 : vector<1x128xf32>
      %max3A_51 = arith.constant 0.000000e+00 : f32
      %max3A_52 = vector.broadcast %max3A_51 : f32 to vector<1x128xf32>
      %max3A_53 = arith.maximumf %add3A_50, %max3A_52 : vector<1x128xf32>
      %get3A_54 = arith.constant 0 : index
      %get3A_55 = arith.constant 0 : index
      %get3A_56 = vector.load %arg6[%get3A_54, %get3A_55] : memref<128x10xf32, #tpu.memory_space<vmem>>, vector<128x10xf32>
      %dot_general3A_57 = arith.constant dense<0.000000e+00> : vector<1x10xf32>
      %dot_general3A_58 = tpu.matmul %max3A_53, %get3A_56, %dot_general3A_57 {dimension_numbers = #tpu.dot_dimension_numbers<[1], [0], [0], [1], [0, 0, 1, 1], [], []>, transpose_lhs_hint = false} : vector<1x128xf32>, vector<128x10xf32>, vector<1x10xf32> -> vector<1x10xf32>
      %get3A_59 = arith.constant 0 : index
      %get3A_60 = arith.constant 0 : index
      %get3A_61 = vector.load %arg7[%get3A_59, %get3A_60] : memref<1x10xf32, #tpu.memory_space<vmem>>, vector<1x10xf32>
      %add3A_62 = arith.addf %dot_general3A_58, %get3A_61 : vector<1x10xf32>
      %reduce_max3A = vector.shape_cast %add3A_62 : vector<1x10xf32> to vector<1x1x10xf32>
      %reduce_max3A_63 = arith.constant dense<0xFF800000> : vector<1xf32>
      %reduce_max3A_64 = vector.multi_reduction <maximumf>, %reduce_max3A, %reduce_max3A_63 [1, 2] : vector<1x1x10xf32> to vector<1xf32>
      %reduce_max3A_65 = vector.shape_cast %reduce_max3A_64 : vector<1xf32> to vector<1x1x1xf32>
      %reduce_max3A_66 = vector.extract %reduce_max3A_65[0, 0, 0] : f32 from vector<1x1x1xf32>
      %sub3A = vector.broadcast %reduce_max3A_66 : f32 to vector<1x10xf32>
      %sub3A_67 = arith.subf %add3A_62, %sub3A : vector<1x10xf32>
      %exp3A = math.exp %sub3A_67 : vector<1x10xf32>
      %reduce_sum3A_68 = vector.shape_cast %exp3A : vector<1x10xf32> to vector<1x1x10xf32>
      %reduce_sum3A_69 = arith.constant dense<0.000000e+00> : vector<1xf32>
      %reduce_sum3A_70 = vector.multi_reduction <add>, %reduce_sum3A_68, %reduce_sum3A_69 [1, 2] : vector<1x1x10xf32> to vector<1xf32>
      %reduce_sum3A_71 = vector.shape_cast %reduce_sum3A_70 : vector<1xf32> to vector<1x1x1xf32>
      %reduce_sum3A_72 = vector.extract %reduce_sum3A_71[0, 0, 0] : f32 from vector<1x1x1xf32>
      %log3A = math.log %reduce_sum3A_72 : f32
      %sub3A_73 = vector.broadcast %log3A : f32 to vector<1x10xf32>
      %sub3A_74 = arith.subf %sub3A_67, %sub3A_73 : vector<1x10xf32>
      %swap3A_75 = arith.constant 0 : index
      %swap3A_76 = arith.constant 0 : index
      %swap3A_77 = vector.load %arg8[%swap3A_75, %swap3A_76] : memref<1x10xf32, #tpu.memory_space<vmem>>, vector<1x10xf32>
      tpu.vector_store %arg8[%swap3A_75, %swap3A_76], %sub3A_74 {strides = array<i32>} : memref<1x10xf32, #tpu.memory_space<vmem>>, vector<1x10xf32>,
    } else {
    }
    return
  }
  func.func @transform_0(%arg0: i32) -> (i32, i32, i32) {
    %c0_i32 = arith.constant 0 : i32
    %c0_i32_0 = arith.constant 0 : i32
    %c0_i32_1 = arith.constant 0 : i32
    return %c0_i32, %arg0, %c0_i32_0 : i32, i32, i32
  }
  func.func @transform_1(%arg0: i32) -> (i32, i32) {
    %c0_i32 = arith.constant 0 : i32
    %c0_i32_0 = arith.constant 0 : i32
    %c0_i32_1 = arith.constant 0 : i32
    return %c0_i32, %c0_i32_0 : i32, i32
  }
  func.func @transform_2(%arg0: i32) -> (i32, i32) {
    %c0_i32 = arith.constant 0 : i32
    %c0_i32_0 = arith.constant 0 : i32
    %c0_i32_1 = arith.constant 0 : i32
    return %c0_i32, %c0_i32_0 : i32, i32
  }
  func.func @transform_3(%arg0: i32) -> (i32, i32) {
    %c0_i32 = arith.constant 0 : i32
    %c0_i32_0 = arith.constant 0 : i32
    %c0_i32_1 = arith.constant 0 : i32
    return %c0_i32, %c0_i32_0 : i32, i32
  }
  func.func @transform_4(%arg0: i32) -> (i32, i32) {
    %c0_i32 = arith.constant 0 : i32
    %c0_i32_0 = arith.constant 0 : i32
    %c0_i32_1 = arith.constant 0 : i32
    return %c0_i32, %c0_i32_0 : i32, i32
  }
  func.func @transform_5(%arg0: i32) -> (i32, i32) {
    %c0_i32 = arith.constant 0 : i32
    %c0_i32_0 = arith.constant 0 : i32
    %c0_i32_1 = arith.constant 0 : i32
    return %c0_i32, %c0_i32_0 : i32, i32
  }
  func.func @transform_6(%arg0: i32) -> (i32, i32) {
    %c0_i32 = arith.constant 0 : i32
    %c0_i32_0 = arith.constant 0 : i32
    %c0_i32_1 = arith.constant 0 : i32
    return %c0_i32, %c0_i32_0 : i32, i32
  }
  func.func @transform_7(%arg0: i32) -> (i32, i32) {
    %c0_i32 = arith.constant 0 : i32
    %c0_i32_0 = arith.constant 0 : i32
    %c0_i32_1 = arith.constant 0 : i32
    return %c0_i32, %c0_i32_0 : i32, i32
  }
}

</mosaic_0001>

<sc_bundles>
// kernel: kernel.10.cloned.1.call-start
scs
__scs_entry_jumppad:
0x0: {  	(pc) =	sbr.rel $0x88, $3  }
0x1: {  	(tag) =	ssettag $0x0;
	lr =	simm.s32 $0x1  }
0x2: {  	[smem:$0x3F97] =	sst lr;
	_ =	strace $0xD0000000  }
0x3: {  	_ = 	snop  }
0x4: {  	_ = 	snop  }
0x5: {  	_ = 	snop  }
0x6: {  	_ = 	snop  }
0x7: {  	_ = 	snop  }
__scs_overlays_trampoline_lowered:
0x8: {  	[smem:$0x3FA6] =	sst s0  }
0x9: {  	[smem:$0x3FA7] =	sst s1  }
0xa: {  	[smem:$0x3FA8] =	sst s2  }
0xb: {  	[smem:$0x3FA9] =	sst s3  }
0xc: {  	[smem:$0x3FAA] =	sst s4  }
0xd: {  	[smem:$0x3FAB] =	sst s5  }
0xe: {  	[smem:$0x3FAC] =	sst s6  }
0xf: {  	[smem:$0x3FAD] =	sst s7  }
0x10: {  	[smem:$0x3FAE] =	sst s8  }
0x11: {  	[smem:$0x3FAF] =	sst s9;
	s0 =	simm.s32 @!p0 $0x0  }
0x12: {  	s1 =	sld [smem:$0x3F95];
	s0 =	simm.s32 @p0 $0x1  }
0x13: {  	[smem:$0x3FB0] =	sst s0;
	s0 =	simm.s32 @!p1 $0x0  }
0x14: {  	s2 =	sld [smem:$0x3F94];
	s0 =	simm.s32 @p1 $0x1  }
0x15: {  	[smem:$0x3FB1] =	sst s0;
	s0 =	simm.s32 @!p2 $0x0  }
0x16: {  	s3 =	sld [smem:$0x3FDB];
	s0 =	simm.s32 @p2 $0x1  }
0x17: {  	s4 =	simm.s32 $0x1BF5;
	[smem:$0x3FB3] =	sst s0  }
0x18: {  	s0 =	sld [smem:$0x3F96];
	_ =	swait.ge [sflag:s4], $0x0  }
0x19: {  	s7 =	sld [smem:$0x3F97]  }
0x1a: {  	s8 =	sadd.s32 $0xFFFFE003, lr  }
0x1b: {  	s9 =	sadd.s32 $0xFFFFFEF7, lr;
	s5 =	simm.s32 $0xFFFFFFFF;
	p2 =	slt.u32 s8, $0xFFFFF086  }
0x1c: {  	p1 =	slt.u32 s9, $0xF7A;
	s5 =	simm.s32 @!p2 $0x0  }
0x1d: {  	s5 =	simm.s32 @p1 $0x1;
	p0 =	seq.s32 s7, s2  }
0x1e: {  	s7 =	smul.u32 @!p0 $0xF7A, s2;
	p2 =	seq.s32 @!p0 s5, $0x0  }
0x1f: {  	s9 =	smul.u32 $0xF7A, s1;
	s8 =	simm.s32 @!p0 $0x1BF5;
	p2 =	por !p2, p0  }
0x20: {  	[sflag:s8] =	ssyncset.s32 @!p0 $0xFFFFF086;
	s6 =	sadd.s32 @!p0 s3, s7;
	s7 =	simm.s32 @!p0 $0x108  }
0x21: {  	s3 =	sadd.s32 s3, s9;
	s6 =	sadd.s32 @!p0 $0x88, s6;
	s7 =	simm.s32 @p2 $0x1082  }
0x22: {  	[simem:s7], [sflag:s8] =	dma.local @!p0 [hbm:s6], $0xF7A  }
0x23: {  	s9 =	sor.u32 $0xD0000000, s2;
	s6 =	simm.s32 $0x108;
	_ =	swait.ge @!p0 [sflag:s8], $0x0  }
0x24: {  	s3 =	sadd.s32 $0x88, s3;
	s6 =	simm.s32 @!p1 $0x1082;
	[sflag:s4] =	ssyncset.s32 $0xFFFFF086  }
0x25: {  	[simem:s6], [sflag:s4] =	dma.local [hbm:s3], $0xF7A  }
0x26: {  	[smem:$0x3F97] =	sst s1;
	(tag) =	ssettag s2;
	_ =	strace s9  }
0x27: {  	s1 =	sld [smem:$0x3FA7]  }
0x28: {  	s2 =	sld [smem:$0x3FA8]  }
0x29: {  	s4 =	sld [smem:$0x3FAA]  }
0x2a: {  	p0 =	seq.s32 s5, $0x0;
	s5 =	sld [smem:$0x3FAB]  }
0x2b: {  	s6 =	sld [smem:$0x3FAC]  }
0x2c: {  	s7 =	sld [smem:$0x3FAD]  }
0x2d: {  	s3 =	simm.s32 $0x108;
	s8 =	sld [smem:$0x3FAE]  }
0x2e: {  	s3 =	simm.s32 @!p0 $0x1082;
	s9 =	sld [smem:$0x3FAF]  }
0x2f: {  	lr =	sadd.s32 s0, s3;
	s0 =	sld [smem:$0x3FA6]  }
0x30: {  	s3 =	sld [smem:$0x3FA9]  }
0x31: {  	[smem:$0x3FB2] =	sst s10  }
0x32: {  	s10 =	sld [smem:$0x3FB0];
	_ =	sdelay $0x3  }
0x33: {  	p0 =	seq.s32 s10, $0x1;
	s10 =	sld [smem:$0x3FB2];
	_ =	sdelay $0x3  }
0x34: {  	[smem:$0x3FB2] =	sst s10  }
0x35: {  	s10 =	sld [smem:$0x3FB1];
	_ =	sdelay $0x3  }
0x36: {  	p1 =	seq.s32 s10, $0x1;
	s10 =	sld [smem:$0x3FB2];
	_ =	sdelay $0x3  }
0x37: {  	[smem:$0x3FB2] =	sst s10  }
0x38: {  	s10 =	sld [smem:$0x3FB3]  }
0x39: {  	_ = 	snop;
	(pc) =	sbr.ind lr, $3  }
0x3a: {  	_ = 	snop  }
0x3b: {  	_ = 	snop  }
0x3c: {  	p2 =	seq.s32 s10, $0x1;
	s10 =	sld [smem:$0x3FB2]  }
0x3d: {  	_ =	shalt  }
0x3e: {  	_ =	shalt  }
0x3f: {  	_ =	shalt  }
0x40: {  	_ =	shalt  }
0x41: {  	_ =	shalt  }
0x42: {  	_ =	shalt  }
0x43: {  	_ =	shalt  }
0x44: {  	_ =	shalt  }
0x45: {  	_ =	shalt  }
0x46: {  	_ =	shalt  }
0x47: {  	_ =	shalt  }
0x48: {  	_ =	shalt  }
0x49: {  	_ =	shalt  }
0x4a: {  	_ =	shalt  }
0x4b: {  	_ =	shalt  }
0x4c: {  	_ =	shalt  }
0x4d: {  	_ =	shalt  }
0x4e: {  	_ =	shalt  }
0x4f: {  	_ =	shalt  }
0x50: {  	_ =	shalt  }
0x51: {  	_ =	shalt  }
0x52: {  	_ =	shalt  }
0x53: {  	_ =	shalt  }
0x54: {  	_ =	shalt  }
0x55: {  	_ =	shalt  }
0x56: {  	_ =	shalt  }
0x57: {  	_ =	shalt  }
0x58: {  	_ =	shalt  }
0x59: {  	_ =	shalt  }
0x5a: {  	_ =	shalt  }
0x5b: {  	_ =	shalt  }
0x5c: {  	_ =	shalt  }
0x5d: {  	_ =	shalt  }
0x5e: {  	_ =	shalt  }
0x5f: {  	_ =	shalt  }
0x60: {  	_ =	shalt  }
0x61: {  	_ =	shalt  }
0x62: {  	_ =	shalt  }
0x63: {  	_ =	shalt  }
0x64: {  	_ =	shalt  }
0x65: {  	_ =	shalt  }
0x66: {  	_ =	shalt  }
0x67: {  	_ =	shalt  }
0x68: {  	_ =	shalt  }
0x69: {  	_ =	shalt  }
0x6a: {  	_ =	shalt  }
0x6b: {  	_ =	shalt  }
0x6c: {  	_ =	shalt  }
0x6d: {  	_ =	shalt  }
0x6e: {  	_ =	shalt  }
0x6f: {  	_ =	shalt  }
0x70: {  	_ =	shalt  }
0x71: {  	_ =	shalt  }
0x72: {  	_ =	shalt  }
0x73: {  	_ =	shalt  }
0x74: {  	_ =	shalt  }
0x75: {  	_ =	shalt  }
0x76: {  	_ =	shalt  }
0x77: {  	_ =	shalt  }
0x78: {  	_ =	shalt  }
0x79: {  	_ =	shalt  }
0x7a: {  	_ =	shalt  }
0x7b: {  	_ =	shalt  }
0x7c: {  	_ =	shalt  }
0x7d: {  	_ =	shalt  }
0x7e: {  	_ =	shalt  }
0x7f: {  	_ =	shalt  }
0x80: {  	_ =	shalt  }
0x81: {  	_ =	shalt  }
0x82: {  	_ =	shalt  }
0x83: {  	_ =	shalt  }
0x84: {  	_ =	shalt  }
0x85: {  	_ =	shalt  }
0x86: {  	_ =	shalt  }
0x87: {  	_ =	shalt  }
.Lfunc_end0:
.L_simem_size_0:
called_computation.1_lowered:
.L_overlay_start_0:
0x88: {  	s2 =	sld [smem:$0x3FD9]  }
0x89: {  	s3 =	sld [smem:$0x3FFE];
	_ =	sdelay $0x1  }
0x8a: {  	s1 =	srdreg.scid  }
0x8b: {  	s0 =	sand.u32 $0x1, s1  }
0x8c: {  	s16 =	sshll.u32 s0, $0xA;
	s2 =	sadd.s32 s3, s2  }
0x8d: {  	s2 =	sadd.s32 s2, s16  }
0x8e: {  	[smem:$0x3FBE] =	sst s2  }
0x8f: {  	_ = 	snop  }
0x90: {  	(tm) =	ssettm $0x1  }
0x91: {  	s17 =	sld [smem:$0x3FFB];
	_ =	sdelay $0x3  }
0x92: {  	_ =	strace s17  }
0x93: {  	s2 =	sld [smem:$0x3FFC];
	_ =	sdelay $0x3  }
0x94: {  	_ =	strace s2  }
0x95: {  	s2 =	sld [smem:$0x3FFD];
	_ =	sdelay $0x3  }
0x96: {  	_ =	strace s2  }
0x97: {  	_ =	strace $0x8FFFFFFF  }
0x98: {  	s18 =	sld [smem:$0x3FDB];
	_ =	sdelay $0x1  }
0x99: {  	s19 =	simm.s32 $_scs_section_size  }
0x9a: {  	s4 =	simm.s32 $_size__tile_overlayer_lowered;
	s5 =	simm.s32 $_tile_overlayer_lowered  }
0x9b: {  	s22 =	simm.s32 $0x1BFF;
	s21 =	sshll.u32 s5, $0x1;
	s2 =	sadd.s32 s19, s18  }
0x9c: {  	s6 =	simm.s32 $0x0;
	s20 =	sshll.u32 s4, $0x1;
	s4 =	sadd.s32 s21, s2  }
0x9d: {  	[timem:s6], [sflag:s22] =	dma.local [hbm:s4], s20  }
0x9e: {  	_ =	swait.ge [sflag:s22], s20  }
0x9f: {  	s3 =	ssub.s32 $0x0, s20;
	[sflag:s22] =	ssyncset.done $0x0  }
0xa0: {  	[sflag:s22] =	ssyncadd.s32 s3;
	_ =	sdelay $0x1  }
0xa1: {  	s23 =	simm.s32 $0x1B8B  }
0xa2: {  	_ =	swait.ge [sflag:s23], $0x1  }
0xa3: {  	[sflag:s23] =	ssyncset.done $0x0  }
0xa4: {  	s25 =	simm.s32 $0x1B8E;
	s24 =	sld [smem:$0x3FFE];
	[sflag:s23] =	ssyncadd.s32 $0xFFFFFFFF  }
0xa5: {  	s26 =	simm.s32 $execute0_lowered;
	[smem:$0x3FD2] =	sst s25  }
0xa6: {  	s4 =	sshll.u32 s26, $0x1;
	_ =	strace $0x80000049;
	[dreg:$0x1] =	wrdreg $0xFFFFFFFF  }
0xa7: {  	s28 =	simm.s32 $_size_execute0_lowered;
	s2 =	sadd.s32 s2, s4;
	[dreg:$0x0] =	wrdreg $0x0  }
0xa8: {  	s4 =	sshll.u32 s28, $0x1;
	[dreg:$0x2] =	wrdreg s2  }
0xa9: {  	[dreg:$0x3] =	wrdreg s4  }
0xaa: {  	[dreg:$0x4] =	wrdreg $0xC0  }
0xab: {  	_ =	task [dreg:s6], $0x5FFFF  }
0xac: {  	[dreg:$0x1] =	wrdreg $0xFFFFFFFF  }
0xad: {  	[dreg:$0x0] =	wrdreg $0x60  }
0xae: {  	[dreg:$0x2] =	wrdreg s24  }
0xaf: {  	[dreg:$0x3] =	wrdreg $0x54000  }
0xb0: {  	[dreg:$0x4] =	wrdreg $0x9  }
0xb1: {  	_ =	task.clear_ibuf [dreg:s6], $0x5FFFF;
	_ =	strace $0x90000049  }
0xb2: {  	s29 =	simm.s32 $0x9;
	_ =	strace $0x8000004B  }
0xb3: {  	_ =	swait.ge [sflag:s29], $0x1  }
0xb4: {  	[sflag:s29] =	ssyncadd.s32 $0xFFFFFFFF  }
0xb5: {  	_ =	strace $0x9000004B  }
0xb6: {  	_ =	sfence  }
0xb7: {  	s30 =	sld [smem:$0x0];
	_ =	sdelay $0x2  }
0xb8: {  	s31 =	sshll.u32 s1, $0xD;
	s1 =	sshrl.u32 s1, $0x2  }
0xb9: {  	s3 =	sand.u32 $0x4000, s31;
	s1 =	sadd.s32 s1, s30  }
0xba: {  	s0 =	sor.u32 s3, s0;
	s1 =	sshll.u32 s1, $0x11  }
0xbb: {  	s0 =	sor.u32 s1, s0  }
0xbc: {  	s0 =	sadd.s32 $0x8F2B, s0  }
0xbd: {  	[sflag:s0] =	ssyncadd.remote.s32 $0x1  }
0xbe: {  	_ =	sfence.sel $0xFFFF  }
0xbf: {  	[dreg:$0x0] =	wrdreg $0xFFFFFFFF;
	(pc) =	sbr.abs _section_cstart, $3  }
0xc0: {  	[dreg:$0x1] =	wrdreg $0xFFFFFFFF  }
0xc1: {  	_ =	task.clear_ibuf [dreg:s6], $0x2FFFF;
	_ =	strace $0x9FFFFFFF  }
0xc2: {  	(tm) =	ssettm $0x7FFFFFFF  }
0xc3: {  	_ =	shalt  }
tec
execute0_lowered:
.L_overlay_start_1:
0x0: {  	(tag) =	ssettag $0x1  }
0x1: {  	s0 =	rddreg [dreg:$0x0]  }
0x2: {  	s1 =	rddreg [dreg:$0x1];
	s2 =	simm.s32 $0x0  }
0x3: {  	s3 =	srdreg.scid;
	s9 =	stileid.u32;
	s18 =	simm.s32 $0x100  }
0x4: {  	s28 =	simm.s32 $0x5;
	s29 =	simm.s32 $0x80;
	s8 =	smul.u32 $0x50000, s9  }
0x5: {  	s30 =	simm.s32 $0x3;
	s3 =	sand.u32 $0x1, s3;
	s15 =	smul.u32 $0xFA0, s9  }
0x6: {  	s31 =	simm.s32 $0x6;
	[smem:$0x7FF] =	sst s2;
	s5 =	smul.u32 $0xFA00, s3  }
0x7: {  	s4 =	sadd.s32 $0x21400, s0;
	s6 =	smul.u32 $0x28000, s3;
	s3 =	ssub.s32 $0x2, s3  }
0x8: {  	s17 =	smul.u32 $0x2800, s9;
	_ =	strace $0x8000004A;
	s7 =	sshrl.u32 s3, $0x1  }
0x9: {  	s16 =	sshrl.u32 s8, $0x2;
	s8 =	simm.s32 $0x0;
	s5 =	sadd.s32 s5, s0  }
0xa: {  	s0 =	sadd.s32 s6, s0;
	s3 =	ssub.s32 s3, s7;
	s6 =	simm.s32 $0x280  }
0xb: {  	s14 =	sadd.s32 $0x2000, s5;
	s5 =	sadd.s32 s16, s1;
	s3 =	smax.u32 s3, $0x1  }
0xc: {  	s7 =	simm.s32 $0x380;
	[dreg:$0x3] =	wrdreg s3;
	s19 =	sadd.s32 $0x2800, s5  }
0xd: {  	s0 =	sadd.s32 $0x48600, s0;
	s20 =	sadd.s32 $0x5000, s5;
	[dreg:$0x4] =	wrdreg s19  }
0xe: {  	s16 =	simm.s32 $0x7;
	s21 =	sadd.s32 $0x7800, s5;
	[dreg:$0x5] =	wrdreg s20  }
0xf: {  	s22 =	sadd.s32 $0xA000, s5;
	s23 =	sadd.s32 $0xC800, s5;
	[dreg:$0x6] =	wrdreg s21  }
0x10: {  	s24 =	sadd.s32 $0xF000, s5;
	s25 =	sadd.s32 $0x11800, s5;
	[dreg:$0x7] =	wrdreg s22  }
0x11: {  	s14 =	sadd.s32 s15, s14;
	s15 =	simm.s32 $0x400;
	[dreg:$0x8] =	wrdreg s23  }
.Ltmp0:
0x12: {  	s3 =	simm.s32 $0x4;
	[dreg:$0x9] =	wrdreg s24;
	(pc) =	sbr.rel .LBB2_1-.Ltmp0, $4  }
0x13: {  	[dreg:$0xa] =	wrdreg s25;
	s26 =	sadd.s32 $0x20, s14;
	s19 =	sadd.s32 $0x40, s14  }
0x14: {  	s20 =	simm.s32 $0x200;
	s21 =	simm.s32 $0x300;
	s22 =	simm.s32 $0x1  }
0x15: {  	s23 =	simm.s32 $0x50;
	s24 =	sadd.s32 s17, s0;
	s25 =	simm.s32 $0x2  }
0x16: {  	v0 =	vimm.f32 $0.0e+00;
	s0 =	simm.s32 $0x180;
	[dreg:$0xb] =	wrdreg s26;
	s26 =	simm.s32 $0x2C00  }
.LBB2_6:
0x17: {  	_ =	swait.ge [sflag:s28], $0x2800  }
0x18: {  	[sflag:s28] =	ssyncset.done $0x0  }
0x19: {  	[sflag:s28] =	ssyncadd.s32 $0xFFFFD800  }
0x1a: {  	[spmem:s1] =	stream.indirect.scatter.add.f32 [tilespmem:s15], [sflag:$0x7], $0x80, s29, s23, $0xb8;
	[tilespmem:$0x19400] =	vst v63  }
0x1b: {  	_ =	swait.ge [sflag:s16], $0x2800  }
0x1c: {  	s9 =	stileid.u32;
	[sflag:s16] =	ssyncset.done $0x0  }
0x1d: {  	s9 =	sshll.u32 s9, $0x6;
	[sflag:s16] =	ssyncadd.s32 $0xFFFFD800  }
0x1e: {  	s10 =	sshrl.u32 s5, $0x3;
	s9 =	sor.u32 $0x1C07, s9;
	[bflag:$0x0] =	sbarrier.arrive $0xFFFF  }
0x1f: {  	[hbm:s24], [sflag:s9] =	dma.local [spmem:s10], $0x2800  }
0x20: {  	_ =	swait.ge [sflag:s16], $0x2800  }
0x21: {  	s8 =	sadd.s32 $0x1, s8;
	s17 =	rddreg [dreg:$0x3]  }
0x22: {  	p0 =	sne.s32 s8, s17  }
.Ltmp1:
0x23: {  	_ = 	snop;
	(pc) =	sbr.rel @!p0 .LBB2_7-.Ltmp1, $3  }
0x24: {  	_ =	sdelay $0x1  }
0x25: {  	[sflag:s16] =	ssyncset.done $0x0  }
0x26: {  	[sflag:s16] =	ssyncadd.s32 $0xFFFFD800  }
.LBB2_1:
0x27: {  	s9 =	simm.s32 $0x0;
	s10 =	simm.s32 $0x200  }
.LBB2_2:
0x28: {  	p0 =	sne.s32 s10, $0x9E00;
	[tilespmem:s9+$0x470] =	vst v0  }
0x29: {  	[tilespmem:s9+$0x400] =	vst v0  }
0x2a: {  	[tilespmem:s9+$0x410] =	vst v0  }
.Ltmp2:
0x2b: {  	[tilespmem:s9+$0x420] =	vst v0;
	(pc) =	sbr.rel @p0 .LBB2_2-.Ltmp2, $4  }
0x2c: {  	[tilespmem:s9+$0x430] =	vst v0  }
0x2d: {  	[tilespmem:s9+$0x440] =	vst v0  }
0x2e: {  	[tilespmem:s9+$0x450] =	vst v0  }
0x2f: {  	[tilespmem:s9+$0x460] =	vst v0;
	s9 =	sshra.s32 s10, $0x2;
	s10 =	sadd.s32 $0x200, s10  }
0x30: {  	[tilespmem:s9+$0x470] =	vst v0  }
0x31: {  	[tilespmem:s9+$0x400] =	vst v0  }
0x32: {  	[tilespmem:s9+$0x410] =	vst v0  }
0x33: {  	[tilespmem:s9+$0x420] =	vst v0  }
0x34: {  	[tilespmem:s9+$0x430] =	vst v0  }
0x35: {  	[tilespmem:s9+$0x440] =	vst v0  }
0x36: {  	[tilespmem:s9+$0x450] =	vst v0  }
0x37: {  	[tilespmem:s9+$0x460] =	vst v0  }
0x38: {  	[spmem:s5] =	stream.linear.scatter [tilespmem:s15], [sflag:$0x7], $0x2800, $0x38;
	[tilespmem:$0x19400] =	vst v63  }
0x39: {  	_ =	swait.ge [sflag:s16], $0x2800  }
0x3a: {  	[sflag:s16] =	ssyncset.done $0x0  }
0x3b: {  	s11 =	rddreg [dreg:$0x4];
	[sflag:s16] =	ssyncadd.s32 $0xFFFFD800  }
0x3c: {  	[spmem:s11] =	stream.linear.scatter [tilespmem:s15], [sflag:$0x7], $0x2800, $0x38;
	[tilespmem:$0x19400] =	vst v63  }
0x3d: {  	_ =	swait.ge [sflag:s16], $0x2800  }
0x3e: {  	[sflag:s16] =	ssyncset.done $0x0  }
0x3f: {  	s12 =	rddreg [dreg:$0x5];
	[sflag:s16] =	ssyncadd.s32 $0xFFFFD800  }
0x40: {  	[spmem:s12] =	stream.linear.scatter [tilespmem:s15], [sflag:$0x7], $0x2800, $0x38;
	[tilespmem:$0x19400] =	vst v63  }
0x41: {  	_ =	swait.ge [sflag:s16], $0x2800  }
0x42: {  	[sflag:s16] =	ssyncset.done $0x0  }
0x43: {  	s13 =	rddreg [dreg:$0x6];
	[sflag:s16] =	ssyncadd.s32 $0xFFFFD800  }
0x44: {  	[spmem:s13] =	stream.linear.scatter [tilespmem:s15], [sflag:$0x7], $0x2800, $0x38;
	[tilespmem:$0x19400] =	vst v63  }
0x45: {  	_ =	swait.ge [sflag:s16], $0x2800  }
0x46: {  	[sflag:s16] =	ssyncset.done $0x0  }
0x47: {  	s17 =	rddreg [dreg:$0x7];
	[sflag:s16] =	ssyncadd.s32 $0xFFFFD800  }
0x48: {  	[spmem:s17] =	stream.linear.scatter [tilespmem:s15], [sflag:$0x7], $0x2800, $0x38;
	[tilespmem:$0x19400] =	vst v63  }
0x49: {  	_ =	swait.ge [sflag:s16], $0x2800  }
0x4a: {  	[sflag:s16] =	ssyncset.done $0x0  }
0x4b: {  	s10 =	rddreg [dreg:$0x8];
	[sflag:s16] =	ssyncadd.s32 $0xFFFFD800  }
0x4c: {  	[spmem:s10] =	stream.linear.scatter [tilespmem:s15], [sflag:$0x7], $0x2800, $0x38;
	[tilespmem:$0x19400] =	vst v63  }
0x4d: {  	_ =	swait.ge [sflag:s16], $0x2800  }
0x4e: {  	[sflag:s16] =	ssyncset.done $0x0  }
0x4f: {  	s11 =	rddreg [dreg:$0x9];
	[sflag:s16] =	ssyncadd.s32 $0xFFFFD800  }
0x50: {  	[spmem:s11] =	stream.linear.scatter [tilespmem:s15], [sflag:$0x7], $0x2800, $0x38;
	[tilespmem:$0x19400] =	vst v63  }
0x51: {  	_ =	swait.ge [sflag:s16], $0x2800  }
0x52: {  	[sflag:s16] =	ssyncset.done $0x0  }
0x53: {  	s12 =	rddreg [dreg:$0xa];
	[sflag:s16] =	ssyncadd.s32 $0xFFFFD800  }
0x54: {  	[spmem:s12] =	stream.linear.scatter [tilespmem:s15], [sflag:$0x7], $0x2800, $0x38;
	[tilespmem:$0x19400] =	vst v63  }
0x55: {  	_ =	swait.ge [sflag:s16], $0x2800  }
0x56: {  	[sflag:s16] =	ssyncset.done $0x0  }
0x57: {  	[sflag:s16] =	ssyncadd.s32 $0xFFFFD800  }
0x58: {  	[bflag:$0x0] =	sbarrier.arrive $0xFFFF  }
0x59: {  	[tilespmem:s2], [sflag:$0x1] =	stream.linear.gather [hbm4b:s14+s2], $0x100, $0x38;
	[tilespmem:$0x19400] =	vst v63  }
0x5a: {  	s13 =	rddreg [dreg:$0xb]  }
0x5b: {  	[tilespmem:s18], [sflag:$0x2] =	stream.linear.gather [hbm4b:s13+s2], $0x100, $0x38;
	[tilespmem:$0x19400] =	vst v63  }
0x5c: {  	_ = 	snop  }
0x5d: {  	[tilespmem:s20], [sflag:$0x3] =	stream.linear.gather [hbm4b:s19+s2], $0x100, $0x38;
	[tilespmem:$0x19400] =	vst v63  }
0x5e: {  	s17 =	sadd.s32 $0x60, s14  }
0x5f: {  	[tilespmem:s21], [sflag:$0x4] =	stream.linear.gather [hbm4b:s17+s2], $0x100, $0x38;
	[tilespmem:$0x19400] =	vst v63  }
0x60: {  	_ =	swait.ge [sflag:s22], $0x100  }
0x61: {  	[sflag:s22] =	ssyncset.done $0x0  }
0x62: {  	[sflag:s22] =	ssyncadd.s32 $0xFFFFFF00  }
0x63: {  	[tilespmem:s15], [sflag:$0x5] =	stream.indirect.gather [hbm4b:s4+s23], $0x80, s2, s23, $0xb8;
	[tilespmem:$0x19400] =	vst v63  }
0x64: {  	_ =	swait.ge [sflag:s25], $0x100  }
0x65: {  	[sflag:s25] =	ssyncset.done $0x0  }
0x66: {  	s9 =	simm.s32 $0xFFFFF100;
	[sflag:s25] =	ssyncadd.s32 $0xFFFFFF00  }
0x67: {  	[tilespmem:s26], [sflag:$0x6] =	stream.indirect.gather [hbm4b:s4+s23], $0x80, s18, s23, $0xb8;
	[tilespmem:$0x19400] =	vst v63  }
.LBB2_4:
0x68: {  	_ =	swait.ge [sflag:s28], $0x2800  }
0x69: {  	[sflag:s28] =	ssyncset.done $0x0  }
0x6a: {  	[sflag:s28] =	ssyncadd.s32 $0xFFFFD800  }
0x6b: {  	[spmem:s1] =	stream.indirect.scatter.add.f32 [tilespmem:s15], [sflag:$0x7], $0x80, s29, s23, $0xb8;
	[tilespmem:$0x19400] =	vst v63  }
0x6c: {  	_ =	swait.ge [sflag:s16], $0x2800  }
0x6d: {  	s10 =	sadd.s32 s9, s14;
	[sflag:s16] =	ssyncset.done $0x0  }
0x6e: {  	s11 =	sadd.s32 $0xF80, s10;
	[sflag:s16] =	ssyncadd.s32 $0xFFFFD800  }
0x6f: {  	[tilespmem:s2], [sflag:$0x1] =	stream.linear.gather [hbm4b:s11+s2], $0x100, $0x38;
	[tilespmem:$0x19400] =	vst v63  }
0x70: {  	_ =	swait.ge [sflag:s30], $0x100  }
0x71: {  	[sflag:s30] =	ssyncset.done $0x0  }
0x72: {  	[sflag:s30] =	ssyncadd.s32 $0xFFFFFF00  }
0x73: {  	[tilespmem:s15], [sflag:$0x5] =	stream.indirect.gather [hbm4b:s4+s23], $0x80, s20, s23, $0xb8;
	[tilespmem:$0x19400] =	vst v63  }
0x74: {  	_ =	swait.ge [sflag:s31], $0x2800  }
0x75: {  	[sflag:s31] =	ssyncset.done $0x0  }
0x76: {  	[sflag:s31] =	ssyncadd.s32 $0xFFFFD800  }
0x77: {  	[spmem:s1] =	stream.indirect.scatter.add.f32 [tilespmem:s26], [sflag:$0x7], $0x80, s0, s23, $0xb8;
	[tilespmem:$0x19400] =	vst v63  }
0x78: {  	p0 =	seq.s32 s9, $0x0;
	_ =	swait.ge [sflag:s16], $0x2800  }
0x79: {  	s13 =	simm.s32 @!p0 $0x0;
	s11 =	sadd.s32 @!p0 s9, s14;
	[sflag:s16] =	ssyncset.done $0x0  }
0x7a: {  	s17 =	simm.s32 @!p0 $0x100;
	s12 =	sadd.s32 @!p0 $0xFA0, s11;
	[sflag:s16] =	ssyncadd.s32 $0xFFFFD800  }
0x7b: {  	[tilespmem:s17], [sflag:$0x2] =	stream.linear.gather @!p0 [hbm4b:s12+s13], $0x100, $0x38;
	[tilespmem:$0x19400] =	vst v63  }
0x7c: {  	_ =	swait.ge [sflag:s3], $0x100  }
0x7d: {  	[sflag:s3] =	ssyncset.done $0x0  }
0x7e: {  	[sflag:s3] =	ssyncadd.s32 $0xFFFFFF00  }
0x7f: {  	[tilespmem:s26], [sflag:$0x6] =	stream.indirect.gather [hbm4b:s4+s23], $0x80, s21, s23, $0xb8;
	[tilespmem:$0x19400] =	vst v63  }
0x80: {  	_ =	swait.ge [sflag:s28], $0x2800  }
0x81: {  	[sflag:s28] =	ssyncset.done $0x0  }
0x82: {  	[sflag:s28] =	ssyncadd.s32 $0xFFFFD800  }
0x83: {  	[spmem:s1] =	stream.indirect.scatter.add.f32 [tilespmem:s15], [sflag:$0x7], $0x80, s6, s23, $0xb8;
	[tilespmem:$0x19400] =	vst v63  }
0x84: {  	_ =	swait.ge [sflag:s16], $0x2800  }
0x85: {  	[sflag:s16] =	ssyncset.done $0x0  }
0x86: {  	s11 =	sadd.s32 @!p0 $0xFC0, s11;
	s12 =	simm.s32 @!p0 $0x200;
	[sflag:s16] =	ssyncadd.s32 $0xFFFFD800  }
0x87: {  	[tilespmem:s12], [sflag:$0x3] =	stream.linear.gather @!p0 [hbm4b:s11+s13], $0x100, $0x38;
	[tilespmem:$0x19400] =	vst v63  }
0x88: {  	_ =	swait.ge [sflag:s22], $0x100  }
0x89: {  	[sflag:s22] =	ssyncset.done $0x0  }
0x8a: {  	[sflag:s22] =	ssyncadd.s32 $0xFFFFFF00  }
0x8b: {  	[tilespmem:s15], [sflag:$0x5] =	stream.indirect.gather [hbm4b:s4+s23], $0x80, s2, s23, $0xb8;
	[tilespmem:$0x19400] =	vst v63  }
0x8c: {  	_ =	swait.ge [sflag:s31], $0x2800  }
0x8d: {  	[sflag:s31] =	ssyncset.done $0x0  }
.Ltmp3:
0x8e: {  	[sflag:s31] =	ssyncadd.s32 $0xFFFFD800;
	(pc) =	sbr.rel @p0 .LBB2_6-.Ltmp3, $4  }
0x8f: {  	[spmem:s1] =	stream.indirect.scatter.add.f32 [tilespmem:s26], [sflag:$0x7], $0x80, s7, s23, $0xb8;
	[tilespmem:$0x19400] =	vst v63  }
0x90: {  	_ =	swait.ge [sflag:s16], $0x2800  }
0x91: {  	[sflag:s16] =	ssyncset.done $0x0  }
0x92: {  	[sflag:s16] =	ssyncadd.s32 $0xFFFFD800  }
0x93: {  	s10 =	sadd.s32 $0xFE0, s10  }
0x94: {  	[tilespmem:s21], [sflag:$0x4] =	stream.linear.gather [hbm4b:s10+s2], $0x100, $0x38;
	[tilespmem:$0x19400] =	vst v63  }
.Ltmp4:
0x95: {  	_ = 	snop;
	(pc) =	sbr.rel .LBB2_4-.Ltmp4, $4  }
0x96: {  	_ =	swait.ge [sflag:s25], $0x100  }
0x97: {  	[sflag:s25] =	ssyncset.done $0x0  }
0x98: {  	s9 =	sadd.s32 $0x80, s9;
	[sflag:s25] =	ssyncadd.s32 $0xFFFFFF00  }
0x99: {  	[tilespmem:s26], [sflag:$0x6] =	stream.indirect.gather [hbm4b:s4+s23], $0x80, s18, s23, $0xb8;
	[tilespmem:$0x19400] =	vst v63  }
.LBB2_7:
0x9a: {  	_ =	sfence.sel $0x180000  }
0x9b: {  	[bflag:$0x0] =	sbarrier.arrive $0xFFFF  }
0x9c: {  	_ =	strace $0x9000004A  }
0x9d: {  	s0 =	stileid.u32;
	[bflag:$0x2] =	sbarrier.arrive $0xFFFF  }
0x9e: {  	p0 =	sne.s32 s0, $0x0;
	s0 =	rddreg [dreg:$0x2]  }
0x9f: {  	s0 =	sadd.s32 @!p0 $0x100000, s0  }
0xa0: {  	[sflag:s0] =	ssyncadd.tile.s32 @!p0 $0x1;
	_ =	shalt  }
.Lfunc_end2:
_tile_overlayer_lowered:
.L_overlay_start_2:
0xa1: {  	(tag) =	ssettag $0x2  }
0xa2: {  	s0 =	rddreg [dreg:$0x0];
	s2 =	stileid.u32  }
0xa3: {  	s1 =	rddreg [dreg:$0x1];
	p0 =	sne.s32 s2, $0x0  }
0xa4: {  	s3 =	rddreg [dreg:$0x2];
	[bflag:$0x3] =	sbarrier.arrive $0xFFFF;
	s2 =	simm.s32 @!p0 $0x1C07  }
0xa5: {  	[timem:s3], [sflag:s2] =	dma.local @!p0 [hbm:s0], s1  }
0xa6: {  	s0 =	simm.s32 @!p0 $0x7  }
0xa7: {  	_ =	swait.ge @!p0 [sflag:s0], s1  }
0xa8: {  	s1 =	ssub.s32 @!p0 $0x0, s1;
	[sflag:s0] =	ssyncset.done @!p0 $0x0  }
0xa9: {  	[sflag:s0] =	ssyncadd.s32 @!p0 s1  }
0xaa: {  	[bflag:$0x3] =	sbarrier.arrive $0xFFFF  }
0xab: {  	_ =	shalt  }

// kernel: kernel.7.cloned.1.call-start
scs
__scs_entry_jumppad:
0x0: {  	(pc) =	sbr.rel $0x88, $3  }
0x1: {  	(tag) =	ssettag $0x0;
	lr =	simm.s32 $0x1  }
0x2: {  	[smem:$0x3F97] =	sst lr;
	_ =	strace $0xD0000000  }
0x3: {  	_ = 	snop  }
0x4: {  	_ = 	snop  }
0x5: {  	_ = 	snop  }
0x6: {  	_ = 	snop  }
0x7: {  	_ = 	snop  }
__scs_overlays_trampoline_lowered:
0x8: {  	[smem:$0x3FA6] =	sst s0  }
0x9: {  	[smem:$0x3FA7] =	sst s1  }
0xa: {  	[smem:$0x3FA8] =	sst s2  }
0xb: {  	[smem:$0x3FA9] =	sst s3  }
0xc: {  	[smem:$0x3FAA] =	sst s4  }
0xd: {  	[smem:$0x3FAB] =	sst s5  }
0xe: {  	[smem:$0x3FAC] =	sst s6  }
0xf: {  	[smem:$0x3FAD] =	sst s7  }
0x10: {  	[smem:$0x3FAE] =	sst s8  }
0x11: {  	[smem:$0x3FAF] =	sst s9;
	s0 =	simm.s32 @!p0 $0x0  }
0x12: {  	s1 =	sld [smem:$0x3F95];
	s0 =	simm.s32 @p0 $0x1  }
0x13: {  	[smem:$0x3FB0] =	sst s0;
	s0 =	simm.s32 @!p1 $0x0  }
0x14: {  	s2 =	sld [smem:$0x3F94];
	s0 =	simm.s32 @p1 $0x1  }
0x15: {  	[smem:$0x3FB1] =	sst s0;
	s0 =	simm.s32 @!p2 $0x0  }
0x16: {  	s3 =	sld [smem:$0x3FDB];
	s0 =	simm.s32 @p2 $0x1  }
0x17: {  	s4 =	simm.s32 $0x1BF5;
	[smem:$0x3FB3] =	sst s0  }
0x18: {  	s0 =	sld [smem:$0x3F96];
	_ =	swait.ge [sflag:s4], $0x0  }
0x19: {  	s7 =	sld [smem:$0x3F97]  }
0x1a: {  	s8 =	sadd.s32 $0xFFFFE003, lr  }
0x1b: {  	s9 =	sadd.s32 $0xFFFFFEF7, lr;
	s5 =	simm.s32 $0xFFFFFFFF;
	p2 =	slt.u32 s8, $0xFFFFF086  }
0x1c: {  	p1 =	slt.u32 s9, $0xF7A;
	s5 =	simm.s32 @!p2 $0x0  }
0x1d: {  	s5 =	simm.s32 @p1 $0x1;
	p0 =	seq.s32 s7, s2  }
0x1e: {  	s7 =	smul.u32 @!p0 $0xF7A, s2;
	p2 =	seq.s32 @!p0 s5, $0x0  }
0x1f: {  	s9 =	smul.u32 $0xF7A, s1;
	s8 =	simm.s32 @!p0 $0x1BF5;
	p2 =	por !p2, p0  }
0x20: {  	[sflag:s8] =	ssyncset.s32 @!p0 $0xFFFFF086;
	s6 =	sadd.s32 @!p0 s3, s7;
	s7 =	simm.s32 @!p0 $0x108  }
0x21: {  	s3 =	sadd.s32 s3, s9;
	s6 =	sadd.s32 @!p0 $0x88, s6;
	s7 =	simm.s32 @p2 $0x1082  }
0x22: {  	[simem:s7], [sflag:s8] =	dma.local @!p0 [hbm:s6], $0xF7A  }
0x23: {  	s9 =	sor.u32 $0xD0000000, s2;
	s6 =	simm.s32 $0x108;
	_ =	swait.ge @!p0 [sflag:s8], $0x0  }
0x24: {  	s3 =	sadd.s32 $0x88, s3;
	s6 =	simm.s32 @!p1 $0x1082;
	[sflag:s4] =	ssyncset.s32 $0xFFFFF086  }
0x25: {  	[simem:s6], [sflag:s4] =	dma.local [hbm:s3], $0xF7A  }
0x26: {  	[smem:$0x3F97] =	sst s1;
	(tag) =	ssettag s2;
	_ =	strace s9  }
0x27: {  	s1 =	sld [smem:$0x3FA7]  }
0x28: {  	s2 =	sld [smem:$0x3FA8]  }
0x29: {  	s4 =	sld [smem:$0x3FAA]  }
0x2a: {  	p0 =	seq.s32 s5, $0x0;
	s5 =	sld [smem:$0x3FAB]  }
0x2b: {  	s6 =	sld [smem:$0x3FAC]  }
0x2c: {  	s7 =	sld [smem:$0x3FAD]  }
0x2d: {  	s3 =	simm.s32 $0x108;
	s8 =	sld [smem:$0x3FAE]  }
0x2e: {  	s3 =	simm.s32 @!p0 $0x1082;
	s9 =	sld [smem:$0x3FAF]  }
0x2f: {  	lr =	sadd.s32 s0, s3;
	s0 =	sld [smem:$0x3FA6]  }
0x30: {  	s3 =	sld [smem:$0x3FA9]  }
0x31: {  	[smem:$0x3FB2] =	sst s10  }
0x32: {  	s10 =	sld [smem:$0x3FB0];
	_ =	sdelay $0x3  }
0x33: {  	p0 =	seq.s32 s10, $0x1;
	s10 =	sld [smem:$0x3FB2];
	_ =	sdelay $0x3  }
0x34: {  	[smem:$0x3FB2] =	sst s10  }
0x35: {  	s10 =	sld [smem:$0x3FB1];
	_ =	sdelay $0x3  }
0x36: {  	p1 =	seq.s32 s10, $0x1;
	s10 =	sld [smem:$0x3FB2];
	_ =	sdelay $0x3  }
0x37: {  	[smem:$0x3FB2] =	sst s10  }
0x38: {  	s10 =	sld [smem:$0x3FB3]  }
0x39: {  	_ = 	snop;
	(pc) =	sbr.ind lr, $3  }
0x3a: {  	_ = 	snop  }
0x3b: {  	_ = 	snop  }
0x3c: {  	p2 =	seq.s32 s10, $0x1;
	s10 =	sld [smem:$0x3FB2]  }
0x3d: {  	_ =	shalt  }
0x3e: {  	_ =	shalt  }
0x3f: {  	_ =	shalt  }
0x40: {  	_ =	shalt  }
0x41: {  	_ =	shalt  }
0x42: {  	_ =	shalt  }
0x43: {  	_ =	shalt  }
0x44: {  	_ =	shalt  }
0x45: {  	_ =	shalt  }
0x46: {  	_ =	shalt  }
0x47: {  	_ =	shalt  }
0x48: {  	_ =	shalt  }
0x49: {  	_ =	shalt  }
0x4a: {  	_ =	shalt  }
0x4b: {  	_ =	shalt  }
0x4c: {  	_ =	shalt  }
0x4d: {  	_ =	shalt  }
0x4e: {  	_ =	shalt  }
0x4f: {  	_ =	shalt  }
0x50: {  	_ =	shalt  }
0x51: {  	_ =	shalt  }
0x52: {  	_ =	shalt  }
0x53: {  	_ =	shalt  }
0x54: {  	_ =	shalt  }
0x55: {  	_ =	shalt  }
0x56: {  	_ =	shalt  }
0x57: {  	_ =	shalt  }
0x58: {  	_ =	shalt  }
0x59: {  	_ =	shalt  }
0x5a: {  	_ =	shalt  }
0x5b: {  	_ =	shalt  }
0x5c: {  	_ =	shalt  }
0x5d: {  	_ =	shalt  }
0x5e: {  	_ =	shalt  }
0x5f: {  	_ =	shalt  }
0x60: {  	_ =	shalt  }
0x61: {  	_ =	shalt  }
0x62: {  	_ =	shalt  }
0x63: {  	_ =	shalt  }
0x64: {  	_ =	shalt  }
0x65: {  	_ =	shalt  }
0x66: {  	_ =	shalt  }
0x67: {  	_ =	shalt  }
0x68: {  	_ =	shalt  }
0x69: {  	_ =	shalt  }
0x6a: {  	_ =	shalt  }
0x6b: {  	_ =	shalt  }
0x6c: {  	_ =	shalt  }
0x6d: {  	_ =	shalt  }
0x6e: {  	_ =	shalt  }
0x6f: {  	_ =	shalt  }
0x70: {  	_ =	shalt  }
0x71: {  	_ =	shalt  }
0x72: {  	_ =	shalt  }
0x73: {  	_ =	shalt  }
0x74: {  	_ =	shalt  }
0x75: {  	_ =	shalt  }
0x76: {  	_ =	shalt  }
0x77: {  	_ =	shalt  }
0x78: {  	_ =	shalt  }
0x79: {  	_ =	shalt  }
0x7a: {  	_ =	shalt  }
0x7b: {  	_ =	shalt  }
0x7c: {  	_ =	shalt  }
0x7d: {  	_ =	shalt  }
0x7e: {  	_ =	shalt  }
0x7f: {  	_ =	shalt  }
0x80: {  	_ =	shalt  }
0x81: {  	_ =	shalt  }
0x82: {  	_ =	shalt  }
0x83: {  	_ =	shalt  }
0x84: {  	_ =	shalt  }
0x85: {  	_ =	shalt  }
0x86: {  	_ =	shalt  }
0x87: {  	_ =	shalt  }
.Lfunc_end0:
.L_simem_size_0:
called_computation_lowered:
.L_overlay_start_0:
0x88: {  	s2 =	sld [smem:$0x3FD9]  }
0x89: {  	s3 =	sld [smem:$0x3FFE];
	_ =	sdelay $0x1  }
0x8a: {  	s1 =	srdreg.scid  }
0x8b: {  	s0 =	sand.u32 $0x1, s1  }
0x8c: {  	s16 =	sshll.u32 s0, $0xA;
	s2 =	sadd.s32 s3, s2  }
0x8d: {  	s2 =	sadd.s32 s2, s16  }
0x8e: {  	[smem:$0x3FBE] =	sst s2  }
0x8f: {  	_ = 	snop  }
0x90: {  	(tm) =	ssettm $0x1  }
0x91: {  	s17 =	sld [smem:$0x3FFB];
	_ =	sdelay $0x3  }
0x92: {  	_ =	strace s17  }
0x93: {  	s2 =	sld [smem:$0x3FFC];
	_ =	sdelay $0x3  }
0x94: {  	_ =	strace s2  }
0x95: {  	s2 =	sld [smem:$0x3FFD];
	_ =	sdelay $0x3  }
0x96: {  	_ =	strace s2  }
0x97: {  	_ =	strace $0x8FFFFFFF  }
0x98: {  	s18 =	sld [smem:$0x3FDB];
	_ =	sdelay $0x1  }
0x99: {  	s19 =	simm.s32 $_scs_section_size  }
0x9a: {  	s4 =	simm.s32 $_size__tile_overlayer_lowered;
	s5 =	simm.s32 $_tile_overlayer_lowered  }
0x9b: {  	s22 =	simm.s32 $0x1BFF;
	s21 =	sshll.u32 s5, $0x1;
	s2 =	sadd.s32 s19, s18  }
0x9c: {  	s6 =	simm.s32 $0x0;
	s20 =	sshll.u32 s4, $0x1;
	s4 =	sadd.s32 s21, s2  }
0x9d: {  	[timem:s6], [sflag:s22] =	dma.local [hbm:s4], s20  }
0x9e: {  	_ =	swait.ge [sflag:s22], s20  }
0x9f: {  	s3 =	ssub.s32 $0x0, s20;
	[sflag:s22] =	ssyncset.done $0x0  }
0xa0: {  	[sflag:s22] =	ssyncadd.s32 s3;
	_ =	sdelay $0x1  }
0xa1: {  	s23 =	simm.s32 $0x1B8B  }
0xa2: {  	_ =	swait.ge [sflag:s23], $0x1  }
0xa3: {  	[sflag:s23] =	ssyncset.done $0x0  }
0xa4: {  	s25 =	simm.s32 $0x1B8E;
	s24 =	sld [smem:$0x3FFE];
	[sflag:s23] =	ssyncadd.s32 $0xFFFFFFFF  }
0xa5: {  	s26 =	simm.s32 $execute0_lowered;
	[smem:$0x3FD2] =	sst s25  }
0xa6: {  	s4 =	sshll.u32 s26, $0x1;
	_ =	strace $0x80000046;
	[dreg:$0x1] =	wrdreg $0xFFFFFFFF  }
0xa7: {  	s28 =	simm.s32 $_size_execute0_lowered;
	s2 =	sadd.s32 s2, s4;
	[dreg:$0x0] =	wrdreg $0x0  }
0xa8: {  	s4 =	sshll.u32 s28, $0x1;
	[dreg:$0x2] =	wrdreg s2  }
0xa9: {  	[dreg:$0x3] =	wrdreg s4  }
0xaa: {  	[dreg:$0x4] =	wrdreg $0xC0  }
0xab: {  	_ =	task [dreg:s6], $0x5FFFF  }
0xac: {  	[dreg:$0x1] =	wrdreg $0xFFFFFFFF  }
0xad: {  	[dreg:$0x0] =	wrdreg $0x60  }
0xae: {  	[dreg:$0x2] =	wrdreg s24  }
0xaf: {  	[dreg:$0x3] =	wrdreg $0x54000  }
0xb0: {  	[dreg:$0x4] =	wrdreg $0x9  }
0xb1: {  	_ =	task.clear_ibuf [dreg:s6], $0x5FFFF;
	_ =	strace $0x90000046  }
0xb2: {  	s29 =	simm.s32 $0x9;
	_ =	strace $0x80000048  }
0xb3: {  	_ =	swait.ge [sflag:s29], $0x1  }
0xb4: {  	[sflag:s29] =	ssyncadd.s32 $0xFFFFFFFF  }
0xb5: {  	_ =	strace $0x90000048  }
0xb6: {  	_ =	sfence  }
0xb7: {  	s30 =	sld [smem:$0x0];
	_ =	sdelay $0x2  }
0xb8: {  	s31 =	sshll.u32 s1, $0xD;
	s1 =	sshrl.u32 s1, $0x2  }
0xb9: {  	s3 =	sand.u32 $0x4000, s31;
	s1 =	sadd.s32 s1, s30  }
0xba: {  	s0 =	sor.u32 s3, s0;
	s1 =	sshll.u32 s1, $0x11  }
0xbb: {  	s0 =	sor.u32 s1, s0  }
0xbc: {  	s0 =	sadd.s32 $0x8F2B, s0  }
0xbd: {  	[sflag:s0] =	ssyncadd.remote.s32 $0x1  }
0xbe: {  	_ =	sfence.sel $0xFFFF  }
0xbf: {  	[dreg:$0x0] =	wrdreg $0xFFFFFFFF;
	(pc) =	sbr.abs _section_cstart, $3  }
0xc0: {  	[dreg:$0x1] =	wrdreg $0xFFFFFFFF  }
0xc1: {  	_ =	task.clear_ibuf [dreg:s6], $0x2FFFF;
	_ =	strace $0x9FFFFFFF  }
0xc2: {  	(tm) =	ssettm $0x7FFFFFFF  }
0xc3: {  	_ =	shalt  }
tec
execute0_lowered:
.L_overlay_start_1:
0x0: {  	(tag) =	ssettag $0x1  }
0x1: {  	s0 =	rddreg [dreg:$0x0]  }
0x2: {  	s1 =	rddreg [dreg:$0x1];
	s2 =	simm.s32 $0x0  }
0x3: {  	s3 =	srdreg.scid;
	s9 =	stileid.u32;
	s18 =	simm.s32 $0x100  }
0x4: {  	s28 =	simm.s32 $0x5;
	s29 =	simm.s32 $0x80;
	s8 =	smul.u32 $0x50000, s9  }
0x5: {  	s30 =	simm.s32 $0x3;
	s3 =	sand.u32 $0x1, s3;
	s15 =	smul.u32 $0xFA0, s9  }
0x6: {  	s31 =	simm.s32 $0x6;
	[smem:$0x7FF] =	sst s2;
	s5 =	smul.u32 $0xFA00, s3  }
0x7: {  	s4 =	sadd.s32 $0x21400, s0;
	s6 =	smul.u32 $0x28000, s3;
	s3 =	ssub.s32 $0x2, s3  }
0x8: {  	s17 =	smul.u32 $0x2800, s9;
	_ =	strace $0x80000047;
	s7 =	sshrl.u32 s3, $0x1  }
0x9: {  	s16 =	sshrl.u32 s8, $0x2;
	s8 =	simm.s32 $0x0;
	s5 =	sadd.s32 s5, s0  }
0xa: {  	s0 =	sadd.s32 s6, s0;
	s3 =	ssub.s32 s3, s7;
	s6 =	simm.s32 $0x280  }
0xb: {  	s14 =	sadd.s32 $0x2000, s5;
	s5 =	sadd.s32 s16, s1;
	s3 =	smax.u32 s3, $0x1  }
0xc: {  	s7 =	simm.s32 $0x380;
	[dreg:$0x3] =	wrdreg s3;
	s19 =	sadd.s32 $0x2800, s5  }
0xd: {  	s0 =	sadd.s32 $0x48600, s0;
	s20 =	sadd.s32 $0x5000, s5;
	[dreg:$0x4] =	wrdreg s19  }
0xe: {  	s16 =	simm.s32 $0x7;
	s21 =	sadd.s32 $0x7800, s5;
	[dreg:$0x5] =	wrdreg s20  }
0xf: {  	s22 =	sadd.s32 $0xA000, s5;
	s23 =	sadd.s32 $0xC800, s5;
	[dreg:$0x6] =	wrdreg s21  }
0x10: {  	s24 =	sadd.s32 $0xF000, s5;
	s25 =	sadd.s32 $0x11800, s5;
	[dreg:$0x7] =	wrdreg s22  }
0x11: {  	s14 =	sadd.s32 s15, s14;
	s15 =	simm.s32 $0x400;
	[dreg:$0x8] =	wrdreg s23  }
.Ltmp0:
0x12: {  	s3 =	simm.s32 $0x4;
	[dreg:$0x9] =	wrdreg s24;
	(pc) =	sbr.rel .LBB2_1-.Ltmp0, $4  }
0x13: {  	[dreg:$0xa] =	wrdreg s25;
	s26 =	sadd.s32 $0x20, s14;
	s19 =	sadd.s32 $0x40, s14  }
0x14: {  	s20 =	simm.s32 $0x200;
	s21 =	simm.s32 $0x300;
	s22 =	simm.s32 $0x1  }
0x15: {  	s23 =	simm.s32 $0x50;
	s24 =	sadd.s32 s17, s0;
	s25 =	simm.s32 $0x2  }
0x16: {  	v0 =	vimm.f32 $0.0e+00;
	s0 =	simm.s32 $0x180;
	[dreg:$0xb] =	wrdreg s26;
	s26 =	simm.s32 $0x2C00  }
.LBB2_6:
0x17: {  	_ =	swait.ge [sflag:s28], $0x2800  }
0x18: {  	[sflag:s28] =	ssyncset.done $0x0  }
0x19: {  	[sflag:s28] =	ssyncadd.s32 $0xFFFFD800  }
0x1a: {  	[spmem:s1] =	stream.indirect.scatter.add.f32 [tilespmem:s15], [sflag:$0x7], $0x80, s29, s23, $0xb8;
	[tilespmem:$0x19400] =	vst v63  }
0x1b: {  	_ =	swait.ge [sflag:s16], $0x2800  }
0x1c: {  	s9 =	stileid.u32;
	[sflag:s16] =	ssyncset.done $0x0  }
0x1d: {  	s9 =	sshll.u32 s9, $0x6;
	[sflag:s16] =	ssyncadd.s32 $0xFFFFD800  }
0x1e: {  	s10 =	sshrl.u32 s5, $0x3;
	s9 =	sor.u32 $0x1C07, s9;
	[bflag:$0x0] =	sbarrier.arrive $0xFFFF  }
0x1f: {  	[hbm:s24], [sflag:s9] =	dma.local [spmem:s10], $0x2800  }
0x20: {  	_ =	swait.ge [sflag:s16], $0x2800  }
0x21: {  	s8 =	sadd.s32 $0x1, s8;
	s17 =	rddreg [dreg:$0x3]  }
0x22: {  	p0 =	sne.s32 s8, s17  }
.Ltmp1:
0x23: {  	_ = 	snop;
	(pc) =	sbr.rel @!p0 .LBB2_7-.Ltmp1, $3  }
0x24: {  	_ =	sdelay $0x1  }
0x25: {  	[sflag:s16] =	ssyncset.done $0x0  }
0x26: {  	[sflag:s16] =	ssyncadd.s32 $0xFFFFD800  }
.LBB2_1:
0x27: {  	s9 =	simm.s32 $0x0;
	s10 =	simm.s32 $0x200  }
.LBB2_2:
0x28: {  	p0 =	sne.s32 s10, $0x9E00;
	[tilespmem:s9+$0x470] =	vst v0  }
0x29: {  	[tilespmem:s9+$0x400] =	vst v0  }
0x2a: {  	[tilespmem:s9+$0x410] =	vst v0  }
.Ltmp2:
0x2b: {  	[tilespmem:s9+$0x420] =	vst v0;
	(pc) =	sbr.rel @p0 .LBB2_2-.Ltmp2, $4  }
0x2c: {  	[tilespmem:s9+$0x430] =	vst v0  }
0x2d: {  	[tilespmem:s9+$0x440] =	vst v0  }
0x2e: {  	[tilespmem:s9+$0x450] =	vst v0  }
0x2f: {  	[tilespmem:s9+$0x460] =	vst v0;
	s9 =	sshra.s32 s10, $0x2;
	s10 =	sadd.s32 $0x200, s10  }
0x30: {  	[tilespmem:s9+$0x470] =	vst v0  }
0x31: {  	[tilespmem:s9+$0x400] =	vst v0  }
0x32: {  	[tilespmem:s9+$0x410] =	vst v0  }
0x33: {  	[tilespmem:s9+$0x420] =	vst v0  }
0x34: {  	[tilespmem:s9+$0x430] =	vst v0  }
0x35: {  	[tilespmem:s9+$0x440] =	vst v0  }
0x36: {  	[tilespmem:s9+$0x450] =	vst v0  }
0x37: {  	[tilespmem:s9+$0x460] =	vst v0  }
0x38: {  	[spmem:s5] =	stream.linear.scatter [tilespmem:s15], [sflag:$0x7], $0x2800, $0x38;
	[tilespmem:$0x19400] =	vst v63  }
0x39: {  	_ =	swait.ge [sflag:s16], $0x2800  }
0x3a: {  	[sflag:s16] =	ssyncset.done $0x0  }
0x3b: {  	s11 =	rddreg [dreg:$0x4];
	[sflag:s16] =	ssyncadd.s32 $0xFFFFD800  }
0x3c: {  	[spmem:s11] =	stream.linear.scatter [tilespmem:s15], [sflag:$0x7], $0x2800, $0x38;
	[tilespmem:$0x19400] =	vst v63  }
0x3d: {  	_ =	swait.ge [sflag:s16], $0x2800  }
0x3e: {  	[sflag:s16] =	ssyncset.done $0x0  }
0x3f: {  	s12 =	rddreg [dreg:$0x5];
	[sflag:s16] =	ssyncadd.s32 $0xFFFFD800  }
0x40: {  	[spmem:s12] =	stream.linear.scatter [tilespmem:s15], [sflag:$0x7], $0x2800, $0x38;
	[tilespmem:$0x19400] =	vst v63  }
0x41: {  	_ =	swait.ge [sflag:s16], $0x2800  }
0x42: {  	[sflag:s16] =	ssyncset.done $0x0  }
0x43: {  	s13 =	rddreg [dreg:$0x6];
	[sflag:s16] =	ssyncadd.s32 $0xFFFFD800  }
0x44: {  	[spmem:s13] =	stream.linear.scatter [tilespmem:s15], [sflag:$0x7], $0x2800, $0x38;
	[tilespmem:$0x19400] =	vst v63  }
0x45: {  	_ =	swait.ge [sflag:s16], $0x2800  }
0x46: {  	[sflag:s16] =	ssyncset.done $0x0  }
0x47: {  	s17 =	rddreg [dreg:$0x7];
	[sflag:s16] =	ssyncadd.s32 $0xFFFFD800  }
0x48: {  	[spmem:s17] =	stream.linear.scatter [tilespmem:s15], [sflag:$0x7], $0x2800, $0x38;
	[tilespmem:$0x19400] =	vst v63  }
0x49: {  	_ =	swait.ge [sflag:s16], $0x2800  }
0x4a: {  	[sflag:s16] =	ssyncset.done $0x0  }
0x4b: {  	s10 =	rddreg [dreg:$0x8];
	[sflag:s16] =	ssyncadd.s32 $0xFFFFD800  }
0x4c: {  	[spmem:s10] =	stream.linear.scatter [tilespmem:s15], [sflag:$0x7], $0x2800, $0x38;
	[tilespmem:$0x19400] =	vst v63  }
0x4d: {  	_ =	swait.ge [sflag:s16], $0x2800  }
0x4e: {  	[sflag:s16] =	ssyncset.done $0x0  }
0x4f: {  	s11 =	rddreg [dreg:$0x9];
	[sflag:s16] =	ssyncadd.s32 $0xFFFFD800  }
0x50: {  	[spmem:s11] =	stream.linear.scatter [tilespmem:s15], [sflag:$0x7], $0x2800, $0x38;
	[tilespmem:$0x19400] =	vst v63  }
0x51: {  	_ =	swait.ge [sflag:s16], $0x2800  }
0x52: {  	[sflag:s16] =	ssyncset.done $0x0  }
0x53: {  	s12 =	rddreg [dreg:$0xa];
	[sflag:s16] =	ssyncadd.s32 $0xFFFFD800  }
0x54: {  	[spmem:s12] =	stream.linear.scatter [tilespmem:s15], [sflag:$0x7], $0x2800, $0x38;
	[tilespmem:$0x19400] =	vst v63  }
0x55: {  	_ =	swait.ge [sflag:s16], $0x2800  }
0x56: {  	[sflag:s16] =	ssyncset.done $0x0  }
0x57: {  	[sflag:s16] =	ssyncadd.s32 $0xFFFFD800  }
0x58: {  	[bflag:$0x0] =	sbarrier.arrive $0xFFFF  }
0x59: {  	[tilespmem:s2], [sflag:$0x1] =	stream.linear.gather [hbm4b:s14+s2], $0x100, $0x38;
	[tilespmem:$0x19400] =	vst v63  }
0x5a: {  	s13 =	rddreg [dreg:$0xb]  }
0x5b: {  	[tilespmem:s18], [sflag:$0x2] =	stream.linear.gather [hbm4b:s13+s2], $0x100, $0x38;
	[tilespmem:$0x19400] =	vst v63  }
0x5c: {  	_ = 	snop  }
0x5d: {  	[tilespmem:s20], [sflag:$0x3] =	stream.linear.gather [hbm4b:s19+s2], $0x100, $0x38;
	[tilespmem:$0x19400] =	vst v63  }
0x5e: {  	s17 =	sadd.s32 $0x60, s14  }
0x5f: {  	[tilespmem:s21], [sflag:$0x4] =	stream.linear.gather [hbm4b:s17+s2], $0x100, $0x38;
	[tilespmem:$0x19400] =	vst v63  }
0x60: {  	_ =	swait.ge [sflag:s22], $0x100  }
0x61: {  	[sflag:s22] =	ssyncset.done $0x0  }
0x62: {  	[sflag:s22] =	ssyncadd.s32 $0xFFFFFF00  }
0x63: {  	[tilespmem:s15], [sflag:$0x5] =	stream.indirect.gather [hbm4b:s4+s23], $0x80, s2, s23, $0xb8;
	[tilespmem:$0x19400] =	vst v63  }
0x64: {  	_ =	swait.ge [sflag:s25], $0x100  }
0x65: {  	[sflag:s25] =	ssyncset.done $0x0  }
0x66: {  	s9 =	simm.s32 $0xFFFFF100;
	[sflag:s25] =	ssyncadd.s32 $0xFFFFFF00  }
0x67: {  	[tilespmem:s26], [sflag:$0x6] =	stream.indirect.gather [hbm4b:s4+s23], $0x80, s18, s23, $0xb8;
	[tilespmem:$0x19400] =	vst v63  }
.LBB2_4:
0x68: {  	_ =	swait.ge [sflag:s28], $0x2800  }
0x69: {  	[sflag:s28] =	ssyncset.done $0x0  }
0x6a: {  	[sflag:s28] =	ssyncadd.s32 $0xFFFFD800  }
0x6b: {  	[spmem:s1] =	stream.indirect.scatter.add.f32 [tilespmem:s15], [sflag:$0x7], $0x80, s29, s23, $0xb8;
	[tilespmem:$0x19400] =	vst v63  }
0x6c: {  	_ =	swait.ge [sflag:s16], $0x2800  }
0x6d: {  	s10 =	sadd.s32 s9, s14;
	[sflag:s16] =	ssyncset.done $0x0  }
0x6e: {  	s11 =	sadd.s32 $0xF80, s10;
	[sflag:s16] =	ssyncadd.s32 $0xFFFFD800  }
0x6f: {  	[tilespmem:s2], [sflag:$0x1] =	stream.linear.gather [hbm4b:s11+s2], $0x100, $0x38;
	[tilespmem:$0x19400] =	vst v63  }
0x70: {  	_ =	swait.ge [sflag:s30], $0x100  }
0x71: {  	[sflag:s30] =	ssyncset.done $0x0  }
0x72: {  	[sflag:s30] =	ssyncadd.s32 $0xFFFFFF00  }
0x73: {  	[tilespmem:s15], [sflag:$0x5] =	stream.indirect.gather [hbm4b:s4+s23], $0x80, s20, s23, $0xb8;
	[tilespmem:$0x19400] =	vst v63  }
0x74: {  	_ =	swait.ge [sflag:s31], $0x2800  }
0x75: {  	[sflag:s31] =	ssyncset.done $0x0  }
0x76: {  	[sflag:s31] =	ssyncadd.s32 $0xFFFFD800  }
0x77: {  	[spmem:s1] =	stream.indirect.scatter.add.f32 [tilespmem:s26], [sflag:$0x7], $0x80, s0, s23, $0xb8;
	[tilespmem:$0x19400] =	vst v63  }
0x78: {  	p0 =	seq.s32 s9, $0x0;
	_ =	swait.ge [sflag:s16], $0x2800  }
0x79: {  	s13 =	simm.s32 @!p0 $0x0;
	s11 =	sadd.s32 @!p0 s9, s14;
	[sflag:s16] =	ssyncset.done $0x0  }
0x7a: {  	s17 =	simm.s32 @!p0 $0x100;
	s12 =	sadd.s32 @!p0 $0xFA0, s11;
	[sflag:s16] =	ssyncadd.s32 $0xFFFFD800  }
0x7b: {  	[tilespmem:s17], [sflag:$0x2] =	stream.linear.gather @!p0 [hbm4b:s12+s13], $0x100, $0x38;
	[tilespmem:$0x19400] =	vst v63  }
0x7c: {  	_ =	swait.ge [sflag:s3], $0x100  }
0x7d: {  	[sflag:s3] =	ssyncset.done $0x0  }
0x7e: {  	[sflag:s3] =	ssyncadd.s32 $0xFFFFFF00  }
0x7f: {  	[tilespmem:s26], [sflag:$0x6] =	stream.indirect.gather [hbm4b:s4+s23], $0x80, s21, s23, $0xb8;
	[tilespmem:$0x19400] =	vst v63  }
0x80: {  	_ =	swait.ge [sflag:s28], $0x2800  }
0x81: {  	[sflag:s28] =	ssyncset.done $0x0  }
0x82: {  	[sflag:s28] =	ssyncadd.s32 $0xFFFFD800  }
0x83: {  	[spmem:s1] =	stream.indirect.scatter.add.f32 [tilespmem:s15], [sflag:$0x7], $0x80, s6, s23, $0xb8;
	[tilespmem:$0x19400] =	vst v63  }
0x84: {  	_ =	swait.ge [sflag:s16], $0x2800  }
0x85: {  	[sflag:s16] =	ssyncset.done $0x0  }
0x86: {  	s11 =	sadd.s32 @!p0 $0xFC0, s11;
	s12 =	simm.s32 @!p0 $0x200;
	[sflag:s16] =	ssyncadd.s32 $0xFFFFD800  }
0x87: {  	[tilespmem:s12], [sflag:$0x3] =	stream.linear.gather @!p0 [hbm4b:s11+s13], $0x100, $0x38;
	[tilespmem:$0x19400] =	vst v63  }
0x88: {  	_ =	swait.ge [sflag:s22], $0x100  }
0x89: {  	[sflag:s22] =	ssyncset.done $0x0  }
0x8a: {  	[sflag:s22] =	ssyncadd.s32 $0xFFFFFF00  }
0x8b: {  	[tilespmem:s15], [sflag:$0x5] =	stream.indirect.gather [hbm4b:s4+s23], $0x80, s2, s23, $0xb8;
	[tilespmem:$0x19400] =	vst v63  }
0x8c: {  	_ =	swait.ge [sflag:s31], $0x2800  }
0x8d: {  	[sflag:s31] =	ssyncset.done $0x0  }
.Ltmp3:
0x8e: {  	[sflag:s31] =	ssyncadd.s32 $0xFFFFD800;
	(pc) =	sbr.rel @p0 .LBB2_6-.Ltmp3, $4  }
0x8f: {  	[spmem:s1] =	stream.indirect.scatter.add.f32 [tilespmem:s26], [sflag:$0x7], $0x80, s7, s23, $0xb8;
	[tilespmem:$0x19400] =	vst v63  }
0x90: {  	_ =	swait.ge [sflag:s16], $0x2800  }
0x91: {  	[sflag:s16] =	ssyncset.done $0x0  }
0x92: {  	[sflag:s16] =	ssyncadd.s32 $0xFFFFD800  }
0x93: {  	s10 =	sadd.s32 $0xFE0, s10  }
0x94: {  	[tilespmem:s21], [sflag:$0x4] =	stream.linear.gather [hbm4b:s10+s2], $0x100, $0x38;
	[tilespmem:$0x19400] =	vst v63  }
.Ltmp4:
0x95: {  	_ = 	snop;
	(pc) =	sbr.rel .LBB2_4-.Ltmp4, $4  }
0x96: {  	_ =	swait.ge [sflag:s25], $0x100  }
0x97: {  	[sflag:s25] =	ssyncset.done $0x0  }
0x98: {  	s9 =	sadd.s32 $0x80, s9;
	[sflag:s25] =	ssyncadd.s32 $0xFFFFFF00  }
0x99: {  	[tilespmem:s26], [sflag:$0x6] =	stream.indirect.gather [hbm4b:s4+s23], $0x80, s18, s23, $0xb8;
	[tilespmem:$0x19400] =	vst v63  }
.LBB2_7:
0x9a: {  	_ =	sfence.sel $0x180000  }
0x9b: {  	[bflag:$0x0] =	sbarrier.arrive $0xFFFF  }
0x9c: {  	_ =	strace $0x90000047  }
0x9d: {  	s0 =	stileid.u32;
	[bflag:$0x2] =	sbarrier.arrive $0xFFFF  }
0x9e: {  	p0 =	sne.s32 s0, $0x0;
	s0 =	rddreg [dreg:$0x2]  }
0x9f: {  	s0 =	sadd.s32 @!p0 $0x100000, s0  }
0xa0: {  	[sflag:s0] =	ssyncadd.tile.s32 @!p0 $0x1;
	_ =	shalt  }
.Lfunc_end2:
_tile_overlayer_lowered:
.L_overlay_start_2:
0xa1: {  	(tag) =	ssettag $0x2  }
0xa2: {  	s0 =	rddreg [dreg:$0x0];
	s2 =	stileid.u32  }
0xa3: {  	s1 =	rddreg [dreg:$0x1];
	p0 =	sne.s32 s2, $0x0  }
0xa4: {  	s3 =	rddreg [dreg:$0x2];
	[bflag:$0x3] =	sbarrier.arrive $0xFFFF;
	s2 =	simm.s32 @!p0 $0x1C07  }
0xa5: {  	[timem:s3], [sflag:s2] =	dma.local @!p0 [hbm:s0], s1  }
0xa6: {  	s0 =	simm.s32 @!p0 $0x7  }
0xa7: {  	_ =	swait.ge @!p0 [sflag:s0], s1  }
0xa8: {  	s1 =	ssub.s32 @!p0 $0x0, s1;
	[sflag:s0] =	ssyncset.done @!p0 $0x0  }
0xa9: {  	[sflag:s0] =	ssyncadd.s32 @!p0 s1  }
0xaa: {  	[bflag:$0x3] =	sbarrier.arrive $0xFFFF  }
0xab: {  	_ =	shalt  }

</sc_bundles>
